<compile_context>
chip_gen: v7x
topology: tpu7x:2x2x1
jax: 0.10.2.dev20260603
libtpu: 0.0.44.dev20260713+nightly
codegen_flags: <defaults>
</compile_context>

<pallas_src>
import functools

import jax
import jax.numpy as jnp
from jax import lax
from jax.experimental import pallas as pl
from jax.experimental.pallas import tpu as pltpu
from jax.experimental.pallas import tpu_sc as plsc

VOCAB = 1000000
EMBED = 64
EMBED_PAD = 128
NUM_CLASSES = 16
BATCH = 4096
SEQ = 200

NC = 2
NS = 16
NW = NC * NS
B_PER_W = BATCH // NW
LANES = 16
QV = EMBED // LANES
UNROLL = 8
SEQ_PAD = 256
IDX_PER_W = B_PER_W * SEQ_PAD
PW_PER_ROW = 8
PW_PER_W = B_PER_W * PW_PER_ROW


C_PACK = 8192
P_BLK = C_PACK // 2
N_GRID = (VOCAB + C_PACK - 1) // C_PACK
N_ROWS = N_GRID * P_BLK


def _pack_body(in_ref, o_ref):
    x = in_ref[...]
    o_ref[:, :EMBED] = jnp.transpose(x[:, :P_BLK], (1, 0))
    o_ref[:, EMBED:] = jnp.transpose(x[:, P_BLK:], (1, 0))


def _pack(tblT):
    return pl.pallas_call(
        _pack_body,
        grid=(N_GRID,),
        in_specs=[pl.BlockSpec((EMBED, C_PACK), lambda i: (0, i))],
        out_specs=pl.BlockSpec((P_BLK, EMBED_PAD), lambda i: (i, 0)),
        out_shape=jax.ShapeDtypeStruct((N_ROWS, EMBED_PAD), jnp.float32),
    )(tblT)


def _pool_body(xp_hbm, pw_hbm, tbl_hbm, out_hbm, idx_v, pw_v, rows_v,
               pooled_v, sem0, sem1, sem2):
    wid = lax.axis_index("s") * NC + lax.axis_index("c")
    base = wid * B_PER_W

    pltpu.sync_copy(xp_hbm.at[pl.ds(wid * IDX_PER_W, IDX_PER_W)], idx_v)
    pltpu.sync_copy(
        pw_hbm.at[pl.ds(wid * PW_PER_W, PW_PER_W)],
        pw_v.at[pl.ds(0, PW_PER_W)],
    )

    sems = (sem0, sem1, sem2)
    NBUF = 3

    def idx_slice(i):
        off = pl.multiple_of(i * SEQ_PAD, SEQ_PAD)
        return idx_v.at[pl.ds(off, SEQ)]

    pltpu.async_copy(tbl_hbm.at[idx_slice(0)], rows_v.at[0], sem0)
    pltpu.async_copy(tbl_hbm.at[idx_slice(1)], rows_v.at[1], sem1)

    neg_inf = jnp.full((LANES,), -jnp.inf, dtype=jnp.float32)

    def do_row(i, b):
        pltpu.make_async_copy(
            tbl_hbm.at[idx_slice(0)], rows_v.at[b], sems[b]
        ).wait()

        @pl.when(i + 2 < B_PER_W)
        def _():
            nb = (b + 2) % NBUF
            pltpu.async_copy(
                tbl_hbm.at[idx_slice(i + 2)], rows_v.at[nb], sems[nb]
            )

        def red(t, accs):
            a = list(accs)
            j0 = t * UNROLL
            w = pw_v[pl.ds(i * PW_PER_ROW + t // 4, LANES)][0]
            s0 = (t % 4) * UNROLL
            for u in range(UNROLL):
                colbase = ((w >> (s0 + u)) & 1) * EMBED
                for q in range(QV):
                    a[q] = jnp.maximum(
                        a[q],
                        rows_v[b, j0 + u,
                               pl.ds(colbase + q * LANES, LANES)],
                    )
            return tuple(a)

        accs = lax.fori_loop(
            0, SEQ // UNROLL, red, (neg_inf,) * QV, unroll=False
        )
        for q in range(QV):
            pooled_v[i, pl.ds(q * LANES, LANES)] = accs[q]

    def outer(g, carry):
        for b in range(NBUF):
            do_row(g * NBUF + b, b)
        return carry

    lax.fori_loop(0, B_PER_W // NBUF, outer, 0, unroll=False)
    for i in range(B_PER_W - B_PER_W % NBUF, B_PER_W):
        do_row(i, i % NBUF)

    pltpu.sync_copy(pooled_v, out_hbm.at[pl.ds(base, B_PER_W)])


_pool = functools.partial(
    pl.kernel,
    out_type=jax.ShapeDtypeStruct((BATCH, EMBED_PAD), jnp.float32),
    mesh=plsc.VectorSubcoreMesh(core_axis_name="c", subcore_axis_name="s"),
    scratch_types=[
        pltpu.VMEM((IDX_PER_W,), jnp.int32),
        pltpu.VMEM((PW_PER_W + LANES,), jnp.int32),
        pltpu.VMEM((3, SEQ, EMBED_PAD), jnp.float32),
        pltpu.VMEM((B_PER_W, EMBED_PAD), jnp.float32),
        pltpu.SemaphoreType.DMA,
        pltpu.SemaphoreType.DMA,
        pltpu.SemaphoreType.DMA,
    ],
)(_pool_body)


def _mlp_body(p_ref, w1_ref, b1_ref, w2_ref, b2_ref, o_ref):
    pooled = p_ref[...][:, :EMBED]
    h = jnp.maximum(
        jnp.dot(pooled, w1_ref[...], preferred_element_type=jnp.float32)
        + b1_ref[...],
        0.0,
    )
    o_ref[...] = (
        jnp.dot(h, w2_ref[...], preferred_element_type=jnp.float32)
        + b2_ref[...]
    )


def kernel(x, table, W1, b1, W2, b2):
    xi = x.astype(jnp.int32)
    j = xi & (C_PACK - 1)
    xp_full = ((xi >> 13) << 12) | (j & (P_BLK - 1))
    xp = jnp.pad(xp_full, ((0, 0), (0, SEQ_PAD - SEQ)))
    par = jnp.pad((j >> 12).astype(jnp.uint32), ((0, 0), (0, 224 - SEQ)))
    shifts = jnp.arange(32, dtype=jnp.uint32)
    pw = jnp.sum(par.reshape(BATCH, 7, 32) << shifts, axis=-1,
                 dtype=jnp.uint32)
    pw = jnp.pad(pw, ((0, 0), (0, PW_PER_ROW - 7))).astype(jnp.int32)
    tbl2 = _pack(table.T)
    pooled = _pool(xp.reshape(-1), pw.reshape(-1), tbl2)
    out = pl.pallas_call(
        _mlp_body,
        out_shape=jax.ShapeDtypeStruct((BATCH, NUM_CLASSES), jnp.float32),
    )(pooled, W1, b1.reshape(1, EMBED), W2, b2.reshape(1, NUM_CLASSES))
    return out

# --- scband reference (transcript-rebuilt; emitter-appended) ---
"""Pipeline reference for scband-fast-text-model-79774722556485 (READ-ONLY COPY).

The authoritative reference and input builder live on the scoring server;
editing this copy changes nothing except your own understanding.
"""

import jax, jax.numpy as jnp
import numpy as np

VOCAB = 1000000
EMBED = 64
NUM_CLASSES = 16
BATCH = 4096
SEQ = 200

def setup_inputs(seed: int = 0) -> dict:
    key = jax.random.key(seed)
    k1, k2, k3, k4, k5 = jax.random.split(key, 5)
    x = jax.random.randint(k1, (BATCH, SEQ), 0, VOCAB, dtype=jnp.int64)
    table = jax.random.normal(k2, (VOCAB, EMBED), dtype=jnp.float32) * 0.02
    W1 = jax.random.normal(k3, (EMBED, EMBED), dtype=jnp.float32) * 0.05
    b1 = jnp.zeros((EMBED,), dtype=jnp.float32)
    W2 = jax.random.normal(k4, (EMBED, NUM_CLASSES), dtype=jnp.float32) * 0.05
    b2 = jnp.zeros((NUM_CLASSES,), dtype=jnp.float32)
    return {"x": x, "table": table, "W1": W1, "b1": b1, "W2": W2, "b2": b2}

def reference(x, table, W1, b1, W2, b2):
    # nn.Embedding: gather rows of the table
    emb = jnp.take(table, x, axis=0)          # [B, L, D]
    # out.max(dim=1).values
    pooled = jnp.max(emb, axis=1)             # [B, D]
    # fc1 + relu (dropout is identity in eval mode)
    h = jax.nn.relu(pooled @ W1 + b1)         # [B, D]
    # fc2
    out = h @ W2 + b2                         # [B, num_classes]
    return out

if __name__ == "__main__":
    import jax
    _d = setup_inputs()
    print(jax.jit(kernel)(*tuple(_d.values())))

</pallas_src>

<mosaic_0001>
#map = affine_map<(d0, d1) -> (0)>
#map1 = affine_map<(d0, d1) -> (0, 0)>
module attributes {stable_mosaic.version = 14 : i64} {
  func.func @_pool_body(%arg0: i32, %arg1: i32, %arg2: memref<1048576xi32, #tpu.memory_space<hbm>>, %arg3: memref<32768xi32, #tpu.memory_space<hbm>>, %arg4: memref<503808x128xf32, #tpu.memory_space<hbm>>, %arg5: memref<4096x128xf32, #tpu.memory_space<hbm>>, %arg6: memref<32768xi32, #tpu.memory_space<vmem>>, %arg7: memref<1040xi32, #tpu.memory_space<vmem>>, %arg8: memref<3x200x128xf32, #tpu.memory_space<vmem>>, %arg9: memref<128x128xf32, #tpu.memory_space<vmem>>, %arg10: memref<!tpu.dma_semaphore, #tpu.memory_space<semaphore_mem>>, %arg11: memref<!tpu.dma_semaphore, #tpu.memory_space<semaphore_mem>>, %arg12: memref<!tpu.dma_semaphore, #tpu.memory_space<semaphore_mem>>) attributes {dimension_semantics = [#tpu.dimension_semantics<core_parallel>, #tpu.dimension_semantics<subcore_parallel>], iteration_bounds = array<i64: 2, 16>, scalar_prefetch = 0 : i64, scratch_operands = 7 : i64, tpu.core_type = #tpu.core_type<sc_vector_subcore>, window_params = [{transform_indices = #map}, {transform_indices = #map}, {transform_indices = #map1}, {transform_indices = #map1}]} {
    %mul3A = arith.constant 2 : i32
    %mul3A_0 = arith.muli %arg1, %mul3A : i32
    %add3A = arith.addi %mul3A_0, %arg0 : i32
    %mul3A_1 = arith.constant 128 : i32
    %mul3A_2 = arith.muli %add3A, %mul3A_1 : i32
    %mul3A_3 = arith.constant 32768 : i32
    %mul3A_4 = arith.muli %add3A, %mul3A_3 : i32
    "tpu.region"() ({
      %run_scoped3A = tpu.sem_alloc : memref<!tpu.dma_semaphore, #tpu.memory_space<semaphore_mem>>
      %dma_start3A_113 = tpu.memref_slice %arg2[%mul3A_4] : memref<1048576xi32, #tpu.memory_space<hbm>> -> memref<32768xi32, #tpu.memory_space<hbm>>
      %dma_start3A_114 = tpu.memref_slice %arg2[%mul3A_4] : memref<1048576xi32, #tpu.memory_space<hbm>> -> memref<32768xi32, #tpu.memory_space<hbm>>
      tpu.enqueue_dma source(%dma_start3A_114 : memref<32768xi32, #tpu.memory_space<hbm>>) target(%arg6 : memref<32768xi32, #tpu.memory_space<vmem>>) target_semaphore(%run_scoped3A : memref<!tpu.dma_semaphore, #tpu.memory_space<semaphore_mem>>)
      %dma_wait3A_115 = tpu.memref_slice %arg2[%mul3A_4] : memref<1048576xi32, #tpu.memory_space<hbm>> -> memref<32768xi32, #tpu.memory_space<hbm>>
      %dma_wait3A_116 = tpu.memref_slice %arg2[%mul3A_4] : memref<1048576xi32, #tpu.memory_space<hbm>> -> memref<32768xi32, #tpu.memory_space<hbm>>
      tpu.wait_dma2 semaphore(%run_scoped3A : memref<!tpu.dma_semaphore, #tpu.memory_space<semaphore_mem>>) src(%dma_wait3A_116 : memref<32768xi32, #tpu.memory_space<hbm>>) dst(%arg6 : memref<32768xi32, #tpu.memory_space<vmem>>)
      tpu.yield
    }) : () -> ()
    %mul3A_5 = arith.constant 1024 : i32
    %mul3A_6 = arith.muli %add3A, %mul3A_5 : i32
    "tpu.region"() ({
      %run_scoped3A = tpu.sem_alloc : memref<!tpu.dma_semaphore, #tpu.memory_space<semaphore_mem>>
      %dma_start3A_113 = arith.constant 0 : i32
      %dma_start3A_114 = tpu.memref_slice %arg7[%dma_start3A_113] : memref<1040xi32, #tpu.memory_space<vmem>> -> memref<1024xi32, #tpu.memory_space<vmem>>
      %dma_start3A_115 = tpu.memref_slice %arg3[%mul3A_6] : memref<32768xi32, #tpu.memory_space<hbm>> -> memref<1024xi32, #tpu.memory_space<hbm>>
      %dma_start3A_116 = arith.constant 0 : i32
      %dma_start3A_117 = tpu.memref_slice %arg7[%dma_start3A_116] : memref<1040xi32, #tpu.memory_space<vmem>> -> memref<1024xi32, #tpu.memory_space<vmem>>
      %dma_start3A_118 = tpu.memref_slice %arg3[%mul3A_6] : memref<32768xi32, #tpu.memory_space<hbm>> -> memref<1024xi32, #tpu.memory_space<hbm>>
      tpu.enqueue_dma source(%dma_start3A_118 : memref<1024xi32, #tpu.memory_space<hbm>>) target(%dma_start3A_117 : memref<1024xi32, #tpu.memory_space<vmem>>) target_semaphore(%run_scoped3A : memref<!tpu.dma_semaphore, #tpu.memory_space<semaphore_mem>>)
      %dma_wait3A_119 = arith.constant 0 : i32
      %dma_wait3A_120 = tpu.memref_slice %arg7[%dma_wait3A_119] : memref<1040xi32, #tpu.memory_space<vmem>> -> memref<1024xi32, #tpu.memory_space<vmem>>
      %dma_wait3A_121 = tpu.memref_slice %arg3[%mul3A_6] : memref<32768xi32, #tpu.memory_space<hbm>> -> memref<1024xi32, #tpu.memory_space<hbm>>
      %dma_wait3A_122 = arith.constant 0 : i32
      %dma_wait3A_123 = tpu.memref_slice %arg7[%dma_wait3A_122] : memref<1040xi32, #tpu.memory_space<vmem>> -> memref<1024xi32, #tpu.memory_space<vmem>>
      %dma_wait3A_124 = tpu.memref_slice %arg3[%mul3A_6] : memref<32768xi32, #tpu.memory_space<hbm>> -> memref<1024xi32, #tpu.memory_space<hbm>>
      tpu.wait_dma2 semaphore(%run_scoped3A : memref<!tpu.dma_semaphore, #tpu.memory_space<semaphore_mem>>) src(%dma_wait3A_124 : memref<1024xi32, #tpu.memory_space<hbm>>) dst(%dma_wait3A_123 : memref<1024xi32, #tpu.memory_space<vmem>>)
      tpu.yield
    }) : () -> ()
    %multiple_of3A = arith.constant 0 : i32
    %multiple_of3A_7 = tpu.assume_multiple %multiple_of3A, 256 : i32
    %dma_start3A = arith.constant 0 : i32
    %dma_start3A_8 = arith.constant 0 : i32
    %dma_start3A_9 = arith.constant 0 : i32
    %dma_start3A_10 = tpu.memref_slice %arg8[%dma_start3A, %dma_start3A_8, %dma_start3A_9] : memref<3x200x128xf32, #tpu.memory_space<vmem>> -> memref<1x200x128xf32, #tpu.memory_space<vmem>>
    %dma_start3A_11 = tpu.memref_squeeze %dma_start3A_10 : memref<1x200x128xf32, #tpu.memory_space<vmem>> -> memref<200x128xf32, #tpu.memory_space<vmem>>
    %dma_start3A_12 = tpu.memref_slice %arg6[%multiple_of3A_7] : memref<32768xi32, #tpu.memory_space<vmem>> -> memref<200xi32, #tpu.memory_space<vmem>>
    %dma_start3A_13 = arith.constant 0 : i32
    %dma_start3A_14 = arith.constant 0 : i32
    %dma_start3A_15 = tpu.memref_slice %arg4[%dma_start3A_13, %dma_start3A_14] : memref<503808x128xf32, #tpu.memory_space<hbm>> -> memref<503808x128xf32, #tpu.memory_space<hbm>>
    tpu.enqueue_indirect_dma source(%dma_start3A_15 : memref<503808x128xf32, #tpu.memory_space<hbm>>) target(%dma_start3A_11 : memref<200x128xf32, #tpu.memory_space<vmem>>) offsets(%dma_start3A_12 : memref<200xi32, #tpu.memory_space<vmem>>) semaphore(%arg10 : memref<!tpu.dma_semaphore, #tpu.memory_space<semaphore_mem>>)
    %multiple_of3A_16 = arith.constant 256 : i32
    %multiple_of3A_17 = tpu.assume_multiple %multiple_of3A_16, 256 : i32
    %dma_start3A_18 = arith.constant 1 : i32
    %dma_start3A_19 = arith.constant 0 : i32
    %dma_start3A_20 = arith.constant 0 : i32
    %dma_start3A_21 = tpu.memref_slice %arg8[%dma_start3A_18, %dma_start3A_19, %dma_start3A_20] : memref<3x200x128xf32, #tpu.memory_space<vmem>> -> memref<1x200x128xf32, #tpu.memory_space<vmem>>
    %dma_start3A_22 = tpu.memref_squeeze %dma_start3A_21 : memref<1x200x128xf32, #tpu.memory_space<vmem>> -> memref<200x128xf32, #tpu.memory_space<vmem>>
    %dma_start3A_23 = tpu.memref_slice %arg6[%multiple_of3A_17] : memref<32768xi32, #tpu.memory_space<vmem>> -> memref<200xi32, #tpu.memory_space<vmem>>
    %dma_start3A_24 = arith.constant 0 : i32
    %dma_start3A_25 = arith.constant 0 : i32
    %dma_start3A_26 = tpu.memref_slice %arg4[%dma_start3A_24, %dma_start3A_25] : memref<503808x128xf32, #tpu.memory_space<hbm>> -> memref<503808x128xf32, #tpu.memory_space<hbm>>
    tpu.enqueue_indirect_dma source(%dma_start3A_26 : memref<503808x128xf32, #tpu.memory_space<hbm>>) target(%dma_start3A_22 : memref<200x128xf32, #tpu.memory_space<vmem>>) offsets(%dma_start3A_23 : memref<200xi32, #tpu.memory_space<vmem>>) semaphore(%arg11 : memref<!tpu.dma_semaphore, #tpu.memory_space<semaphore_mem>>)
    %broadcast_in_dim3A = arith.constant 0xFF800000 : f32
    %broadcast_in_dim3A_27 = vector.broadcast %broadcast_in_dim3A : f32 to vector<16xf32>
    %scan3A = arith.constant 0 : i32
    %scan3A_28 = arith.constant 0 : i32
    %scan3A_29 = arith.constant 42 : i32
    %scan3A_30 = arith.addi %scan3A_28, %scan3A_29 : i32
    %scan3A_31 = arith.constant 1 : i32
    scf.for %scan3A_113 = %scan3A_28 to %scan3A_30 step %scan3A_31  : i32 {
      %mul3A_114 = arith.constant 3 : i32
      %mul3A_115 = arith.muli %scan3A_113, %mul3A_114 : i32
      %add3A_116 = arith.constant 0 : i32
      %add3A_117 = arith.addi %mul3A_115, %add3A_116 : i32
      %multiple_of3A_118 = arith.constant 0 : i32
      %multiple_of3A_119 = tpu.assume_multiple %multiple_of3A_118, 256 : i32
      %dma_wait3A_120 = arith.constant 0 : i32
      %dma_wait3A_121 = arith.constant 0 : i32
      %dma_wait3A_122 = arith.constant 0 : i32
      %dma_wait3A_123 = tpu.memref_slice %arg8[%dma_wait3A_120, %dma_wait3A_121, %dma_wait3A_122] : memref<3x200x128xf32, #tpu.memory_space<vmem>> -> memref<1x200x128xf32, #tpu.memory_space<vmem>>
      %dma_wait3A_124 = tpu.memref_squeeze %dma_wait3A_123 : memref<1x200x128xf32, #tpu.memory_space<vmem>> -> memref<200x128xf32, #tpu.memory_space<vmem>>
      %dma_wait3A_125 = tpu.memref_slice %arg6[%multiple_of3A_119] : memref<32768xi32, #tpu.memory_space<vmem>> -> memref<200xi32, #tpu.memory_space<vmem>>
      %dma_wait3A_126 = arith.constant 0 : i32
      %dma_wait3A_127 = arith.constant 0 : i32
      %dma_wait3A_128 = tpu.memref_slice %arg4[%dma_wait3A_126, %dma_wait3A_127] : memref<503808x128xf32, #tpu.memory_space<hbm>> -> memref<503808x128xf32, #tpu.memory_space<hbm>>
      tpu.wait_indirect_dma semaphore(%arg10 : memref<!tpu.dma_semaphore, #tpu.memory_space<semaphore_mem>>) src(%dma_wait3A_128 : memref<503808x128xf32, #tpu.memory_space<hbm>>) dst(%dma_wait3A_124 : memref<200x128xf32, #tpu.memory_space<vmem>>)
      %add3A_129 = arith.constant 2 : i32
      %add3A_130 = arith.addi %add3A_117, %add3A_129 : i32
      %lt3A = arith.constant 128 : i32
      %lt3A_131 = arith.cmpi slt, %add3A_130, %lt3A : i32
      %convert_element_type3A = arith.extui %lt3A_131 : i1 to i32
      %cond3A = arith.constant 0 : i32
      %cond3A_132 = arith.cmpi ne, %convert_element_type3A, %cond3A : i32
      scf.if %cond3A_132 {
        %add3A_255 = arith.constant 2 : i32
        %add3A_256 = arith.addi %add3A_117, %add3A_255 : i32
        %mul3A_257 = arith.constant 256 : i32
        %mul3A_258 = arith.muli %add3A_256, %mul3A_257 : i32
        %multiple_of3A_259 = tpu.assume_multiple %mul3A_258, 256 : i32
        %dma_start3A_260 = arith.constant 2 : i32
        %dma_start3A_261 = arith.constant 0 : i32
        %dma_start3A_262 = arith.constant 0 : i32
        %dma_start3A_263 = tpu.memref_slice %arg8[%dma_start3A_260, %dma_start3A_261, %dma_start3A_262] : memref<3x200x128xf32, #tpu.memory_space<vmem>> -> memref<1x200x128xf32, #tpu.memory_space<vmem>>
        %dma_start3A_264 = tpu.memref_squeeze %dma_start3A_263 : memref<1x200x128xf32, #tpu.memory_space<vmem>> -> memref<200x128xf32, #tpu.memory_space<vmem>>
        %dma_start3A_265 = tpu.memref_slice %arg6[%multiple_of3A_259] : memref<32768xi32, #tpu.memory_space<vmem>> -> memref<200xi32, #tpu.memory_space<vmem>>
        %dma_start3A_266 = arith.constant 0 : i32
        %dma_start3A_267 = arith.constant 0 : i32
        %dma_start3A_268 = tpu.memref_slice %arg4[%dma_start3A_266, %dma_start3A_267] : memref<503808x128xf32, #tpu.memory_space<hbm>> -> memref<503808x128xf32, #tpu.memory_space<hbm>>
        tpu.enqueue_indirect_dma source(%dma_start3A_268 : memref<503808x128xf32, #tpu.memory_space<hbm>>) target(%dma_start3A_264 : memref<200x128xf32, #tpu.memory_space<vmem>>) offsets(%dma_start3A_265 : memref<200xi32, #tpu.memory_space<vmem>>) semaphore(%arg12 : memref<!tpu.dma_semaphore, #tpu.memory_space<semaphore_mem>>)
      } else {
      }
      %scan3A_133 = arith.constant 0 : i32
      %scan3A_134 = arith.constant 25 : i32
      %scan3A_135 = arith.addi %scan3A_133, %scan3A_134 : i32
      %scan3A_136 = arith.constant 1 : i32
      %scan3A_137:4 = scf.for %scan3A_255 = %scan3A_133 to %scan3A_135 step %scan3A_136 iter_args(%scan3A_256 = %broadcast_in_dim3A_27, %scan3A_257 = %broadcast_in_dim3A_27, %scan3A_258 = %broadcast_in_dim3A_27, %scan3A_259 = %broadcast_in_dim3A_27) -> (vector<16xf32>, vector<16xf32>, vector<16xf32>, vector<16xf32>)  : i32 {
        %mul3A_260 = arith.constant 8 : i32
        %mul3A_261 = arith.muli %scan3A_255, %mul3A_260 : i32
        %mul3A_262 = arith.constant 8 : i32
        %mul3A_263 = arith.muli %add3A_117, %mul3A_262 : i32
        %jit3A = arith.constant 4 : i32
        %div3A = arith.divsi %scan3A_255, %jit3A : i32
        %sign3A = arith.constant 0 : i32
        %sign3A_264 = arith.cmpi sgt, %scan3A_255, %sign3A : i32
        %sign3A_265 = arith.extui %sign3A_264 : i1 to i32
        %sign3A_266 = arith.constant 0 : i32
        %sign3A_267 = arith.cmpi slt, %scan3A_255, %sign3A_266 : i32
        %sign3A_268 = arith.extui %sign3A_267 : i1 to i32
        %sign3A_269 = arith.subi %sign3A_265, %sign3A_268 : i32
        %sign3A_270 = arith.constant 0 : i32
        %sign3A_271 = arith.cmpi sgt, %jit3A, %sign3A_270 : i32
        %sign3A_272 = arith.extui %sign3A_271 : i1 to i32
        %sign3A_273 = arith.constant 0 : i32
        %sign3A_274 = arith.cmpi slt, %jit3A, %sign3A_273 : i32
        %sign3A_275 = arith.extui %sign3A_274 : i1 to i32
        %sign3A_276 = arith.subi %sign3A_272, %sign3A_275 : i32
        %ne3A = arith.cmpi ne, %sign3A_269, %sign3A_276 : i32
        %rem3A = arith.remsi %scan3A_255, %jit3A : i32
        %ne3A_277 = arith.constant 0 : i32
        %ne3A_278 = arith.cmpi ne, %rem3A, %ne3A_277 : i32
        %and3A = arith.andi %ne3A, %ne3A_278 : i1
        %sub3A = arith.constant 1 : i32
        %sub3A_279 = arith.subi %div3A, %sub3A : i32
        %select_n3A = arith.select %and3A, %sub3A_279, %div3A : i32
        %add3A_280 = arith.addi %mul3A_263, %select_n3A : i32
        %get3A = arith.index_cast %add3A_280 : i32 to index
        %get3A_281 = tpu.vector_load %arg7[%get3A] {strides = array<i32>} : memref<1040xi32, #tpu.memory_space<vmem>>, vector<16xi32>,
        %get3A_282 = vector.shape_cast %get3A_281 : vector<16xi32> to vector<16xi32>
        %slice3A = vector.extract_strided_slice %get3A_282 {offsets = [0], sizes = [1], strides = [1]} : vector<16xi32> to vector<1xi32>
        %squeeze3A = vector.extract %slice3A[0] : i32 from vector<1xi32>
        %jit3A_283 = arith.constant 4 : i32
        %eq3A = arith.constant 0 : i32
        %eq3A_284 = arith.cmpi eq, %jit3A_283, %eq3A : i32
        %jit3A_285 = arith.constant 1 : i32
        %select_n3A_286 = arith.select %eq3A_284, %jit3A_285, %jit3A_283 : i32
        %rem3A_287 = arith.remsi %scan3A_255, %select_n3A_286 : i32
        %ne3A_288 = arith.constant 0 : i32
        %ne3A_289 = arith.cmpi ne, %rem3A_287, %ne3A_288 : i32
        %lt3A_290 = arith.constant 0 : i32
        %lt3A_291 = arith.cmpi slt, %rem3A_287, %lt3A_290 : i32
        %lt3A_292 = arith.constant 0 : i32
        %lt3A_293 = arith.cmpi slt, %select_n3A_286, %lt3A_292 : i32
        %ne3A_294 = arith.xori %lt3A_291, %lt3A_293 : i1
        %and3A_295 = arith.andi %ne3A_294, %ne3A_289 : i1
        %add3A_296 = arith.addi %rem3A_287, %select_n3A_286 : i32
        %select_n3A_297 = arith.select %and3A_295, %add3A_296, %rem3A_287 : i32
        %mul3A_298 = arith.constant 8 : i32
        %mul3A_299 = arith.muli %select_n3A_297, %mul3A_298 : i32
        %add3A_300 = arith.constant 0 : i32
        %add3A_301 = arith.addi %mul3A_299, %add3A_300 : i32
        %shift_right_arithmetic3A = arith.shrsi %squeeze3A, %add3A_301 : i32
        %and3A_302 = arith.constant 1 : i32
        %and3A_303 = arith.andi %shift_right_arithmetic3A, %and3A_302 : i32
        %mul3A_304 = arith.constant 64 : i32
        %mul3A_305 = arith.muli %and3A_303, %mul3A_304 : i32
        %add3A_306 = arith.constant 0 : i32
        %add3A_307 = arith.addi %mul3A_261, %add3A_306 : i32
        %add3A_308 = arith.constant 0 : i32
        %add3A_309 = arith.addi %mul3A_305, %add3A_308 : i32
        %get3A_310 = arith.constant 0 : i32
        %get3A_311 = arith.index_cast %get3A_310 : i32 to index
        %get3A_312 = arith.index_cast %add3A_307 : i32 to index
        %get3A_313 = arith.index_cast %add3A_309 : i32 to index
        %get3A_314 = tpu.vector_load %arg8[%get3A_311, %get3A_312, %get3A_313] {strides = array<i32>} : memref<3x200x128xf32, #tpu.memory_space<vmem>>, vector<1x1x16xf32>,
        %get3A_315 = vector.shape_cast %get3A_314 : vector<1x1x16xf32> to vector<16xf32>
        %max3A = arith.maximumf %scan3A_256, %get3A_315 : vector<16xf32>
        %add3A_316 = arith.constant 0 : i32
        %add3A_317 = arith.addi %mul3A_261, %add3A_316 : i32
        %add3A_318 = arith.constant 16 : i32
        %add3A_319 = arith.addi %mul3A_305, %add3A_318 : i32
        %get3A_320 = arith.constant 0 : i32
        %get3A_321 = arith.index_cast %get3A_320 : i32 to index
        %get3A_322 = arith.index_cast %add3A_317 : i32 to index
        %get3A_323 = arith.index_cast %add3A_319 : i32 to index
        %get3A_324 = tpu.vector_load %arg8[%get3A_321, %get3A_322, %get3A_323] {strides = array<i32>} : memref<3x200x128xf32, #tpu.memory_space<vmem>>, vector<1x1x16xf32>,
        %get3A_325 = vector.shape_cast %get3A_324 : vector<1x1x16xf32> to vector<16xf32>
        %max3A_326 = arith.maximumf %scan3A_257, %get3A_325 : vector<16xf32>
        %add3A_327 = arith.constant 0 : i32
        %add3A_328 = arith.addi %mul3A_261, %add3A_327 : i32
        %add3A_329 = arith.constant 32 : i32
        %add3A_330 = arith.addi %mul3A_305, %add3A_329 : i32
        %get3A_331 = arith.constant 0 : i32
        %get3A_332 = arith.index_cast %get3A_331 : i32 to index
        %get3A_333 = arith.index_cast %add3A_328 : i32 to index
        %get3A_334 = arith.index_cast %add3A_330 : i32 to index
        %get3A_335 = tpu.vector_load %arg8[%get3A_332, %get3A_333, %get3A_334] {strides = array<i32>} : memref<3x200x128xf32, #tpu.memory_space<vmem>>, vector<1x1x16xf32>,
        %get3A_336 = vector.shape_cast %get3A_335 : vector<1x1x16xf32> to vector<16xf32>
        %max3A_337 = arith.maximumf %scan3A_258, %get3A_336 : vector<16xf32>
        %add3A_338 = arith.constant 0 : i32
        %add3A_339 = arith.addi %mul3A_261, %add3A_338 : i32
        %add3A_340 = arith.constant 48 : i32
        %add3A_341 = arith.addi %mul3A_305, %add3A_340 : i32
        %get3A_342 = arith.constant 0 : i32
        %get3A_343 = arith.index_cast %get3A_342 : i32 to index
        %get3A_344 = arith.index_cast %add3A_339 : i32 to index
        %get3A_345 = arith.index_cast %add3A_341 : i32 to index
        %get3A_346 = tpu.vector_load %arg8[%get3A_343, %get3A_344, %get3A_345] {strides = array<i32>} : memref<3x200x128xf32, #tpu.memory_space<vmem>>, vector<1x1x16xf32>,
        %get3A_347 = vector.shape_cast %get3A_346 : vector<1x1x16xf32> to vector<16xf32>
        %max3A_348 = arith.maximumf %scan3A_259, %get3A_347 : vector<16xf32>
        %add3A_349 = arith.constant 1 : i32
        %add3A_350 = arith.addi %mul3A_299, %add3A_349 : i32
        %shift_right_arithmetic3A_351 = arith.shrsi %squeeze3A, %add3A_350 : i32
        %and3A_352 = arith.constant 1 : i32
        %and3A_353 = arith.andi %shift_right_arithmetic3A_351, %and3A_352 : i32
        %mul3A_354 = arith.constant 64 : i32
        %mul3A_355 = arith.muli %and3A_353, %mul3A_354 : i32
        %add3A_356 = arith.constant 1 : i32
        %add3A_357 = arith.addi %mul3A_261, %add3A_356 : i32
        %add3A_358 = arith.constant 0 : i32
        %add3A_359 = arith.addi %mul3A_355, %add3A_358 : i32
        %get3A_360 = arith.constant 0 : i32
        %get3A_361 = arith.index_cast %get3A_360 : i32 to index
        %get3A_362 = arith.index_cast %add3A_357 : i32 to index
        %get3A_363 = arith.index_cast %add3A_359 : i32 to index
        %get3A_364 = tpu.vector_load %arg8[%get3A_361, %get3A_362, %get3A_363] {strides = array<i32>} : memref<3x200x128xf32, #tpu.memory_space<vmem>>, vector<1x1x16xf32>,
        %get3A_365 = vector.shape_cast %get3A_364 : vector<1x1x16xf32> to vector<16xf32>
        %max3A_366 = arith.maximumf %max3A, %get3A_365 : vector<16xf32>
        %add3A_367 = arith.constant 1 : i32
        %add3A_368 = arith.addi %mul3A_261, %add3A_367 : i32
        %add3A_369 = arith.constant 16 : i32
        %add3A_370 = arith.addi %mul3A_355, %add3A_369 : i32
        %get3A_371 = arith.constant 0 : i32
        %get3A_372 = arith.index_cast %get3A_371 : i32 to index
        %get3A_373 = arith.index_cast %add3A_368 : i32 to index
        %get3A_374 = arith.index_cast %add3A_370 : i32 to index
        %get3A_375 = tpu.vector_load %arg8[%get3A_372, %get3A_373, %get3A_374] {strides = array<i32>} : memref<3x200x128xf32, #tpu.memory_space<vmem>>, vector<1x1x16xf32>,
        %get3A_376 = vector.shape_cast %get3A_375 : vector<1x1x16xf32> to vector<16xf32>
        %max3A_377 = arith.maximumf %max3A_326, %get3A_376 : vector<16xf32>
        %add3A_378 = arith.constant 1 : i32
        %add3A_379 = arith.addi %mul3A_261, %add3A_378 : i32
        %add3A_380 = arith.constant 32 : i32
        %add3A_381 = arith.addi %mul3A_355, %add3A_380 : i32
        %get3A_382 = arith.constant 0 : i32
        %get3A_383 = arith.index_cast %get3A_382 : i32 to index
        %get3A_384 = arith.index_cast %add3A_379 : i32 to index
        %get3A_385 = arith.index_cast %add3A_381 : i32 to index
        %get3A_386 = tpu.vector_load %arg8[%get3A_383, %get3A_384, %get3A_385] {strides = array<i32>} : memref<3x200x128xf32, #tpu.memory_space<vmem>>, vector<1x1x16xf32>,
        %get3A_387 = vector.shape_cast %get3A_386 : vector<1x1x16xf32> to vector<16xf32>
        %max3A_388 = arith.maximumf %max3A_337, %get3A_387 : vector<16xf32>
        %add3A_389 = arith.constant 1 : i32
        %add3A_390 = arith.addi %mul3A_261, %add3A_389 : i32
        %add3A_391 = arith.constant 48 : i32
        %add3A_392 = arith.addi %mul3A_355, %add3A_391 : i32
        %get3A_393 = arith.constant 0 : i32
        %get3A_394 = arith.index_cast %get3A_393 : i32 to index
        %get3A_395 = arith.index_cast %add3A_390 : i32 to index
        %get3A_396 = arith.index_cast %add3A_392 : i32 to index
        %get3A_397 = tpu.vector_load %arg8[%get3A_394, %get3A_395, %get3A_396] {strides = array<i32>} : memref<3x200x128xf32, #tpu.memory_space<vmem>>, vector<1x1x16xf32>,
        %get3A_398 = vector.shape_cast %get3A_397 : vector<1x1x16xf32> to vector<16xf32>
        %max3A_399 = arith.maximumf %max3A_348, %get3A_398 : vector<16xf32>
        %add3A_400 = arith.constant 2 : i32
        %add3A_401 = arith.addi %mul3A_299, %add3A_400 : i32
        %shift_right_arithmetic3A_402 = arith.shrsi %squeeze3A, %add3A_401 : i32
        %and3A_403 = arith.constant 1 : i32
        %and3A_404 = arith.andi %shift_right_arithmetic3A_402, %and3A_403 : i32
        %mul3A_405 = arith.constant 64 : i32
        %mul3A_406 = arith.muli %and3A_404, %mul3A_405 : i32
        %add3A_407 = arith.constant 2 : i32
        %add3A_408 = arith.addi %mul3A_261, %add3A_407 : i32
        %add3A_409 = arith.constant 0 : i32
        %add3A_410 = arith.addi %mul3A_406, %add3A_409 : i32
        %get3A_411 = arith.constant 0 : i32
        %get3A_412 = arith.index_cast %get3A_411 : i32 to index
        %get3A_413 = arith.index_cast %add3A_408 : i32 to index
        %get3A_414 = arith.index_cast %add3A_410 : i32 to index
        %get3A_415 = tpu.vector_load %arg8[%get3A_412, %get3A_413, %get3A_414] {strides = array<i32>} : memref<3x200x128xf32, #tpu.memory_space<vmem>>, vector<1x1x16xf32>,
        %get3A_416 = vector.shape_cast %get3A_415 : vector<1x1x16xf32> to vector<16xf32>
        %max3A_417 = arith.maximumf %max3A_366, %get3A_416 : vector<16xf32>
        %add3A_418 = arith.constant 2 : i32
        %add3A_419 = arith.addi %mul3A_261, %add3A_418 : i32
        %add3A_420 = arith.constant 16 : i32
        %add3A_421 = arith.addi %mul3A_406, %add3A_420 : i32
        %get3A_422 = arith.constant 0 : i32
        %get3A_423 = arith.index_cast %get3A_422 : i32 to index
        %get3A_424 = arith.index_cast %add3A_419 : i32 to index
        %get3A_425 = arith.index_cast %add3A_421 : i32 to index
        %get3A_426 = tpu.vector_load %arg8[%get3A_423, %get3A_424, %get3A_425] {strides = array<i32>} : memref<3x200x128xf32, #tpu.memory_space<vmem>>, vector<1x1x16xf32>,
        %get3A_427 = vector.shape_cast %get3A_426 : vector<1x1x16xf32> to vector<16xf32>
        %max3A_428 = arith.maximumf %max3A_377, %get3A_427 : vector<16xf32>
        %add3A_429 = arith.constant 2 : i32
        %add3A_430 = arith.addi %mul3A_261, %add3A_429 : i32
        %add3A_431 = arith.constant 32 : i32
        %add3A_432 = arith.addi %mul3A_406, %add3A_431 : i32
        %get3A_433 = arith.constant 0 : i32
        %get3A_434 = arith.index_cast %get3A_433 : i32 to index
        %get3A_435 = arith.index_cast %add3A_430 : i32 to index
        %get3A_436 = arith.index_cast %add3A_432 : i32 to index
        %get3A_437 = tpu.vector_load %arg8[%get3A_434, %get3A_435, %get3A_436] {strides = array<i32>} : memref<3x200x128xf32, #tpu.memory_space<vmem>>, vector<1x1x16xf32>,
        %get3A_438 = vector.shape_cast %get3A_437 : vector<1x1x16xf32> to vector<16xf32>
        %max3A_439 = arith.maximumf %max3A_388, %get3A_438 : vector<16xf32>
        %add3A_440 = arith.constant 2 : i32
        %add3A_441 = arith.addi %mul3A_261, %add3A_440 : i32
        %add3A_442 = arith.constant 48 : i32
        %add3A_443 = arith.addi %mul3A_406, %add3A_442 : i32
        %get3A_444 = arith.constant 0 : i32
        %get3A_445 = arith.index_cast %get3A_444 : i32 to index
        %get3A_446 = arith.index_cast %add3A_441 : i32 to index
        %get3A_447 = arith.index_cast %add3A_443 : i32 to index
        %get3A_448 = tpu.vector_load %arg8[%get3A_445, %get3A_446, %get3A_447] {strides = array<i32>} : memref<3x200x128xf32, #tpu.memory_space<vmem>>, vector<1x1x16xf32>,
        %get3A_449 = vector.shape_cast %get3A_448 : vector<1x1x16xf32> to vector<16xf32>
        %max3A_450 = arith.maximumf %max3A_399, %get3A_449 : vector<16xf32>
        %add3A_451 = arith.constant 3 : i32
        %add3A_452 = arith.addi %mul3A_299, %add3A_451 : i32
        %shift_right_arithmetic3A_453 = arith.shrsi %squeeze3A, %add3A_452 : i32
        %and3A_454 = arith.constant 1 : i32
        %and3A_455 = arith.andi %shift_right_arithmetic3A_453, %and3A_454 : i32
        %mul3A_456 = arith.constant 64 : i32
        %mul3A_457 = arith.muli %and3A_455, %mul3A_456 : i32
        %add3A_458 = arith.constant 3 : i32
        %add3A_459 = arith.addi %mul3A_261, %add3A_458 : i32
        %add3A_460 = arith.constant 0 : i32
        %add3A_461 = arith.addi %mul3A_457, %add3A_460 : i32
        %get3A_462 = arith.constant 0 : i32
        %get3A_463 = arith.index_cast %get3A_462 : i32 to index
        %get3A_464 = arith.index_cast %add3A_459 : i32 to index
        %get3A_465 = arith.index_cast %add3A_461 : i32 to index
        %get3A_466 = tpu.vector_load %arg8[%get3A_463, %get3A_464, %get3A_465] {strides = array<i32>} : memref<3x200x128xf32, #tpu.memory_space<vmem>>, vector<1x1x16xf32>,
        %get3A_467 = vector.shape_cast %get3A_466 : vector<1x1x16xf32> to vector<16xf32>
        %max3A_468 = arith.maximumf %max3A_417, %get3A_467 : vector<16xf32>
        %add3A_469 = arith.constant 3 : i32
        %add3A_470 = arith.addi %mul3A_261, %add3A_469 : i32
        %add3A_471 = arith.constant 16 : i32
        %add3A_472 = arith.addi %mul3A_457, %add3A_471 : i32
        %get3A_473 = arith.constant 0 : i32
        %get3A_474 = arith.index_cast %get3A_473 : i32 to index
        %get3A_475 = arith.index_cast %add3A_470 : i32 to index
        %get3A_476 = arith.index_cast %add3A_472 : i32 to index
        %get3A_477 = tpu.vector_load %arg8[%get3A_474, %get3A_475, %get3A_476] {strides = array<i32>} : memref<3x200x128xf32, #tpu.memory_space<vmem>>, vector<1x1x16xf32>,
        %get3A_478 = vector.shape_cast %get3A_477 : vector<1x1x16xf32> to vector<16xf32>
        %max3A_479 = arith.maximumf %max3A_428, %get3A_478 : vector<16xf32>
        %add3A_480 = arith.constant 3 : i32
        %add3A_481 = arith.addi %mul3A_261, %add3A_480 : i32
        %add3A_482 = arith.constant 32 : i32
        %add3A_483 = arith.addi %mul3A_457, %add3A_482 : i32
        %get3A_484 = arith.constant 0 : i32
        %get3A_485 = arith.index_cast %get3A_484 : i32 to index
        %get3A_486 = arith.index_cast %add3A_481 : i32 to index
        %get3A_487 = arith.index_cast %add3A_483 : i32 to index
        %get3A_488 = tpu.vector_load %arg8[%get3A_485, %get3A_486, %get3A_487] {strides = array<i32>} : memref<3x200x128xf32, #tpu.memory_space<vmem>>, vector<1x1x16xf32>,
        %get3A_489 = vector.shape_cast %get3A_488 : vector<1x1x16xf32> to vector<16xf32>
        %max3A_490 = arith.maximumf %max3A_439, %get3A_489 : vector<16xf32>
        %add3A_491 = arith.constant 3 : i32
        %add3A_492 = arith.addi %mul3A_261, %add3A_491 : i32
        %add3A_493 = arith.constant 48 : i32
        %add3A_494 = arith.addi %mul3A_457, %add3A_493 : i32
        %get3A_495 = arith.constant 0 : i32
        %get3A_496 = arith.index_cast %get3A_495 : i32 to index
        %get3A_497 = arith.index_cast %add3A_492 : i32 to index
        %get3A_498 = arith.index_cast %add3A_494 : i32 to index
        %get3A_499 = tpu.vector_load %arg8[%get3A_496, %get3A_497, %get3A_498] {strides = array<i32>} : memref<3x200x128xf32, #tpu.memory_space<vmem>>, vector<1x1x16xf32>,
        %get3A_500 = vector.shape_cast %get3A_499 : vector<1x1x16xf32> to vector<16xf32>
        %max3A_501 = arith.maximumf %max3A_450, %get3A_500 : vector<16xf32>
        %add3A_502 = arith.constant 4 : i32
        %add3A_503 = arith.addi %mul3A_299, %add3A_502 : i32
        %shift_right_arithmetic3A_504 = arith.shrsi %squeeze3A, %add3A_503 : i32
        %and3A_505 = arith.constant 1 : i32
        %and3A_506 = arith.andi %shift_right_arithmetic3A_504, %and3A_505 : i32
        %mul3A_507 = arith.constant 64 : i32
        %mul3A_508 = arith.muli %and3A_506, %mul3A_507 : i32
        %add3A_509 = arith.constant 4 : i32
        %add3A_510 = arith.addi %mul3A_261, %add3A_509 : i32
        %add3A_511 = arith.constant 0 : i32
        %add3A_512 = arith.addi %mul3A_508, %add3A_511 : i32
        %get3A_513 = arith.constant 0 : i32
        %get3A_514 = arith.index_cast %get3A_513 : i32 to index
        %get3A_515 = arith.index_cast %add3A_510 : i32 to index
        %get3A_516 = arith.index_cast %add3A_512 : i32 to index
        %get3A_517 = tpu.vector_load %arg8[%get3A_514, %get3A_515, %get3A_516] {strides = array<i32>} : memref<3x200x128xf32, #tpu.memory_space<vmem>>, vector<1x1x16xf32>,
        %get3A_518 = vector.shape_cast %get3A_517 : vector<1x1x16xf32> to vector<16xf32>
        %max3A_519 = arith.maximumf %max3A_468, %get3A_518 : vector<16xf32>
        %add3A_520 = arith.constant 4 : i32
        %add3A_521 = arith.addi %mul3A_261, %add3A_520 : i32
        %add3A_522 = arith.constant 16 : i32
        %add3A_523 = arith.addi %mul3A_508, %add3A_522 : i32
        %get3A_524 = arith.constant 0 : i32
        %get3A_525 = arith.index_cast %get3A_524 : i32 to index
        %get3A_526 = arith.index_cast %add3A_521 : i32 to index
        %get3A_527 = arith.index_cast %add3A_523 : i32 to index
        %get3A_528 = tpu.vector_load %arg8[%get3A_525, %get3A_526, %get3A_527] {strides = array<i32>} : memref<3x200x128xf32, #tpu.memory_space<vmem>>, vector<1x1x16xf32>,
        %get3A_529 = vector.shape_cast %get3A_528 : vector<1x1x16xf32> to vector<16xf32>
        %max3A_530 = arith.maximumf %max3A_479, %get3A_529 : vector<16xf32>
        %add3A_531 = arith.constant 4 : i32
        %add3A_532 = arith.addi %mul3A_261, %add3A_531 : i32
        %add3A_533 = arith.constant 32 : i32
        %add3A_534 = arith.addi %mul3A_508, %add3A_533 : i32
        %get3A_535 = arith.constant 0 : i32
        %get3A_536 = arith.index_cast %get3A_535 : i32 to index
        %get3A_537 = arith.index_cast %add3A_532 : i32 to index
        %get3A_538 = arith.index_cast %add3A_534 : i32 to index
        %get3A_539 = tpu.vector_load %arg8[%get3A_536, %get3A_537, %get3A_538] {strides = array<i32>} : memref<3x200x128xf32, #tpu.memory_space<vmem>>, vector<1x1x16xf32>,
        %get3A_540 = vector.shape_cast %get3A_539 : vector<1x1x16xf32> to vector<16xf32>
        %max3A_541 = arith.maximumf %max3A_490, %get3A_540 : vector<16xf32>
        %add3A_542 = arith.constant 4 : i32
        %add3A_543 = arith.addi %mul3A_261, %add3A_542 : i32
        %add3A_544 = arith.constant 48 : i32
        %add3A_545 = arith.addi %mul3A_508, %add3A_544 : i32
        %get3A_546 = arith.constant 0 : i32
        %get3A_547 = arith.index_cast %get3A_546 : i32 to index
        %get3A_548 = arith.index_cast %add3A_543 : i32 to index
        %get3A_549 = arith.index_cast %add3A_545 : i32 to index
        %get3A_550 = tpu.vector_load %arg8[%get3A_547, %get3A_548, %get3A_549] {strides = array<i32>} : memref<3x200x128xf32, #tpu.memory_space<vmem>>, vector<1x1x16xf32>,
        %get3A_551 = vector.shape_cast %get3A_550 : vector<1x1x16xf32> to vector<16xf32>
        %max3A_552 = arith.maximumf %max3A_501, %get3A_551 : vector<16xf32>
        %add3A_553 = arith.constant 5 : i32
        %add3A_554 = arith.addi %mul3A_299, %add3A_553 : i32
        %shift_right_arithmetic3A_555 = arith.shrsi %squeeze3A, %add3A_554 : i32
        %and3A_556 = arith.constant 1 : i32
        %and3A_557 = arith.andi %shift_right_arithmetic3A_555, %and3A_556 : i32
        %mul3A_558 = arith.constant 64 : i32
        %mul3A_559 = arith.muli %and3A_557, %mul3A_558 : i32
        %add3A_560 = arith.constant 5 : i32
        %add3A_561 = arith.addi %mul3A_261, %add3A_560 : i32
        %add3A_562 = arith.constant 0 : i32
        %add3A_563 = arith.addi %mul3A_559, %add3A_562 : i32
        %get3A_564 = arith.constant 0 : i32
        %get3A_565 = arith.index_cast %get3A_564 : i32 to index
        %get3A_566 = arith.index_cast %add3A_561 : i32 to index
        %get3A_567 = arith.index_cast %add3A_563 : i32 to index
        %get3A_568 = tpu.vector_load %arg8[%get3A_565, %get3A_566, %get3A_567] {strides = array<i32>} : memref<3x200x128xf32, #tpu.memory_space<vmem>>, vector<1x1x16xf32>,
        %get3A_569 = vector.shape_cast %get3A_568 : vector<1x1x16xf32> to vector<16xf32>
        %max3A_570 = arith.maximumf %max3A_519, %get3A_569 : vector<16xf32>
        %add3A_571 = arith.constant 5 : i32
        %add3A_572 = arith.addi %mul3A_261, %add3A_571 : i32
        %add3A_573 = arith.constant 16 : i32
        %add3A_574 = arith.addi %mul3A_559, %add3A_573 : i32
        %get3A_575 = arith.constant 0 : i32
        %get3A_576 = arith.index_cast %get3A_575 : i32 to index
        %get3A_577 = arith.index_cast %add3A_572 : i32 to index
        %get3A_578 = arith.index_cast %add3A_574 : i32 to index
        %get3A_579 = tpu.vector_load %arg8[%get3A_576, %get3A_577, %get3A_578] {strides = array<i32>} : memref<3x200x128xf32, #tpu.memory_space<vmem>>, vector<1x1x16xf32>,
        %get3A_580 = vector.shape_cast %get3A_579 : vector<1x1x16xf32> to vector<16xf32>
        %max3A_581 = arith.maximumf %max3A_530, %get3A_580 : vector<16xf32>
        %add3A_582 = arith.constant 5 : i32
        %add3A_583 = arith.addi %mul3A_261, %add3A_582 : i32
        %add3A_584 = arith.constant 32 : i32
        %add3A_585 = arith.addi %mul3A_559, %add3A_584 : i32
        %get3A_586 = arith.constant 0 : i32
        %get3A_587 = arith.index_cast %get3A_586 : i32 to index
        %get3A_588 = arith.index_cast %add3A_583 : i32 to index
        %get3A_589 = arith.index_cast %add3A_585 : i32 to index
        %get3A_590 = tpu.vector_load %arg8[%get3A_587, %get3A_588, %get3A_589] {strides = array<i32>} : memref<3x200x128xf32, #tpu.memory_space<vmem>>, vector<1x1x16xf32>,
        %get3A_591 = vector.shape_cast %get3A_590 : vector<1x1x16xf32> to vector<16xf32>
        %max3A_592 = arith.maximumf %max3A_541, %get3A_591 : vector<16xf32>
        %add3A_593 = arith.constant 5 : i32
        %add3A_594 = arith.addi %mul3A_261, %add3A_593 : i32
        %add3A_595 = arith.constant 48 : i32
        %add3A_596 = arith.addi %mul3A_559, %add3A_595 : i32
        %get3A_597 = arith.constant 0 : i32
        %get3A_598 = arith.index_cast %get3A_597 : i32 to index
        %get3A_599 = arith.index_cast %add3A_594 : i32 to index
        %get3A_600 = arith.index_cast %add3A_596 : i32 to index
        %get3A_601 = tpu.vector_load %arg8[%get3A_598, %get3A_599, %get3A_600] {strides = array<i32>} : memref<3x200x128xf32, #tpu.memory_space<vmem>>, vector<1x1x16xf32>,
        %get3A_602 = vector.shape_cast %get3A_601 : vector<1x1x16xf32> to vector<16xf32>
        %max3A_603 = arith.maximumf %max3A_552, %get3A_602 : vector<16xf32>
        %add3A_604 = arith.constant 6 : i32
        %add3A_605 = arith.addi %mul3A_299, %add3A_604 : i32
        %shift_right_arithmetic3A_606 = arith.shrsi %squeeze3A, %add3A_605 : i32
        %and3A_607 = arith.constant 1 : i32
        %and3A_608 = arith.andi %shift_right_arithmetic3A_606, %and3A_607 : i32
        %mul3A_609 = arith.constant 64 : i32
        %mul3A_610 = arith.muli %and3A_608, %mul3A_609 : i32
        %add3A_611 = arith.constant 6 : i32
        %add3A_612 = arith.addi %mul3A_261, %add3A_611 : i32
        %add3A_613 = arith.constant 0 : i32
        %add3A_614 = arith.addi %mul3A_610, %add3A_613 : i32
        %get3A_615 = arith.constant 0 : i32
        %get3A_616 = arith.index_cast %get3A_615 : i32 to index
        %get3A_617 = arith.index_cast %add3A_612 : i32 to index
        %get3A_618 = arith.index_cast %add3A_614 : i32 to index
        %get3A_619 = tpu.vector_load %arg8[%get3A_616, %get3A_617, %get3A_618] {strides = array<i32>} : memref<3x200x128xf32, #tpu.memory_space<vmem>>, vector<1x1x16xf32>,
        %get3A_620 = vector.shape_cast %get3A_619 : vector<1x1x16xf32> to vector<16xf32>
        %max3A_621 = arith.maximumf %max3A_570, %get3A_620 : vector<16xf32>
        %add3A_622 = arith.constant 6 : i32
        %add3A_623 = arith.addi %mul3A_261, %add3A_622 : i32
        %add3A_624 = arith.constant 16 : i32
        %add3A_625 = arith.addi %mul3A_610, %add3A_624 : i32
        %get3A_626 = arith.constant 0 : i32
        %get3A_627 = arith.index_cast %get3A_626 : i32 to index
        %get3A_628 = arith.index_cast %add3A_623 : i32 to index
        %get3A_629 = arith.index_cast %add3A_625 : i32 to index
        %get3A_630 = tpu.vector_load %arg8[%get3A_627, %get3A_628, %get3A_629] {strides = array<i32>} : memref<3x200x128xf32, #tpu.memory_space<vmem>>, vector<1x1x16xf32>,
        %get3A_631 = vector.shape_cast %get3A_630 : vector<1x1x16xf32> to vector<16xf32>
        %max3A_632 = arith.maximumf %max3A_581, %get3A_631 : vector<16xf32>
        %add3A_633 = arith.constant 6 : i32
        %add3A_634 = arith.addi %mul3A_261, %add3A_633 : i32
        %add3A_635 = arith.constant 32 : i32
        %add3A_636 = arith.addi %mul3A_610, %add3A_635 : i32
        %get3A_637 = arith.constant 0 : i32
        %get3A_638 = arith.index_cast %get3A_637 : i32 to index
        %get3A_639 = arith.index_cast %add3A_634 : i32 to index
        %get3A_640 = arith.index_cast %add3A_636 : i32 to index
        %get3A_641 = tpu.vector_load %arg8[%get3A_638, %get3A_639, %get3A_640] {strides = array<i32>} : memref<3x200x128xf32, #tpu.memory_space<vmem>>, vector<1x1x16xf32>,
        %get3A_642 = vector.shape_cast %get3A_641 : vector<1x1x16xf32> to vector<16xf32>
        %max3A_643 = arith.maximumf %max3A_592, %get3A_642 : vector<16xf32>
        %add3A_644 = arith.constant 6 : i32
        %add3A_645 = arith.addi %mul3A_261, %add3A_644 : i32
        %add3A_646 = arith.constant 48 : i32
        %add3A_647 = arith.addi %mul3A_610, %add3A_646 : i32
        %get3A_648 = arith.constant 0 : i32
        %get3A_649 = arith.index_cast %get3A_648 : i32 to index
        %get3A_650 = arith.index_cast %add3A_645 : i32 to index
        %get3A_651 = arith.index_cast %add3A_647 : i32 to index
        %get3A_652 = tpu.vector_load %arg8[%get3A_649, %get3A_650, %get3A_651] {strides = array<i32>} : memref<3x200x128xf32, #tpu.memory_space<vmem>>, vector<1x1x16xf32>,
        %get3A_653 = vector.shape_cast %get3A_652 : vector<1x1x16xf32> to vector<16xf32>
        %max3A_654 = arith.maximumf %max3A_603, %get3A_653 : vector<16xf32>
        %add3A_655 = arith.constant 7 : i32
        %add3A_656 = arith.addi %mul3A_299, %add3A_655 : i32
        %shift_right_arithmetic3A_657 = arith.shrsi %squeeze3A, %add3A_656 : i32
        %and3A_658 = arith.constant 1 : i32
        %and3A_659 = arith.andi %shift_right_arithmetic3A_657, %and3A_658 : i32
        %mul3A_660 = arith.constant 64 : i32
        %mul3A_661 = arith.muli %and3A_659, %mul3A_660 : i32
        %add3A_662 = arith.constant 7 : i32
        %add3A_663 = arith.addi %mul3A_261, %add3A_662 : i32
        %add3A_664 = arith.constant 0 : i32
        %add3A_665 = arith.addi %mul3A_661, %add3A_664 : i32
        %get3A_666 = arith.constant 0 : i32
        %get3A_667 = arith.index_cast %get3A_666 : i32 to index
        %get3A_668 = arith.index_cast %add3A_663 : i32 to index
        %get3A_669 = arith.index_cast %add3A_665 : i32 to index
        %get3A_670 = tpu.vector_load %arg8[%get3A_667, %get3A_668, %get3A_669] {strides = array<i32>} : memref<3x200x128xf32, #tpu.memory_space<vmem>>, vector<1x1x16xf32>,
        %get3A_671 = vector.shape_cast %get3A_670 : vector<1x1x16xf32> to vector<16xf32>
        %max3A_672 = arith.maximumf %max3A_621, %get3A_671 : vector<16xf32>
        %add3A_673 = arith.constant 7 : i32
        %add3A_674 = arith.addi %mul3A_261, %add3A_673 : i32
        %add3A_675 = arith.constant 16 : i32
        %add3A_676 = arith.addi %mul3A_661, %add3A_675 : i32
        %get3A_677 = arith.constant 0 : i32
        %get3A_678 = arith.index_cast %get3A_677 : i32 to index
        %get3A_679 = arith.index_cast %add3A_674 : i32 to index
        %get3A_680 = arith.index_cast %add3A_676 : i32 to index
        %get3A_681 = tpu.vector_load %arg8[%get3A_678, %get3A_679, %get3A_680] {strides = array<i32>} : memref<3x200x128xf32, #tpu.memory_space<vmem>>, vector<1x1x16xf32>,
        %get3A_682 = vector.shape_cast %get3A_681 : vector<1x1x16xf32> to vector<16xf32>
        %max3A_683 = arith.maximumf %max3A_632, %get3A_682 : vector<16xf32>
        %add3A_684 = arith.constant 7 : i32
        %add3A_685 = arith.addi %mul3A_261, %add3A_684 : i32
        %add3A_686 = arith.constant 32 : i32
        %add3A_687 = arith.addi %mul3A_661, %add3A_686 : i32
        %get3A_688 = arith.constant 0 : i32
        %get3A_689 = arith.index_cast %get3A_688 : i32 to index
        %get3A_690 = arith.index_cast %add3A_685 : i32 to index
        %get3A_691 = arith.index_cast %add3A_687 : i32 to index
        %get3A_692 = tpu.vector_load %arg8[%get3A_689, %get3A_690, %get3A_691] {strides = array<i32>} : memref<3x200x128xf32, #tpu.memory_space<vmem>>, vector<1x1x16xf32>,
        %get3A_693 = vector.shape_cast %get3A_692 : vector<1x1x16xf32> to vector<16xf32>
        %max3A_694 = arith.maximumf %max3A_643, %get3A_693 : vector<16xf32>
        %add3A_695 = arith.constant 7 : i32
        %add3A_696 = arith.addi %mul3A_261, %add3A_695 : i32
        %add3A_697 = arith.constant 48 : i32
        %add3A_698 = arith.addi %mul3A_661, %add3A_697 : i32
        %get3A_699 = arith.constant 0 : i32
        %get3A_700 = arith.index_cast %get3A_699 : i32 to index
        %get3A_701 = arith.index_cast %add3A_696 : i32 to index
        %get3A_702 = arith.index_cast %add3A_698 : i32 to index
        %get3A_703 = tpu.vector_load %arg8[%get3A_700, %get3A_701, %get3A_702] {strides = array<i32>} : memref<3x200x128xf32, #tpu.memory_space<vmem>>, vector<1x1x16xf32>,
        %get3A_704 = vector.shape_cast %get3A_703 : vector<1x1x16xf32> to vector<16xf32>
        %max3A_705 = arith.maximumf %max3A_654, %get3A_704 : vector<16xf32>
        scf.yield %max3A_672, %max3A_683, %max3A_694, %max3A_705 : vector<16xf32>, vector<16xf32>, vector<16xf32>, vector<16xf32>
      }
      %scan3A_138 = arith.constant 25 : i32
      %swap3A_139 = arith.index_cast %add3A_117 : i32 to index
      %swap3A_140 = arith.constant 0 : index
      %swap3A_141 = tpu.vector_load %arg9[%swap3A_139, %swap3A_140] {strides = array<i32>} : memref<128x128xf32, #tpu.memory_space<vmem>>, vector<1x16xf32>,
      %swap3A_142 = vector.shape_cast %swap3A_141 : vector<1x16xf32> to vector<16xf32>
      %swap3A_143 = vector.shape_cast %scan3A_137#0 : vector<16xf32> to vector<1x16xf32>
      tpu.vector_store %arg9[%swap3A_139, %swap3A_140], %swap3A_143 {strides = array<i32>} : memref<128x128xf32, #tpu.memory_space<vmem>>, vector<1x16xf32>,
      %swap3A_144 = arith.index_cast %add3A_117 : i32 to index
      %swap3A_145 = arith.constant 16 : index
      %swap3A_146 = tpu.vector_load %arg9[%swap3A_144, %swap3A_145] {strides = array<i32>} : memref<128x128xf32, #tpu.memory_space<vmem>>, vector<1x16xf32>,
      %swap3A_147 = vector.shape_cast %swap3A_146 : vector<1x16xf32> to vector<16xf32>
      %swap3A_148 = vector.shape_cast %scan3A_137#1 : vector<16xf32> to vector<1x16xf32>
      tpu.vector_store %arg9[%swap3A_144, %swap3A_145], %swap3A_148 {strides = array<i32>} : memref<128x128xf32, #tpu.memory_space<vmem>>, vector<1x16xf32>,
      %swap3A_149 = arith.index_cast %add3A_117 : i32 to index
      %swap3A_150 = arith.constant 32 : index
      %swap3A_151 = tpu.vector_load %arg9[%swap3A_149, %swap3A_150] {strides = array<i32>} : memref<128x128xf32, #tpu.memory_space<vmem>>, vector<1x16xf32>,
      %swap3A_152 = vector.shape_cast %swap3A_151 : vector<1x16xf32> to vector<16xf32>
      %swap3A_153 = vector.shape_cast %scan3A_137#2 : vector<16xf32> to vector<1x16xf32>
      tpu.vector_store %arg9[%swap3A_149, %swap3A_150], %swap3A_153 {strides = array<i32>} : memref<128x128xf32, #tpu.memory_space<vmem>>, vector<1x16xf32>,
      %swap3A_154 = arith.index_cast %add3A_117 : i32 to index
      %swap3A_155 = arith.constant 48 : index
      %swap3A_156 = tpu.vector_load %arg9[%swap3A_154, %swap3A_155] {strides = array<i32>} : memref<128x128xf32, #tpu.memory_space<vmem>>, vector<1x16xf32>,
      %swap3A_157 = vector.shape_cast %swap3A_156 : vector<1x16xf32> to vector<16xf32>
      %swap3A_158 = vector.shape_cast %scan3A_137#3 : vector<16xf32> to vector<1x16xf32>
      tpu.vector_store %arg9[%swap3A_154, %swap3A_155], %swap3A_158 {strides = array<i32>} : memref<128x128xf32, #tpu.memory_space<vmem>>, vector<1x16xf32>,
      %mul3A_159 = arith.constant 3 : i32
      %mul3A_160 = arith.muli %scan3A_113, %mul3A_159 : i32
      %add3A_161 = arith.constant 1 : i32
      %add3A_162 = arith.addi %mul3A_160, %add3A_161 : i32
      %multiple_of3A_163 = arith.constant 0 : i32
      %multiple_of3A_164 = tpu.assume_multiple %multiple_of3A_163, 256 : i32
      %dma_wait3A_165 = arith.constant 1 : i32
      %dma_wait3A_166 = arith.constant 0 : i32
      %dma_wait3A_167 = arith.constant 0 : i32
      %dma_wait3A_168 = tpu.memref_slice %arg8[%dma_wait3A_165, %dma_wait3A_166, %dma_wait3A_167] : memref<3x200x128xf32, #tpu.memory_space<vmem>> -> memref<1x200x128xf32, #tpu.memory_space<vmem>>
      %dma_wait3A_169 = tpu.memref_squeeze %dma_wait3A_168 : memref<1x200x128xf32, #tpu.memory_space<vmem>> -> memref<200x128xf32, #tpu.memory_space<vmem>>
      %dma_wait3A_170 = tpu.memref_slice %arg6[%multiple_of3A_164] : memref<32768xi32, #tpu.memory_space<vmem>> -> memref<200xi32, #tpu.memory_space<vmem>>
      %dma_wait3A_171 = arith.constant 0 : i32
      %dma_wait3A_172 = arith.constant 0 : i32
      %dma_wait3A_173 = tpu.memref_slice %arg4[%dma_wait3A_171, %dma_wait3A_172] : memref<503808x128xf32, #tpu.memory_space<hbm>> -> memref<503808x128xf32, #tpu.memory_space<hbm>>
      tpu.wait_indirect_dma semaphore(%arg11 : memref<!tpu.dma_semaphore, #tpu.memory_space<semaphore_mem>>) src(%dma_wait3A_173 : memref<503808x128xf32, #tpu.memory_space<hbm>>) dst(%dma_wait3A_169 : memref<200x128xf32, #tpu.memory_space<vmem>>)
      %add3A_174 = arith.constant 2 : i32
      %add3A_175 = arith.addi %add3A_162, %add3A_174 : i32
      %lt3A_176 = arith.constant 128 : i32
      %lt3A_177 = arith.cmpi slt, %add3A_175, %lt3A_176 : i32
      %convert_element_type3A_178 = arith.extui %lt3A_177 : i1 to i32
      %cond3A_179 = arith.constant 0 : i32
      %cond3A_180 = arith.cmpi ne, %convert_element_type3A_178, %cond3A_179 : i32
      scf.if %cond3A_180 {
        %add3A_255 = arith.constant 2 : i32
        %add3A_256 = arith.addi %add3A_162, %add3A_255 : i32
        %mul3A_257 = arith.constant 256 : i32
        %mul3A_258 = arith.muli %add3A_256, %mul3A_257 : i32
        %multiple_of3A_259 = tpu.assume_multiple %mul3A_258, 256 : i32
        %dma_start3A_260 = arith.constant 0 : i32
        %dma_start3A_261 = arith.constant 0 : i32
        %dma_start3A_262 = arith.constant 0 : i32
        %dma_start3A_263 = tpu.memref_slice %arg8[%dma_start3A_260, %dma_start3A_261, %dma_start3A_262] : memref<3x200x128xf32, #tpu.memory_space<vmem>> -> memref<1x200x128xf32, #tpu.memory_space<vmem>>
        %dma_start3A_264 = tpu.memref_squeeze %dma_start3A_263 : memref<1x200x128xf32, #tpu.memory_space<vmem>> -> memref<200x128xf32, #tpu.memory_space<vmem>>
        %dma_start3A_265 = tpu.memref_slice %arg6[%multiple_of3A_259] : memref<32768xi32, #tpu.memory_space<vmem>> -> memref<200xi32, #tpu.memory_space<vmem>>
        %dma_start3A_266 = arith.constant 0 : i32
        %dma_start3A_267 = arith.constant 0 : i32
        %dma_start3A_268 = tpu.memref_slice %arg4[%dma_start3A_266, %dma_start3A_267] : memref<503808x128xf32, #tpu.memory_space<hbm>> -> memref<503808x128xf32, #tpu.memory_space<hbm>>
        tpu.enqueue_indirect_dma source(%dma_start3A_268 : memref<503808x128xf32, #tpu.memory_space<hbm>>) target(%dma_start3A_264 : memref<200x128xf32, #tpu.memory_space<vmem>>) offsets(%dma_start3A_265 : memref<200xi32, #tpu.memory_space<vmem>>) semaphore(%arg10 : memref<!tpu.dma_semaphore, #tpu.memory_space<semaphore_mem>>)
      } else {
      }
      %scan3A_181 = arith.constant 0 : i32
      %scan3A_182 = arith.constant 25 : i32
      %scan3A_183 = arith.addi %scan3A_181, %scan3A_182 : i32
      %scan3A_184 = arith.constant 1 : i32
      %scan3A_185:4 = scf.for %scan3A_255 = %scan3A_181 to %scan3A_183 step %scan3A_184 iter_args(%scan3A_256 = %broadcast_in_dim3A_27, %scan3A_257 = %broadcast_in_dim3A_27, %scan3A_258 = %broadcast_in_dim3A_27, %scan3A_259 = %broadcast_in_dim3A_27) -> (vector<16xf32>, vector<16xf32>, vector<16xf32>, vector<16xf32>)  : i32 {
        %mul3A_260 = arith.constant 8 : i32
        %mul3A_261 = arith.muli %scan3A_255, %mul3A_260 : i32
        %mul3A_262 = arith.constant 8 : i32
        %mul3A_263 = arith.muli %add3A_162, %mul3A_262 : i32
        %jit3A = arith.constant 4 : i32
        %div3A = arith.divsi %scan3A_255, %jit3A : i32
        %sign3A = arith.constant 0 : i32
        %sign3A_264 = arith.cmpi sgt, %scan3A_255, %sign3A : i32
        %sign3A_265 = arith.extui %sign3A_264 : i1 to i32
        %sign3A_266 = arith.constant 0 : i32
        %sign3A_267 = arith.cmpi slt, %scan3A_255, %sign3A_266 : i32
        %sign3A_268 = arith.extui %sign3A_267 : i1 to i32
        %sign3A_269 = arith.subi %sign3A_265, %sign3A_268 : i32
        %sign3A_270 = arith.constant 0 : i32
        %sign3A_271 = arith.cmpi sgt, %jit3A, %sign3A_270 : i32
        %sign3A_272 = arith.extui %sign3A_271 : i1 to i32
        %sign3A_273 = arith.constant 0 : i32
        %sign3A_274 = arith.cmpi slt, %jit3A, %sign3A_273 : i32
        %sign3A_275 = arith.extui %sign3A_274 : i1 to i32
        %sign3A_276 = arith.subi %sign3A_272, %sign3A_275 : i32
        %ne3A = arith.cmpi ne, %sign3A_269, %sign3A_276 : i32
        %rem3A = arith.remsi %scan3A_255, %jit3A : i32
        %ne3A_277 = arith.constant 0 : i32
        %ne3A_278 = arith.cmpi ne, %rem3A, %ne3A_277 : i32
        %and3A = arith.andi %ne3A, %ne3A_278 : i1
        %sub3A = arith.constant 1 : i32
        %sub3A_279 = arith.subi %div3A, %sub3A : i32
        %select_n3A = arith.select %and3A, %sub3A_279, %div3A : i32
        %add3A_280 = arith.addi %mul3A_263, %select_n3A : i32
        %get3A = arith.index_cast %add3A_280 : i32 to index
        %get3A_281 = tpu.vector_load %arg7[%get3A] {strides = array<i32>} : memref<1040xi32, #tpu.memory_space<vmem>>, vector<16xi32>,
        %get3A_282 = vector.shape_cast %get3A_281 : vector<16xi32> to vector<16xi32>
        %slice3A = vector.extract_strided_slice %get3A_282 {offsets = [0], sizes = [1], strides = [1]} : vector<16xi32> to vector<1xi32>
        %squeeze3A = vector.extract %slice3A[0] : i32 from vector<1xi32>
        %jit3A_283 = arith.constant 4 : i32
        %eq3A = arith.constant 0 : i32
        %eq3A_284 = arith.cmpi eq, %jit3A_283, %eq3A : i32
        %jit3A_285 = arith.constant 1 : i32
        %select_n3A_286 = arith.select %eq3A_284, %jit3A_285, %jit3A_283 : i32
        %rem3A_287 = arith.remsi %scan3A_255, %select_n3A_286 : i32
        %ne3A_288 = arith.constant 0 : i32
        %ne3A_289 = arith.cmpi ne, %rem3A_287, %ne3A_288 : i32
        %lt3A_290 = arith.constant 0 : i32
        %lt3A_291 = arith.cmpi slt, %rem3A_287, %lt3A_290 : i32
        %lt3A_292 = arith.constant 0 : i32
        %lt3A_293 = arith.cmpi slt, %select_n3A_286, %lt3A_292 : i32
        %ne3A_294 = arith.xori %lt3A_291, %lt3A_293 : i1
        %and3A_295 = arith.andi %ne3A_294, %ne3A_289 : i1
        %add3A_296 = arith.addi %rem3A_287, %select_n3A_286 : i32
        %select_n3A_297 = arith.select %and3A_295, %add3A_296, %rem3A_287 : i32
        %mul3A_298 = arith.constant 8 : i32
        %mul3A_299 = arith.muli %select_n3A_297, %mul3A_298 : i32
        %add3A_300 = arith.constant 0 : i32
        %add3A_301 = arith.addi %mul3A_299, %add3A_300 : i32
        %shift_right_arithmetic3A = arith.shrsi %squeeze3A, %add3A_301 : i32
        %and3A_302 = arith.constant 1 : i32
        %and3A_303 = arith.andi %shift_right_arithmetic3A, %and3A_302 : i32
        %mul3A_304 = arith.constant 64 : i32
        %mul3A_305 = arith.muli %and3A_303, %mul3A_304 : i32
        %add3A_306 = arith.constant 0 : i32
        %add3A_307 = arith.addi %mul3A_261, %add3A_306 : i32
        %add3A_308 = arith.constant 0 : i32
        %add3A_309 = arith.addi %mul3A_305, %add3A_308 : i32
        %get3A_310 = arith.constant 1 : i32
        %get3A_311 = arith.index_cast %get3A_310 : i32 to index
        %get3A_312 = arith.index_cast %add3A_307 : i32 to index
        %get3A_313 = arith.index_cast %add3A_309 : i32 to index
        %get3A_314 = tpu.vector_load %arg8[%get3A_311, %get3A_312, %get3A_313] {strides = array<i32>} : memref<3x200x128xf32, #tpu.memory_space<vmem>>, vector<1x1x16xf32>,
        %get3A_315 = vector.shape_cast %get3A_314 : vector<1x1x16xf32> to vector<16xf32>
        %max3A = arith.maximumf %scan3A_256, %get3A_315 : vector<16xf32>
        %add3A_316 = arith.constant 0 : i32
        %add3A_317 = arith.addi %mul3A_261, %add3A_316 : i32
        %add3A_318 = arith.constant 16 : i32
        %add3A_319 = arith.addi %mul3A_305, %add3A_318 : i32
        %get3A_320 = arith.constant 1 : i32
        %get3A_321 = arith.index_cast %get3A_320 : i32 to index
        %get3A_322 = arith.index_cast %add3A_317 : i32 to index
        %get3A_323 = arith.index_cast %add3A_319 : i32 to index
        %get3A_324 = tpu.vector_load %arg8[%get3A_321, %get3A_322, %get3A_323] {strides = array<i32>} : memref<3x200x128xf32, #tpu.memory_space<vmem>>, vector<1x1x16xf32>,
        %get3A_325 = vector.shape_cast %get3A_324 : vector<1x1x16xf32> to vector<16xf32>
        %max3A_326 = arith.maximumf %scan3A_257, %get3A_325 : vector<16xf32>
        %add3A_327 = arith.constant 0 : i32
        %add3A_328 = arith.addi %mul3A_261, %add3A_327 : i32
        %add3A_329 = arith.constant 32 : i32
        %add3A_330 = arith.addi %mul3A_305, %add3A_329 : i32
        %get3A_331 = arith.constant 1 : i32
        %get3A_332 = arith.index_cast %get3A_331 : i32 to index
        %get3A_333 = arith.index_cast %add3A_328 : i32 to index
        %get3A_334 = arith.index_cast %add3A_330 : i32 to index
        %get3A_335 = tpu.vector_load %arg8[%get3A_332, %get3A_333, %get3A_334] {strides = array<i32>} : memref<3x200x128xf32, #tpu.memory_space<vmem>>, vector<1x1x16xf32>,
        %get3A_336 = vector.shape_cast %get3A_335 : vector<1x1x16xf32> to vector<16xf32>
        %max3A_337 = arith.maximumf %scan3A_258, %get3A_336 : vector<16xf32>
        %add3A_338 = arith.constant 0 : i32
        %add3A_339 = arith.addi %mul3A_261, %add3A_338 : i32
        %add3A_340 = arith.constant 48 : i32
        %add3A_341 = arith.addi %mul3A_305, %add3A_340 : i32
        %get3A_342 = arith.constant 1 : i32
        %get3A_343 = arith.index_cast %get3A_342 : i32 to index
        %get3A_344 = arith.index_cast %add3A_339 : i32 to index
        %get3A_345 = arith.index_cast %add3A_341 : i32 to index
        %get3A_346 = tpu.vector_load %arg8[%get3A_343, %get3A_344, %get3A_345] {strides = array<i32>} : memref<3x200x128xf32, #tpu.memory_space<vmem>>, vector<1x1x16xf32>,
        %get3A_347 = vector.shape_cast %get3A_346 : vector<1x1x16xf32> to vector<16xf32>
        %max3A_348 = arith.maximumf %scan3A_259, %get3A_347 : vector<16xf32>
        %add3A_349 = arith.constant 1 : i32
        %add3A_350 = arith.addi %mul3A_299, %add3A_349 : i32
        %shift_right_arithmetic3A_351 = arith.shrsi %squeeze3A, %add3A_350 : i32
        %and3A_352 = arith.constant 1 : i32
        %and3A_353 = arith.andi %shift_right_arithmetic3A_351, %and3A_352 : i32
        %mul3A_354 = arith.constant 64 : i32
        %mul3A_355 = arith.muli %and3A_353, %mul3A_354 : i32
        %add3A_356 = arith.constant 1 : i32
        %add3A_357 = arith.addi %mul3A_261, %add3A_356 : i32
        %add3A_358 = arith.constant 0 : i32
        %add3A_359 = arith.addi %mul3A_355, %add3A_358 : i32
        %get3A_360 = arith.constant 1 : i32
        %get3A_361 = arith.index_cast %get3A_360 : i32 to index
        %get3A_362 = arith.index_cast %add3A_357 : i32 to index
        %get3A_363 = arith.index_cast %add3A_359 : i32 to index
        %get3A_364 = tpu.vector_load %arg8[%get3A_361, %get3A_362, %get3A_363] {strides = array<i32>} : memref<3x200x128xf32, #tpu.memory_space<vmem>>, vector<1x1x16xf32>,
        %get3A_365 = vector.shape_cast %get3A_364 : vector<1x1x16xf32> to vector<16xf32>
        %max3A_366 = arith.maximumf %max3A, %get3A_365 : vector<16xf32>
        %add3A_367 = arith.constant 1 : i32
        %add3A_368 = arith.addi %mul3A_261, %add3A_367 : i32
        %add3A_369 = arith.constant 16 : i32
        %add3A_370 = arith.addi %mul3A_355, %add3A_369 : i32
        %get3A_371 = arith.constant 1 : i32
        %get3A_372 = arith.index_cast %get3A_371 : i32 to index
        %get3A_373 = arith.index_cast %add3A_368 : i32 to index
        %get3A_374 = arith.index_cast %add3A_370 : i32 to index
        %get3A_375 = tpu.vector_load %arg8[%get3A_372, %get3A_373, %get3A_374] {strides = array<i32>} : memref<3x200x128xf32, #tpu.memory_space<vmem>>, vector<1x1x16xf32>,
        %get3A_376 = vector.shape_cast %get3A_375 : vector<1x1x16xf32> to vector<16xf32>
        %max3A_377 = arith.maximumf %max3A_326, %get3A_376 : vector<16xf32>
        %add3A_378 = arith.constant 1 : i32
        %add3A_379 = arith.addi %mul3A_261, %add3A_378 : i32
        %add3A_380 = arith.constant 32 : i32
        %add3A_381 = arith.addi %mul3A_355, %add3A_380 : i32
        %get3A_382 = arith.constant 1 : i32
        %get3A_383 = arith.index_cast %get3A_382 : i32 to index
        %get3A_384 = arith.index_cast %add3A_379 : i32 to index
        %get3A_385 = arith.index_cast %add3A_381 : i32 to index
        %get3A_386 = tpu.vector_load %arg8[%get3A_383, %get3A_384, %get3A_385] {strides = array<i32>} : memref<3x200x128xf32, #tpu.memory_space<vmem>>, vector<1x1x16xf32>,
        %get3A_387 = vector.shape_cast %get3A_386 : vector<1x1x16xf32> to vector<16xf32>
        %max3A_388 = arith.maximumf %max3A_337, %get3A_387 : vector<16xf32>
        %add3A_389 = arith.constant 1 : i32
        %add3A_390 = arith.addi %mul3A_261, %add3A_389 : i32
        %add3A_391 = arith.constant 48 : i32
        %add3A_392 = arith.addi %mul3A_355, %add3A_391 : i32
        %get3A_393 = arith.constant 1 : i32
        %get3A_394 = arith.index_cast %get3A_393 : i32 to index
        %get3A_395 = arith.index_cast %add3A_390 : i32 to index
        %get3A_396 = arith.index_cast %add3A_392 : i32 to index
        %get3A_397 = tpu.vector_load %arg8[%get3A_394, %get3A_395, %get3A_396] {strides = array<i32>} : memref<3x200x128xf32, #tpu.memory_space<vmem>>, vector<1x1x16xf32>,
        %get3A_398 = vector.shape_cast %get3A_397 : vector<1x1x16xf32> to vector<16xf32>
        %max3A_399 = arith.maximumf %max3A_348, %get3A_398 : vector<16xf32>
        %add3A_400 = arith.constant 2 : i32
        %add3A_401 = arith.addi %mul3A_299, %add3A_400 : i32
        %shift_right_arithmetic3A_402 = arith.shrsi %squeeze3A, %add3A_401 : i32
        %and3A_403 = arith.constant 1 : i32
        %and3A_404 = arith.andi %shift_right_arithmetic3A_402, %and3A_403 : i32
        %mul3A_405 = arith.constant 64 : i32
        %mul3A_406 = arith.muli %and3A_404, %mul3A_405 : i32
        %add3A_407 = arith.constant 2 : i32
        %add3A_408 = arith.addi %mul3A_261, %add3A_407 : i32
        %add3A_409 = arith.constant 0 : i32
        %add3A_410 = arith.addi %mul3A_406, %add3A_409 : i32
        %get3A_411 = arith.constant 1 : i32
        %get3A_412 = arith.index_cast %get3A_411 : i32 to index
        %get3A_413 = arith.index_cast %add3A_408 : i32 to index
        %get3A_414 = arith.index_cast %add3A_410 : i32 to index
        %get3A_415 = tpu.vector_load %arg8[%get3A_412, %get3A_413, %get3A_414] {strides = array<i32>} : memref<3x200x128xf32, #tpu.memory_space<vmem>>, vector<1x1x16xf32>,
        %get3A_416 = vector.shape_cast %get3A_415 : vector<1x1x16xf32> to vector<16xf32>
        %max3A_417 = arith.maximumf %max3A_366, %get3A_416 : vector<16xf32>
        %add3A_418 = arith.constant 2 : i32
        %add3A_419 = arith.addi %mul3A_261, %add3A_418 : i32
        %add3A_420 = arith.constant 16 : i32
        %add3A_421 = arith.addi %mul3A_406, %add3A_420 : i32
        %get3A_422 = arith.constant 1 : i32
        %get3A_423 = arith.index_cast %get3A_422 : i32 to index
        %get3A_424 = arith.index_cast %add3A_419 : i32 to index
        %get3A_425 = arith.index_cast %add3A_421 : i32 to index
        %get3A_426 = tpu.vector_load %arg8[%get3A_423, %get3A_424, %get3A_425] {strides = array<i32>} : memref<3x200x128xf32, #tpu.memory_space<vmem>>, vector<1x1x16xf32>,
        %get3A_427 = vector.shape_cast %get3A_426 : vector<1x1x16xf32> to vector<16xf32>
        %max3A_428 = arith.maximumf %max3A_377, %get3A_427 : vector<16xf32>
        %add3A_429 = arith.constant 2 : i32
        %add3A_430 = arith.addi %mul3A_261, %add3A_429 : i32
        %add3A_431 = arith.constant 32 : i32
        %add3A_432 = arith.addi %mul3A_406, %add3A_431 : i32
        %get3A_433 = arith.constant 1 : i32
        %get3A_434 = arith.index_cast %get3A_433 : i32 to index
        %get3A_435 = arith.index_cast %add3A_430 : i32 to index
        %get3A_436 = arith.index_cast %add3A_432 : i32 to index
        %get3A_437 = tpu.vector_load %arg8[%get3A_434, %get3A_435, %get3A_436] {strides = array<i32>} : memref<3x200x128xf32, #tpu.memory_space<vmem>>, vector<1x1x16xf32>,
        %get3A_438 = vector.shape_cast %get3A_437 : vector<1x1x16xf32> to vector<16xf32>
        %max3A_439 = arith.maximumf %max3A_388, %get3A_438 : vector<16xf32>
        %add3A_440 = arith.constant 2 : i32
        %add3A_441 = arith.addi %mul3A_261, %add3A_440 : i32
        %add3A_442 = arith.constant 48 : i32
        %add3A_443 = arith.addi %mul3A_406, %add3A_442 : i32
        %get3A_444 = arith.constant 1 : i32
        %get3A_445 = arith.index_cast %get3A_444 : i32 to index
        %get3A_446 = arith.index_cast %add3A_441 : i32 to index
        %get3A_447 = arith.index_cast %add3A_443 : i32 to index
        %get3A_448 = tpu.vector_load %arg8[%get3A_445, %get3A_446, %get3A_447] {strides = array<i32>} : memref<3x200x128xf32, #tpu.memory_space<vmem>>, vector<1x1x16xf32>,
        %get3A_449 = vector.shape_cast %get3A_448 : vector<1x1x16xf32> to vector<16xf32>
        %max3A_450 = arith.maximumf %max3A_399, %get3A_449 : vector<16xf32>
        %add3A_451 = arith.constant 3 : i32
        %add3A_452 = arith.addi %mul3A_299, %add3A_451 : i32
        %shift_right_arithmetic3A_453 = arith.shrsi %squeeze3A, %add3A_452 : i32
        %and3A_454 = arith.constant 1 : i32
        %and3A_455 = arith.andi %shift_right_arithmetic3A_453, %and3A_454 : i32
        %mul3A_456 = arith.constant 64 : i32
        %mul3A_457 = arith.muli %and3A_455, %mul3A_456 : i32
        %add3A_458 = arith.constant 3 : i32
        %add3A_459 = arith.addi %mul3A_261, %add3A_458 : i32
        %add3A_460 = arith.constant 0 : i32
        %add3A_461 = arith.addi %mul3A_457, %add3A_460 : i32
        %get3A_462 = arith.constant 1 : i32
        %get3A_463 = arith.index_cast %get3A_462 : i32 to index
        %get3A_464 = arith.index_cast %add3A_459 : i32 to index
        %get3A_465 = arith.index_cast %add3A_461 : i32 to index
        %get3A_466 = tpu.vector_load %arg8[%get3A_463, %get3A_464, %get3A_465] {strides = array<i32>} : memref<3x200x128xf32, #tpu.memory_space<vmem>>, vector<1x1x16xf32>,
        %get3A_467 = vector.shape_cast %get3A_466 : vector<1x1x16xf32> to vector<16xf32>
        %max3A_468 = arith.maximumf %max3A_417, %get3A_467 : vector<16xf32>
        %add3A_469 = arith.constant 3 : i32
        %add3A_470 = arith.addi %mul3A_261, %add3A_469 : i32
        %add3A_471 = arith.constant 16 : i32
        %add3A_472 = arith.addi %mul3A_457, %add3A_471 : i32
        %get3A_473 = arith.constant 1 : i32
        %get3A_474 = arith.index_cast %get3A_473 : i32 to index
        %get3A_475 = arith.index_cast %add3A_470 : i32 to index
        %get3A_476 = arith.index_cast %add3A_472 : i32 to index
        %get3A_477 = tpu.vector_load %arg8[%get3A_474, %get3A_475, %get3A_476] {strides = array<i32>} : memref<3x200x128xf32, #tpu.memory_space<vmem>>, vector<1x1x16xf32>,
        %get3A_478 = vector.shape_cast %get3A_477 : vector<1x1x16xf32> to vector<16xf32>
        %max3A_479 = arith.maximumf %max3A_428, %get3A_478 : vector<16xf32>
        %add3A_480 = arith.constant 3 : i32
        %add3A_481 = arith.addi %mul3A_261, %add3A_480 : i32
        %add3A_482 = arith.constant 32 : i32
        %add3A_483 = arith.addi %mul3A_457, %add3A_482 : i32
        %get3A_484 = arith.constant 1 : i32
        %get3A_485 = arith.index_cast %get3A_484 : i32 to index
        %get3A_486 = arith.index_cast %add3A_481 : i32 to index
        %get3A_487 = arith.index_cast %add3A_483 : i32 to index
        %get3A_488 = tpu.vector_load %arg8[%get3A_485, %get3A_486, %get3A_487] {strides = array<i32>} : memref<3x200x128xf32, #tpu.memory_space<vmem>>, vector<1x1x16xf32>,
        %get3A_489 = vector.shape_cast %get3A_488 : vector<1x1x16xf32> to vector<16xf32>
        %max3A_490 = arith.maximumf %max3A_439, %get3A_489 : vector<16xf32>
        %add3A_491 = arith.constant 3 : i32
        %add3A_492 = arith.addi %mul3A_261, %add3A_491 : i32
        %add3A_493 = arith.constant 48 : i32
        %add3A_494 = arith.addi %mul3A_457, %add3A_493 : i32
        %get3A_495 = arith.constant 1 : i32
        %get3A_496 = arith.index_cast %get3A_495 : i32 to index
        %get3A_497 = arith.index_cast %add3A_492 : i32 to index
        %get3A_498 = arith.index_cast %add3A_494 : i32 to index
        %get3A_499 = tpu.vector_load %arg8[%get3A_496, %get3A_497, %get3A_498] {strides = array<i32>} : memref<3x200x128xf32, #tpu.memory_space<vmem>>, vector<1x1x16xf32>,
        %get3A_500 = vector.shape_cast %get3A_499 : vector<1x1x16xf32> to vector<16xf32>
        %max3A_501 = arith.maximumf %max3A_450, %get3A_500 : vector<16xf32>
        %add3A_502 = arith.constant 4 : i32
        %add3A_503 = arith.addi %mul3A_299, %add3A_502 : i32
        %shift_right_arithmetic3A_504 = arith.shrsi %squeeze3A, %add3A_503 : i32
        %and3A_505 = arith.constant 1 : i32
        %and3A_506 = arith.andi %shift_right_arithmetic3A_504, %and3A_505 : i32
        %mul3A_507 = arith.constant 64 : i32
        %mul3A_508 = arith.muli %and3A_506, %mul3A_507 : i32
        %add3A_509 = arith.constant 4 : i32
        %add3A_510 = arith.addi %mul3A_261, %add3A_509 : i32
        %add3A_511 = arith.constant 0 : i32
        %add3A_512 = arith.addi %mul3A_508, %add3A_511 : i32
        %get3A_513 = arith.constant 1 : i32
        %get3A_514 = arith.index_cast %get3A_513 : i32 to index
        %get3A_515 = arith.index_cast %add3A_510 : i32 to index
        %get3A_516 = arith.index_cast %add3A_512 : i32 to index
        %get3A_517 = tpu.vector_load %arg8[%get3A_514, %get3A_515, %get3A_516] {strides = array<i32>} : memref<3x200x128xf32, #tpu.memory_space<vmem>>, vector<1x1x16xf32>,
        %get3A_518 = vector.shape_cast %get3A_517 : vector<1x1x16xf32> to vector<16xf32>
        %max3A_519 = arith.maximumf %max3A_468, %get3A_518 : vector<16xf32>
        %add3A_520 = arith.constant 4 : i32
        %add3A_521 = arith.addi %mul3A_261, %add3A_520 : i32
        %add3A_522 = arith.constant 16 : i32
        %add3A_523 = arith.addi %mul3A_508, %add3A_522 : i32
        %get3A_524 = arith.constant 1 : i32
        %get3A_525 = arith.index_cast %get3A_524 : i32 to index
        %get3A_526 = arith.index_cast %add3A_521 : i32 to index
        %get3A_527 = arith.index_cast %add3A_523 : i32 to index
        %get3A_528 = tpu.vector_load %arg8[%get3A_525, %get3A_526, %get3A_527] {strides = array<i32>} : memref<3x200x128xf32, #tpu.memory_space<vmem>>, vector<1x1x16xf32>,
        %get3A_529 = vector.shape_cast %get3A_528 : vector<1x1x16xf32> to vector<16xf32>
        %max3A_530 = arith.maximumf %max3A_479, %get3A_529 : vector<16xf32>
        %add3A_531 = arith.constant 4 : i32
        %add3A_532 = arith.addi %mul3A_261, %add3A_531 : i32
        %add3A_533 = arith.constant 32 : i32
        %add3A_534 = arith.addi %mul3A_508, %add3A_533 : i32
        %get3A_535 = arith.constant 1 : i32
        %get3A_536 = arith.index_cast %get3A_535 : i32 to index
        %get3A_537 = arith.index_cast %add3A_532 : i32 to index
        %get3A_538 = arith.index_cast %add3A_534 : i32 to index
        %get3A_539 = tpu.vector_load %arg8[%get3A_536, %get3A_537, %get3A_538] {strides = array<i32>} : memref<3x200x128xf32, #tpu.memory_space<vmem>>, vector<1x1x16xf32>,
        %get3A_540 = vector.shape_cast %get3A_539 : vector<1x1x16xf32> to vector<16xf32>
        %max3A_541 = arith.maximumf %max3A_490, %get3A_540 : vector<16xf32>
        %add3A_542 = arith.constant 4 : i32
        %add3A_543 = arith.addi %mul3A_261, %add3A_542 : i32
        %add3A_544 = arith.constant 48 : i32
        %add3A_545 = arith.addi %mul3A_508, %add3A_544 : i32
        %get3A_546 = arith.constant 1 : i32
        %get3A_547 = arith.index_cast %get3A_546 : i32 to index
        %get3A_548 = arith.index_cast %add3A_543 : i32 to index
        %get3A_549 = arith.index_cast %add3A_545 : i32 to index
        %get3A_550 = tpu.vector_load %arg8[%get3A_547, %get3A_548, %get3A_549] {strides = array<i32>} : memref<3x200x128xf32, #tpu.memory_space<vmem>>, vector<1x1x16xf32>,
        %get3A_551 = vector.shape_cast %get3A_550 : vector<1x1x16xf32> to vector<16xf32>
        %max3A_552 = arith.maximumf %max3A_501, %get3A_551 : vector<16xf32>
        %add3A_553 = arith.constant 5 : i32
        %add3A_554 = arith.addi %mul3A_299, %add3A_553 : i32
        %shift_right_arithmetic3A_555 = arith.shrsi %squeeze3A, %add3A_554 : i32
        %and3A_556 = arith.constant 1 : i32
        %and3A_557 = arith.andi %shift_right_arithmetic3A_555, %and3A_556 : i32
        %mul3A_558 = arith.constant 64 : i32
        %mul3A_559 = arith.muli %and3A_557, %mul3A_558 : i32
        %add3A_560 = arith.constant 5 : i32
        %add3A_561 = arith.addi %mul3A_261, %add3A_560 : i32
        %add3A_562 = arith.constant 0 : i32
        %add3A_563 = arith.addi %mul3A_559, %add3A_562 : i32
        %get3A_564 = arith.constant 1 : i32
        %get3A_565 = arith.index_cast %get3A_564 : i32 to index
        %get3A_566 = arith.index_cast %add3A_561 : i32 to index
        %get3A_567 = arith.index_cast %add3A_563 : i32 to index
        %get3A_568 = tpu.vector_load %arg8[%get3A_565, %get3A_566, %get3A_567] {strides = array<i32>} : memref<3x200x128xf32, #tpu.memory_space<vmem>>, vector<1x1x16xf32>,
        %get3A_569 = vector.shape_cast %get3A_568 : vector<1x1x16xf32> to vector<16xf32>
        %max3A_570 = arith.maximumf %max3A_519, %get3A_569 : vector<16xf32>
        %add3A_571 = arith.constant 5 : i32
        %add3A_572 = arith.addi %mul3A_261, %add3A_571 : i32
        %add3A_573 = arith.constant 16 : i32
        %add3A_574 = arith.addi %mul3A_559, %add3A_573 : i32
        %get3A_575 = arith.constant 1 : i32
        %get3A_576 = arith.index_cast %get3A_575 : i32 to index
        %get3A_577 = arith.index_cast %add3A_572 : i32 to index
        %get3A_578 = arith.index_cast %add3A_574 : i32 to index
        %get3A_579 = tpu.vector_load %arg8[%get3A_576, %get3A_577, %get3A_578] {strides = array<i32>} : memref<3x200x128xf32, #tpu.memory_space<vmem>>, vector<1x1x16xf32>,
        %get3A_580 = vector.shape_cast %get3A_579 : vector<1x1x16xf32> to vector<16xf32>
        %max3A_581 = arith.maximumf %max3A_530, %get3A_580 : vector<16xf32>
        %add3A_582 = arith.constant 5 : i32
        %add3A_583 = arith.addi %mul3A_261, %add3A_582 : i32
        %add3A_584 = arith.constant 32 : i32
        %add3A_585 = arith.addi %mul3A_559, %add3A_584 : i32
        %get3A_586 = arith.constant 1 : i32
        %get3A_587 = arith.index_cast %get3A_586 : i32 to index
        %get3A_588 = arith.index_cast %add3A_583 : i32 to index
        %get3A_589 = arith.index_cast %add3A_585 : i32 to index
        %get3A_590 = tpu.vector_load %arg8[%get3A_587, %get3A_588, %get3A_589] {strides = array<i32>} : memref<3x200x128xf32, #tpu.memory_space<vmem>>, vector<1x1x16xf32>,
        %get3A_591 = vector.shape_cast %get3A_590 : vector<1x1x16xf32> to vector<16xf32>
        %max3A_592 = arith.maximumf %max3A_541, %get3A_591 : vector<16xf32>
        %add3A_593 = arith.constant 5 : i32
        %add3A_594 = arith.addi %mul3A_261, %add3A_593 : i32
        %add3A_595 = arith.constant 48 : i32
        %add3A_596 = arith.addi %mul3A_559, %add3A_595 : i32
        %get3A_597 = arith.constant 1 : i32
        %get3A_598 = arith.index_cast %get3A_597 : i32 to index
        %get3A_599 = arith.index_cast %add3A_594 : i32 to index
        %get3A_600 = arith.index_cast %add3A_596 : i32 to index
        %get3A_601 = tpu.vector_load %arg8[%get3A_598, %get3A_599, %get3A_600] {strides = array<i32>} : memref<3x200x128xf32, #tpu.memory_space<vmem>>, vector<1x1x16xf32>,
        %get3A_602 = vector.shape_cast %get3A_601 : vector<1x1x16xf32> to vector<16xf32>
        %max3A_603 = arith.maximumf %max3A_552, %get3A_602 : vector<16xf32>
        %add3A_604 = arith.constant 6 : i32
        %add3A_605 = arith.addi %mul3A_299, %add3A_604 : i32
        %shift_right_arithmetic3A_606 = arith.shrsi %squeeze3A, %add3A_605 : i32
        %and3A_607 = arith.constant 1 : i32
        %and3A_608 = arith.andi %shift_right_arithmetic3A_606, %and3A_607 : i32
        %mul3A_609 = arith.constant 64 : i32
        %mul3A_610 = arith.muli %and3A_608, %mul3A_609 : i32
        %add3A_611 = arith.constant 6 : i32
        %add3A_612 = arith.addi %mul3A_261, %add3A_611 : i32
        %add3A_613 = arith.constant 0 : i32
        %add3A_614 = arith.addi %mul3A_610, %add3A_613 : i32
        %get3A_615 = arith.constant 1 : i32
        %get3A_616 = arith.index_cast %get3A_615 : i32 to index
        %get3A_617 = arith.index_cast %add3A_612 : i32 to index
        %get3A_618 = arith.index_cast %add3A_614 : i32 to index
        %get3A_619 = tpu.vector_load %arg8[%get3A_616, %get3A_617, %get3A_618] {strides = array<i32>} : memref<3x200x128xf32, #tpu.memory_space<vmem>>, vector<1x1x16xf32>,
        %get3A_620 = vector.shape_cast %get3A_619 : vector<1x1x16xf32> to vector<16xf32>
        %max3A_621 = arith.maximumf %max3A_570, %get3A_620 : vector<16xf32>
        %add3A_622 = arith.constant 6 : i32
        %add3A_623 = arith.addi %mul3A_261, %add3A_622 : i32
        %add3A_624 = arith.constant 16 : i32
        %add3A_625 = arith.addi %mul3A_610, %add3A_624 : i32
        %get3A_626 = arith.constant 1 : i32
        %get3A_627 = arith.index_cast %get3A_626 : i32 to index
        %get3A_628 = arith.index_cast %add3A_623 : i32 to index
        %get3A_629 = arith.index_cast %add3A_625 : i32 to index
        %get3A_630 = tpu.vector_load %arg8[%get3A_627, %get3A_628, %get3A_629] {strides = array<i32>} : memref<3x200x128xf32, #tpu.memory_space<vmem>>, vector<1x1x16xf32>,
        %get3A_631 = vector.shape_cast %get3A_630 : vector<1x1x16xf32> to vector<16xf32>
        %max3A_632 = arith.maximumf %max3A_581, %get3A_631 : vector<16xf32>
        %add3A_633 = arith.constant 6 : i32
        %add3A_634 = arith.addi %mul3A_261, %add3A_633 : i32
        %add3A_635 = arith.constant 32 : i32
        %add3A_636 = arith.addi %mul3A_610, %add3A_635 : i32
        %get3A_637 = arith.constant 1 : i32
        %get3A_638 = arith.index_cast %get3A_637 : i32 to index
        %get3A_639 = arith.index_cast %add3A_634 : i32 to index
        %get3A_640 = arith.index_cast %add3A_636 : i32 to index
        %get3A_641 = tpu.vector_load %arg8[%get3A_638, %get3A_639, %get3A_640] {strides = array<i32>} : memref<3x200x128xf32, #tpu.memory_space<vmem>>, vector<1x1x16xf32>,
        %get3A_642 = vector.shape_cast %get3A_641 : vector<1x1x16xf32> to vector<16xf32>
        %max3A_643 = arith.maximumf %max3A_592, %get3A_642 : vector<16xf32>
        %add3A_644 = arith.constant 6 : i32
        %add3A_645 = arith.addi %mul3A_261, %add3A_644 : i32
        %add3A_646 = arith.constant 48 : i32
        %add3A_647 = arith.addi %mul3A_610, %add3A_646 : i32
        %get3A_648 = arith.constant 1 : i32
        %get3A_649 = arith.index_cast %get3A_648 : i32 to index
        %get3A_650 = arith.index_cast %add3A_645 : i32 to index
        %get3A_651 = arith.index_cast %add3A_647 : i32 to index
        %get3A_652 = tpu.vector_load %arg8[%get3A_649, %get3A_650, %get3A_651] {strides = array<i32>} : memref<3x200x128xf32, #tpu.memory_space<vmem>>, vector<1x1x16xf32>,
        %get3A_653 = vector.shape_cast %get3A_652 : vector<1x1x16xf32> to vector<16xf32>
        %max3A_654 = arith.maximumf %max3A_603, %get3A_653 : vector<16xf32>
        %add3A_655 = arith.constant 7 : i32
        %add3A_656 = arith.addi %mul3A_299, %add3A_655 : i32
        %shift_right_arithmetic3A_657 = arith.shrsi %squeeze3A, %add3A_656 : i32
        %and3A_658 = arith.constant 1 : i32
        %and3A_659 = arith.andi %shift_right_arithmetic3A_657, %and3A_658 : i32
        %mul3A_660 = arith.constant 64 : i32
        %mul3A_661 = arith.muli %and3A_659, %mul3A_660 : i32
        %add3A_662 = arith.constant 7 : i32
        %add3A_663 = arith.addi %mul3A_261, %add3A_662 : i32
        %add3A_664 = arith.constant 0 : i32
        %add3A_665 = arith.addi %mul3A_661, %add3A_664 : i32
        %get3A_666 = arith.constant 1 : i32
        %get3A_667 = arith.index_cast %get3A_666 : i32 to index
        %get3A_668 = arith.index_cast %add3A_663 : i32 to index
        %get3A_669 = arith.index_cast %add3A_665 : i32 to index
        %get3A_670 = tpu.vector_load %arg8[%get3A_667, %get3A_668, %get3A_669] {strides = array<i32>} : memref<3x200x128xf32, #tpu.memory_space<vmem>>, vector<1x1x16xf32>,
        %get3A_671 = vector.shape_cast %get3A_670 : vector<1x1x16xf32> to vector<16xf32>
        %max3A_672 = arith.maximumf %max3A_621, %get3A_671 : vector<16xf32>
        %add3A_673 = arith.constant 7 : i32
        %add3A_674 = arith.addi %mul3A_261, %add3A_673 : i32
        %add3A_675 = arith.constant 16 : i32
        %add3A_676 = arith.addi %mul3A_661, %add3A_675 : i32
        %get3A_677 = arith.constant 1 : i32
        %get3A_678 = arith.index_cast %get3A_677 : i32 to index
        %get3A_679 = arith.index_cast %add3A_674 : i32 to index
        %get3A_680 = arith.index_cast %add3A_676 : i32 to index
        %get3A_681 = tpu.vector_load %arg8[%get3A_678, %get3A_679, %get3A_680] {strides = array<i32>} : memref<3x200x128xf32, #tpu.memory_space<vmem>>, vector<1x1x16xf32>,
        %get3A_682 = vector.shape_cast %get3A_681 : vector<1x1x16xf32> to vector<16xf32>
        %max3A_683 = arith.maximumf %max3A_632, %get3A_682 : vector<16xf32>
        %add3A_684 = arith.constant 7 : i32
        %add3A_685 = arith.addi %mul3A_261, %add3A_684 : i32
        %add3A_686 = arith.constant 32 : i32
        %add3A_687 = arith.addi %mul3A_661, %add3A_686 : i32
        %get3A_688 = arith.constant 1 : i32
        %get3A_689 = arith.index_cast %get3A_688 : i32 to index
        %get3A_690 = arith.index_cast %add3A_685 : i32 to index
        %get3A_691 = arith.index_cast %add3A_687 : i32 to index
        %get3A_692 = tpu.vector_load %arg8[%get3A_689, %get3A_690, %get3A_691] {strides = array<i32>} : memref<3x200x128xf32, #tpu.memory_space<vmem>>, vector<1x1x16xf32>,
        %get3A_693 = vector.shape_cast %get3A_692 : vector<1x1x16xf32> to vector<16xf32>
        %max3A_694 = arith.maximumf %max3A_643, %get3A_693 : vector<16xf32>
        %add3A_695 = arith.constant 7 : i32
        %add3A_696 = arith.addi %mul3A_261, %add3A_695 : i32
        %add3A_697 = arith.constant 48 : i32
        %add3A_698 = arith.addi %mul3A_661, %add3A_697 : i32
        %get3A_699 = arith.constant 1 : i32
        %get3A_700 = arith.index_cast %get3A_699 : i32 to index
        %get3A_701 = arith.index_cast %add3A_696 : i32 to index
        %get3A_702 = arith.index_cast %add3A_698 : i32 to index
        %get3A_703 = tpu.vector_load %arg8[%get3A_700, %get3A_701, %get3A_702] {strides = array<i32>} : memref<3x200x128xf32, #tpu.memory_space<vmem>>, vector<1x1x16xf32>,
        %get3A_704 = vector.shape_cast %get3A_703 : vector<1x1x16xf32> to vector<16xf32>
        %max3A_705 = arith.maximumf %max3A_654, %get3A_704 : vector<16xf32>
        scf.yield %max3A_672, %max3A_683, %max3A_694, %max3A_705 : vector<16xf32>, vector<16xf32>, vector<16xf32>, vector<16xf32>
      }
      %scan3A_186 = arith.constant 25 : i32
      %swap3A_187 = arith.index_cast %add3A_162 : i32 to index
      %swap3A_188 = arith.constant 0 : index
      %swap3A_189 = tpu.vector_load %arg9[%swap3A_187, %swap3A_188] {strides = array<i32>} : memref<128x128xf32, #tpu.memory_space<vmem>>, vector<1x16xf32>,
      %swap3A_190 = vector.shape_cast %swap3A_189 : vector<1x16xf32> to vector<16xf32>
      %swap3A_191 = vector.shape_cast %scan3A_185#0 : vector<16xf32> to vector<1x16xf32>
      tpu.vector_store %arg9[%swap3A_187, %swap3A_188], %swap3A_191 {strides = array<i32>} : memref<128x128xf32, #tpu.memory_space<vmem>>, vector<1x16xf32>,
      %swap3A_192 = arith.index_cast %add3A_162 : i32 to index
      %swap3A_193 = arith.constant 16 : index
      %swap3A_194 = tpu.vector_load %arg9[%swap3A_192, %swap3A_193] {strides = array<i32>} : memref<128x128xf32, #tpu.memory_space<vmem>>, vector<1x16xf32>,
      %swap3A_195 = vector.shape_cast %swap3A_194 : vector<1x16xf32> to vector<16xf32>
      %swap3A_196 = vector.shape_cast %scan3A_185#1 : vector<16xf32> to vector<1x16xf32>
      tpu.vector_store %arg9[%swap3A_192, %swap3A_193], %swap3A_196 {strides = array<i32>} : memref<128x128xf32, #tpu.memory_space<vmem>>, vector<1x16xf32>,
      %swap3A_197 = arith.index_cast %add3A_162 : i32 to index
      %swap3A_198 = arith.constant 32 : index
      %swap3A_199 = tpu.vector_load %arg9[%swap3A_197, %swap3A_198] {strides = array<i32>} : memref<128x128xf32, #tpu.memory_space<vmem>>, vector<1x16xf32>,
      %swap3A_200 = vector.shape_cast %swap3A_199 : vector<1x16xf32> to vector<16xf32>
      %swap3A_201 = vector.shape_cast %scan3A_185#2 : vector<16xf32> to vector<1x16xf32>
      tpu.vector_store %arg9[%swap3A_197, %swap3A_198], %swap3A_201 {strides = array<i32>} : memref<128x128xf32, #tpu.memory_space<vmem>>, vector<1x16xf32>,
      %swap3A_202 = arith.index_cast %add3A_162 : i32 to index
      %swap3A_203 = arith.constant 48 : index
      %swap3A_204 = tpu.vector_load %arg9[%swap3A_202, %swap3A_203] {strides = array<i32>} : memref<128x128xf32, #tpu.memory_space<vmem>>, vector<1x16xf32>,
      %swap3A_205 = vector.shape_cast %swap3A_204 : vector<1x16xf32> to vector<16xf32>
      %swap3A_206 = vector.shape_cast %scan3A_185#3 : vector<16xf32> to vector<1x16xf32>
      tpu.vector_store %arg9[%swap3A_202, %swap3A_203], %swap3A_206 {strides = array<i32>} : memref<128x128xf32, #tpu.memory_space<vmem>>, vector<1x16xf32>,
      %mul3A_207 = arith.constant 3 : i32
      %mul3A_208 = arith.muli %scan3A_113, %mul3A_207 : i32
      %add3A_209 = arith.constant 2 : i32
      %add3A_210 = arith.addi %mul3A_208, %add3A_209 : i32
      %multiple_of3A_211 = arith.constant 0 : i32
      %multiple_of3A_212 = tpu.assume_multiple %multiple_of3A_211, 256 : i32
      %dma_wait3A_213 = arith.constant 2 : i32
      %dma_wait3A_214 = arith.constant 0 : i32
      %dma_wait3A_215 = arith.constant 0 : i32
      %dma_wait3A_216 = tpu.memref_slice %arg8[%dma_wait3A_213, %dma_wait3A_214, %dma_wait3A_215] : memref<3x200x128xf32, #tpu.memory_space<vmem>> -> memref<1x200x128xf32, #tpu.memory_space<vmem>>
      %dma_wait3A_217 = tpu.memref_squeeze %dma_wait3A_216 : memref<1x200x128xf32, #tpu.memory_space<vmem>> -> memref<200x128xf32, #tpu.memory_space<vmem>>
      %dma_wait3A_218 = tpu.memref_slice %arg6[%multiple_of3A_212] : memref<32768xi32, #tpu.memory_space<vmem>> -> memref<200xi32, #tpu.memory_space<vmem>>
      %dma_wait3A_219 = arith.constant 0 : i32
      %dma_wait3A_220 = arith.constant 0 : i32
      %dma_wait3A_221 = tpu.memref_slice %arg4[%dma_wait3A_219, %dma_wait3A_220] : memref<503808x128xf32, #tpu.memory_space<hbm>> -> memref<503808x128xf32, #tpu.memory_space<hbm>>
      tpu.wait_indirect_dma semaphore(%arg12 : memref<!tpu.dma_semaphore, #tpu.memory_space<semaphore_mem>>) src(%dma_wait3A_221 : memref<503808x128xf32, #tpu.memory_space<hbm>>) dst(%dma_wait3A_217 : memref<200x128xf32, #tpu.memory_space<vmem>>)
      %add3A_222 = arith.constant 2 : i32
      %add3A_223 = arith.addi %add3A_210, %add3A_222 : i32
      %lt3A_224 = arith.constant 128 : i32
      %lt3A_225 = arith.cmpi slt, %add3A_223, %lt3A_224 : i32
      %convert_element_type3A_226 = arith.extui %lt3A_225 : i1 to i32
      %cond3A_227 = arith.constant 0 : i32
      %cond3A_228 = arith.cmpi ne, %convert_element_type3A_226, %cond3A_227 : i32
      scf.if %cond3A_228 {
        %add3A_255 = arith.constant 2 : i32
        %add3A_256 = arith.addi %add3A_210, %add3A_255 : i32
        %mul3A_257 = arith.constant 256 : i32
        %mul3A_258 = arith.muli %add3A_256, %mul3A_257 : i32
        %multiple_of3A_259 = tpu.assume_multiple %mul3A_258, 256 : i32
        %dma_start3A_260 = arith.constant 1 : i32
        %dma_start3A_261 = arith.constant 0 : i32
        %dma_start3A_262 = arith.constant 0 : i32
        %dma_start3A_263 = tpu.memref_slice %arg8[%dma_start3A_260, %dma_start3A_261, %dma_start3A_262] : memref<3x200x128xf32, #tpu.memory_space<vmem>> -> memref<1x200x128xf32, #tpu.memory_space<vmem>>
        %dma_start3A_264 = tpu.memref_squeeze %dma_start3A_263 : memref<1x200x128xf32, #tpu.memory_space<vmem>> -> memref<200x128xf32, #tpu.memory_space<vmem>>
        %dma_start3A_265 = tpu.memref_slice %arg6[%multiple_of3A_259] : memref<32768xi32, #tpu.memory_space<vmem>> -> memref<200xi32, #tpu.memory_space<vmem>>
        %dma_start3A_266 = arith.constant 0 : i32
        %dma_start3A_267 = arith.constant 0 : i32
        %dma_start3A_268 = tpu.memref_slice %arg4[%dma_start3A_266, %dma_start3A_267] : memref<503808x128xf32, #tpu.memory_space<hbm>> -> memref<503808x128xf32, #tpu.memory_space<hbm>>
        tpu.enqueue_indirect_dma source(%dma_start3A_268 : memref<503808x128xf32, #tpu.memory_space<hbm>>) target(%dma_start3A_264 : memref<200x128xf32, #tpu.memory_space<vmem>>) offsets(%dma_start3A_265 : memref<200xi32, #tpu.memory_space<vmem>>) semaphore(%arg11 : memref<!tpu.dma_semaphore, #tpu.memory_space<semaphore_mem>>)
      } else {
      }
      %scan3A_229 = arith.constant 0 : i32
      %scan3A_230 = arith.constant 25 : i32
      %scan3A_231 = arith.addi %scan3A_229, %scan3A_230 : i32
      %scan3A_232 = arith.constant 1 : i32
      %scan3A_233:4 = scf.for %scan3A_255 = %scan3A_229 to %scan3A_231 step %scan3A_232 iter_args(%scan3A_256 = %broadcast_in_dim3A_27, %scan3A_257 = %broadcast_in_dim3A_27, %scan3A_258 = %broadcast_in_dim3A_27, %scan3A_259 = %broadcast_in_dim3A_27) -> (vector<16xf32>, vector<16xf32>, vector<16xf32>, vector<16xf32>)  : i32 {
        %mul3A_260 = arith.constant 8 : i32
        %mul3A_261 = arith.muli %scan3A_255, %mul3A_260 : i32
        %mul3A_262 = arith.constant 8 : i32
        %mul3A_263 = arith.muli %add3A_210, %mul3A_262 : i32
        %jit3A = arith.constant 4 : i32
        %div3A = arith.divsi %scan3A_255, %jit3A : i32
        %sign3A = arith.constant 0 : i32
        %sign3A_264 = arith.cmpi sgt, %scan3A_255, %sign3A : i32
        %sign3A_265 = arith.extui %sign3A_264 : i1 to i32
        %sign3A_266 = arith.constant 0 : i32
        %sign3A_267 = arith.cmpi slt, %scan3A_255, %sign3A_266 : i32
        %sign3A_268 = arith.extui %sign3A_267 : i1 to i32
        %sign3A_269 = arith.subi %sign3A_265, %sign3A_268 : i32
        %sign3A_270 = arith.constant 0 : i32
        %sign3A_271 = arith.cmpi sgt, %jit3A, %sign3A_270 : i32
        %sign3A_272 = arith.extui %sign3A_271 : i1 to i32
        %sign3A_273 = arith.constant 0 : i32
        %sign3A_274 = arith.cmpi slt, %jit3A, %sign3A_273 : i32
        %sign3A_275 = arith.extui %sign3A_274 : i1 to i32
        %sign3A_276 = arith.subi %sign3A_272, %sign3A_275 : i32
        %ne3A = arith.cmpi ne, %sign3A_269, %sign3A_276 : i32
        %rem3A = arith.remsi %scan3A_255, %jit3A : i32
        %ne3A_277 = arith.constant 0 : i32
        %ne3A_278 = arith.cmpi ne, %rem3A, %ne3A_277 : i32
        %and3A = arith.andi %ne3A, %ne3A_278 : i1
        %sub3A = arith.constant 1 : i32
        %sub3A_279 = arith.subi %div3A, %sub3A : i32
        %select_n3A = arith.select %and3A, %sub3A_279, %div3A : i32
        %add3A_280 = arith.addi %mul3A_263, %select_n3A : i32
        %get3A = arith.index_cast %add3A_280 : i32 to index
        %get3A_281 = tpu.vector_load %arg7[%get3A] {strides = array<i32>} : memref<1040xi32, #tpu.memory_space<vmem>>, vector<16xi32>,
        %get3A_282 = vector.shape_cast %get3A_281 : vector<16xi32> to vector<16xi32>
        %slice3A = vector.extract_strided_slice %get3A_282 {offsets = [0], sizes = [1], strides = [1]} : vector<16xi32> to vector<1xi32>
        %squeeze3A = vector.extract %slice3A[0] : i32 from vector<1xi32>
        %jit3A_283 = arith.constant 4 : i32
        %eq3A = arith.constant 0 : i32
        %eq3A_284 = arith.cmpi eq, %jit3A_283, %eq3A : i32
        %jit3A_285 = arith.constant 1 : i32
        %select_n3A_286 = arith.select %eq3A_284, %jit3A_285, %jit3A_283 : i32
        %rem3A_287 = arith.remsi %scan3A_255, %select_n3A_286 : i32
        %ne3A_288 = arith.constant 0 : i32
        %ne3A_289 = arith.cmpi ne, %rem3A_287, %ne3A_288 : i32
        %lt3A_290 = arith.constant 0 : i32
        %lt3A_291 = arith.cmpi slt, %rem3A_287, %lt3A_290 : i32
        %lt3A_292 = arith.constant 0 : i32
        %lt3A_293 = arith.cmpi slt, %select_n3A_286, %lt3A_292 : i32
        %ne3A_294 = arith.xori %lt3A_291, %lt3A_293 : i1
        %and3A_295 = arith.andi %ne3A_294, %ne3A_289 : i1
        %add3A_296 = arith.addi %rem3A_287, %select_n3A_286 : i32
        %select_n3A_297 = arith.select %and3A_295, %add3A_296, %rem3A_287 : i32
        %mul3A_298 = arith.constant 8 : i32
        %mul3A_299 = arith.muli %select_n3A_297, %mul3A_298 : i32
        %add3A_300 = arith.constant 0 : i32
        %add3A_301 = arith.addi %mul3A_299, %add3A_300 : i32
        %shift_right_arithmetic3A = arith.shrsi %squeeze3A, %add3A_301 : i32
        %and3A_302 = arith.constant 1 : i32
        %and3A_303 = arith.andi %shift_right_arithmetic3A, %and3A_302 : i32
        %mul3A_304 = arith.constant 64 : i32
        %mul3A_305 = arith.muli %and3A_303, %mul3A_304 : i32
        %add3A_306 = arith.constant 0 : i32
        %add3A_307 = arith.addi %mul3A_261, %add3A_306 : i32
        %add3A_308 = arith.constant 0 : i32
        %add3A_309 = arith.addi %mul3A_305, %add3A_308 : i32
        %get3A_310 = arith.constant 2 : i32
        %get3A_311 = arith.index_cast %get3A_310 : i32 to index
        %get3A_312 = arith.index_cast %add3A_307 : i32 to index
        %get3A_313 = arith.index_cast %add3A_309 : i32 to index
        %get3A_314 = tpu.vector_load %arg8[%get3A_311, %get3A_312, %get3A_313] {strides = array<i32>} : memref<3x200x128xf32, #tpu.memory_space<vmem>>, vector<1x1x16xf32>,
        %get3A_315 = vector.shape_cast %get3A_314 : vector<1x1x16xf32> to vector<16xf32>
        %max3A = arith.maximumf %scan3A_256, %get3A_315 : vector<16xf32>
        %add3A_316 = arith.constant 0 : i32
        %add3A_317 = arith.addi %mul3A_261, %add3A_316 : i32
        %add3A_318 = arith.constant 16 : i32
        %add3A_319 = arith.addi %mul3A_305, %add3A_318 : i32
        %get3A_320 = arith.constant 2 : i32
        %get3A_321 = arith.index_cast %get3A_320 : i32 to index
        %get3A_322 = arith.index_cast %add3A_317 : i32 to index
        %get3A_323 = arith.index_cast %add3A_319 : i32 to index
        %get3A_324 = tpu.vector_load %arg8[%get3A_321, %get3A_322, %get3A_323] {strides = array<i32>} : memref<3x200x128xf32, #tpu.memory_space<vmem>>, vector<1x1x16xf32>,
        %get3A_325 = vector.shape_cast %get3A_324 : vector<1x1x16xf32> to vector<16xf32>
        %max3A_326 = arith.maximumf %scan3A_257, %get3A_325 : vector<16xf32>
        %add3A_327 = arith.constant 0 : i32
        %add3A_328 = arith.addi %mul3A_261, %add3A_327 : i32
        %add3A_329 = arith.constant 32 : i32
        %add3A_330 = arith.addi %mul3A_305, %add3A_329 : i32
        %get3A_331 = arith.constant 2 : i32
        %get3A_332 = arith.index_cast %get3A_331 : i32 to index
        %get3A_333 = arith.index_cast %add3A_328 : i32 to index
        %get3A_334 = arith.index_cast %add3A_330 : i32 to index
        %get3A_335 = tpu.vector_load %arg8[%get3A_332, %get3A_333, %get3A_334] {strides = array<i32>} : memref<3x200x128xf32, #tpu.memory_space<vmem>>, vector<1x1x16xf32>,
        %get3A_336 = vector.shape_cast %get3A_335 : vector<1x1x16xf32> to vector<16xf32>
        %max3A_337 = arith.maximumf %scan3A_258, %get3A_336 : vector<16xf32>
        %add3A_338 = arith.constant 0 : i32
        %add3A_339 = arith.addi %mul3A_261, %add3A_338 : i32
        %add3A_340 = arith.constant 48 : i32
        %add3A_341 = arith.addi %mul3A_305, %add3A_340 : i32
        %get3A_342 = arith.constant 2 : i32
        %get3A_343 = arith.index_cast %get3A_342 : i32 to index
        %get3A_344 = arith.index_cast %add3A_339 : i32 to index
        %get3A_345 = arith.index_cast %add3A_341 : i32 to index
        %get3A_346 = tpu.vector_load %arg8[%get3A_343, %get3A_344, %get3A_345] {strides = array<i32>} : memref<3x200x128xf32, #tpu.memory_space<vmem>>, vector<1x1x16xf32>,
        %get3A_347 = vector.shape_cast %get3A_346 : vector<1x1x16xf32> to vector<16xf32>
        %max3A_348 = arith.maximumf %scan3A_259, %get3A_347 : vector<16xf32>
        %add3A_349 = arith.constant 1 : i32
        %add3A_350 = arith.addi %mul3A_299, %add3A_349 : i32
        %shift_right_arithmetic3A_351 = arith.shrsi %squeeze3A, %add3A_350 : i32
        %and3A_352 = arith.constant 1 : i32
        %and3A_353 = arith.andi %shift_right_arithmetic3A_351, %and3A_352 : i32
        %mul3A_354 = arith.constant 64 : i32
        %mul3A_355 = arith.muli %and3A_353, %mul3A_354 : i32
        %add3A_356 = arith.constant 1 : i32
        %add3A_357 = arith.addi %mul3A_261, %add3A_356 : i32
        %add3A_358 = arith.constant 0 : i32
        %add3A_359 = arith.addi %mul3A_355, %add3A_358 : i32
        %get3A_360 = arith.constant 2 : i32
        %get3A_361 = arith.index_cast %get3A_360 : i32 to index
        %get3A_362 = arith.index_cast %add3A_357 : i32 to index
        %get3A_363 = arith.index_cast %add3A_359 : i32 to index
        %get3A_364 = tpu.vector_load %arg8[%get3A_361, %get3A_362, %get3A_363] {strides = array<i32>} : memref<3x200x128xf32, #tpu.memory_space<vmem>>, vector<1x1x16xf32>,
        %get3A_365 = vector.shape_cast %get3A_364 : vector<1x1x16xf32> to vector<16xf32>
        %max3A_366 = arith.maximumf %max3A, %get3A_365 : vector<16xf32>
        %add3A_367 = arith.constant 1 : i32
        %add3A_368 = arith.addi %mul3A_261, %add3A_367 : i32
        %add3A_369 = arith.constant 16 : i32
        %add3A_370 = arith.addi %mul3A_355, %add3A_369 : i32
        %get3A_371 = arith.constant 2 : i32
        %get3A_372 = arith.index_cast %get3A_371 : i32 to index
        %get3A_373 = arith.index_cast %add3A_368 : i32 to index
        %get3A_374 = arith.index_cast %add3A_370 : i32 to index
        %get3A_375 = tpu.vector_load %arg8[%get3A_372, %get3A_373, %get3A_374] {strides = array<i32>} : memref<3x200x128xf32, #tpu.memory_space<vmem>>, vector<1x1x16xf32>,
        %get3A_376 = vector.shape_cast %get3A_375 : vector<1x1x16xf32> to vector<16xf32>
        %max3A_377 = arith.maximumf %max3A_326, %get3A_376 : vector<16xf32>
        %add3A_378 = arith.constant 1 : i32
        %add3A_379 = arith.addi %mul3A_261, %add3A_378 : i32
        %add3A_380 = arith.constant 32 : i32
        %add3A_381 = arith.addi %mul3A_355, %add3A_380 : i32
        %get3A_382 = arith.constant 2 : i32
        %get3A_383 = arith.index_cast %get3A_382 : i32 to index
        %get3A_384 = arith.index_cast %add3A_379 : i32 to index
        %get3A_385 = arith.index_cast %add3A_381 : i32 to index
        %get3A_386 = tpu.vector_load %arg8[%get3A_383, %get3A_384, %get3A_385] {strides = array<i32>} : memref<3x200x128xf32, #tpu.memory_space<vmem>>, vector<1x1x16xf32>,
        %get3A_387 = vector.shape_cast %get3A_386 : vector<1x1x16xf32> to vector<16xf32>
        %max3A_388 = arith.maximumf %max3A_337, %get3A_387 : vector<16xf32>
        %add3A_389 = arith.constant 1 : i32
        %add3A_390 = arith.addi %mul3A_261, %add3A_389 : i32
        %add3A_391 = arith.constant 48 : i32
        %add3A_392 = arith.addi %mul3A_355, %add3A_391 : i32
        %get3A_393 = arith.constant 2 : i32
        %get3A_394 = arith.index_cast %get3A_393 : i32 to index
        %get3A_395 = arith.index_cast %add3A_390 : i32 to index
        %get3A_396 = arith.index_cast %add3A_392 : i32 to index
        %get3A_397 = tpu.vector_load %arg8[%get3A_394, %get3A_395, %get3A_396] {strides = array<i32>} : memref<3x200x128xf32, #tpu.memory_space<vmem>>, vector<1x1x16xf32>,
        %get3A_398 = vector.shape_cast %get3A_397 : vector<1x1x16xf32> to vector<16xf32>
        %max3A_399 = arith.maximumf %max3A_348, %get3A_398 : vector<16xf32>
        %add3A_400 = arith.constant 2 : i32
        %add3A_401 = arith.addi %mul3A_299, %add3A_400 : i32
        %shift_right_arithmetic3A_402 = arith.shrsi %squeeze3A, %add3A_401 : i32
        %and3A_403 = arith.constant 1 : i32
        %and3A_404 = arith.andi %shift_right_arithmetic3A_402, %and3A_403 : i32
        %mul3A_405 = arith.constant 64 : i32
        %mul3A_406 = arith.muli %and3A_404, %mul3A_405 : i32
        %add3A_407 = arith.constant 2 : i32
        %add3A_408 = arith.addi %mul3A_261, %add3A_407 : i32
        %add3A_409 = arith.constant 0 : i32
        %add3A_410 = arith.addi %mul3A_406, %add3A_409 : i32
        %get3A_411 = arith.constant 2 : i32
        %get3A_412 = arith.index_cast %get3A_411 : i32 to index
        %get3A_413 = arith.index_cast %add3A_408 : i32 to index
        %get3A_414 = arith.index_cast %add3A_410 : i32 to index
        %get3A_415 = tpu.vector_load %arg8[%get3A_412, %get3A_413, %get3A_414] {strides = array<i32>} : memref<3x200x128xf32, #tpu.memory_space<vmem>>, vector<1x1x16xf32>,
        %get3A_416 = vector.shape_cast %get3A_415 : vector<1x1x16xf32> to vector<16xf32>
        %max3A_417 = arith.maximumf %max3A_366, %get3A_416 : vector<16xf32>
        %add3A_418 = arith.constant 2 : i32
        %add3A_419 = arith.addi %mul3A_261, %add3A_418 : i32
        %add3A_420 = arith.constant 16 : i32
        %add3A_421 = arith.addi %mul3A_406, %add3A_420 : i32
        %get3A_422 = arith.constant 2 : i32
        %get3A_423 = arith.index_cast %get3A_422 : i32 to index
        %get3A_424 = arith.index_cast %add3A_419 : i32 to index
        %get3A_425 = arith.index_cast %add3A_421 : i32 to index
        %get3A_426 = tpu.vector_load %arg8[%get3A_423, %get3A_424, %get3A_425] {strides = array<i32>} : memref<3x200x128xf32, #tpu.memory_space<vmem>>, vector<1x1x16xf32>,
        %get3A_427 = vector.shape_cast %get3A_426 : vector<1x1x16xf32> to vector<16xf32>
        %max3A_428 = arith.maximumf %max3A_377, %get3A_427 : vector<16xf32>
        %add3A_429 = arith.constant 2 : i32
        %add3A_430 = arith.addi %mul3A_261, %add3A_429 : i32
        %add3A_431 = arith.constant 32 : i32
        %add3A_432 = arith.addi %mul3A_406, %add3A_431 : i32
        %get3A_433 = arith.constant 2 : i32
        %get3A_434 = arith.index_cast %get3A_433 : i32 to index
        %get3A_435 = arith.index_cast %add3A_430 : i32 to index
        %get3A_436 = arith.index_cast %add3A_432 : i32 to index
        %get3A_437 = tpu.vector_load %arg8[%get3A_434, %get3A_435, %get3A_436] {strides = array<i32>} : memref<3x200x128xf32, #tpu.memory_space<vmem>>, vector<1x1x16xf32>,
        %get3A_438 = vector.shape_cast %get3A_437 : vector<1x1x16xf32> to vector<16xf32>
        %max3A_439 = arith.maximumf %max3A_388, %get3A_438 : vector<16xf32>
        %add3A_440 = arith.constant 2 : i32
        %add3A_441 = arith.addi %mul3A_261, %add3A_440 : i32
        %add3A_442 = arith.constant 48 : i32
        %add3A_443 = arith.addi %mul3A_406, %add3A_442 : i32
        %get3A_444 = arith.constant 2 : i32
        %get3A_445 = arith.index_cast %get3A_444 : i32 to index
        %get3A_446 = arith.index_cast %add3A_441 : i32 to index
        %get3A_447 = arith.index_cast %add3A_443 : i32 to index
        %get3A_448 = tpu.vector_load %arg8[%get3A_445, %get3A_446, %get3A_447] {strides = array<i32>} : memref<3x200x128xf32, #tpu.memory_space<vmem>>, vector<1x1x16xf32>,
        %get3A_449 = vector.shape_cast %get3A_448 : vector<1x1x16xf32> to vector<16xf32>
        %max3A_450 = arith.maximumf %max3A_399, %get3A_449 : vector<16xf32>
        %add3A_451 = arith.constant 3 : i32
        %add3A_452 = arith.addi %mul3A_299, %add3A_451 : i32
        %shift_right_arithmetic3A_453 = arith.shrsi %squeeze3A, %add3A_452 : i32
        %and3A_454 = arith.constant 1 : i32
        %and3A_455 = arith.andi %shift_right_arithmetic3A_453, %and3A_454 : i32
        %mul3A_456 = arith.constant 64 : i32
        %mul3A_457 = arith.muli %and3A_455, %mul3A_456 : i32
        %add3A_458 = arith.constant 3 : i32
        %add3A_459 = arith.addi %mul3A_261, %add3A_458 : i32
        %add3A_460 = arith.constant 0 : i32
        %add3A_461 = arith.addi %mul3A_457, %add3A_460 : i32
        %get3A_462 = arith.constant 2 : i32
        %get3A_463 = arith.index_cast %get3A_462 : i32 to index
        %get3A_464 = arith.index_cast %add3A_459 : i32 to index
        %get3A_465 = arith.index_cast %add3A_461 : i32 to index
        %get3A_466 = tpu.vector_load %arg8[%get3A_463, %get3A_464, %get3A_465] {strides = array<i32>} : memref<3x200x128xf32, #tpu.memory_space<vmem>>, vector<1x1x16xf32>,
        %get3A_467 = vector.shape_cast %get3A_466 : vector<1x1x16xf32> to vector<16xf32>
        %max3A_468 = arith.maximumf %max3A_417, %get3A_467 : vector<16xf32>
        %add3A_469 = arith.constant 3 : i32
        %add3A_470 = arith.addi %mul3A_261, %add3A_469 : i32
        %add3A_471 = arith.constant 16 : i32
        %add3A_472 = arith.addi %mul3A_457, %add3A_471 : i32
        %get3A_473 = arith.constant 2 : i32
        %get3A_474 = arith.index_cast %get3A_473 : i32 to index
        %get3A_475 = arith.index_cast %add3A_470 : i32 to index
        %get3A_476 = arith.index_cast %add3A_472 : i32 to index
        %get3A_477 = tpu.vector_load %arg8[%get3A_474, %get3A_475, %get3A_476] {strides = array<i32>} : memref<3x200x128xf32, #tpu.memory_space<vmem>>, vector<1x1x16xf32>,
        %get3A_478 = vector.shape_cast %get3A_477 : vector<1x1x16xf32> to vector<16xf32>
        %max3A_479 = arith.maximumf %max3A_428, %get3A_478 : vector<16xf32>
        %add3A_480 = arith.constant 3 : i32
        %add3A_481 = arith.addi %mul3A_261, %add3A_480 : i32
        %add3A_482 = arith.constant 32 : i32
        %add3A_483 = arith.addi %mul3A_457, %add3A_482 : i32
        %get3A_484 = arith.constant 2 : i32
        %get3A_485 = arith.index_cast %get3A_484 : i32 to index
        %get3A_486 = arith.index_cast %add3A_481 : i32 to index
        %get3A_487 = arith.index_cast %add3A_483 : i32 to index
        %get3A_488 = tpu.vector_load %arg8[%get3A_485, %get3A_486, %get3A_487] {strides = array<i32>} : memref<3x200x128xf32, #tpu.memory_space<vmem>>, vector<1x1x16xf32>,
        %get3A_489 = vector.shape_cast %get3A_488 : vector<1x1x16xf32> to vector<16xf32>
        %max3A_490 = arith.maximumf %max3A_439, %get3A_489 : vector<16xf32>
        %add3A_491 = arith.constant 3 : i32
        %add3A_492 = arith.addi %mul3A_261, %add3A_491 : i32
        %add3A_493 = arith.constant 48 : i32
        %add3A_494 = arith.addi %mul3A_457, %add3A_493 : i32
        %get3A_495 = arith.constant 2 : i32
        %get3A_496 = arith.index_cast %get3A_495 : i32 to index
        %get3A_497 = arith.index_cast %add3A_492 : i32 to index
        %get3A_498 = arith.index_cast %add3A_494 : i32 to index
        %get3A_499 = tpu.vector_load %arg8[%get3A_496, %get3A_497, %get3A_498] {strides = array<i32>} : memref<3x200x128xf32, #tpu.memory_space<vmem>>, vector<1x1x16xf32>,
        %get3A_500 = vector.shape_cast %get3A_499 : vector<1x1x16xf32> to vector<16xf32>
        %max3A_501 = arith.maximumf %max3A_450, %get3A_500 : vector<16xf32>
        %add3A_502 = arith.constant 4 : i32
        %add3A_503 = arith.addi %mul3A_299, %add3A_502 : i32
        %shift_right_arithmetic3A_504 = arith.shrsi %squeeze3A, %add3A_503 : i32
        %and3A_505 = arith.constant 1 : i32
        %and3A_506 = arith.andi %shift_right_arithmetic3A_504, %and3A_505 : i32
        %mul3A_507 = arith.constant 64 : i32
        %mul3A_508 = arith.muli %and3A_506, %mul3A_507 : i32
        %add3A_509 = arith.constant 4 : i32
        %add3A_510 = arith.addi %mul3A_261, %add3A_509 : i32
        %add3A_511 = arith.constant 0 : i32
        %add3A_512 = arith.addi %mul3A_508, %add3A_511 : i32
        %get3A_513 = arith.constant 2 : i32
        %get3A_514 = arith.index_cast %get3A_513 : i32 to index
        %get3A_515 = arith.index_cast %add3A_510 : i32 to index
        %get3A_516 = arith.index_cast %add3A_512 : i32 to index
        %get3A_517 = tpu.vector_load %arg8[%get3A_514, %get3A_515, %get3A_516] {strides = array<i32>} : memref<3x200x128xf32, #tpu.memory_space<vmem>>, vector<1x1x16xf32>,
        %get3A_518 = vector.shape_cast %get3A_517 : vector<1x1x16xf32> to vector<16xf32>
        %max3A_519 = arith.maximumf %max3A_468, %get3A_518 : vector<16xf32>
        %add3A_520 = arith.constant 4 : i32
        %add3A_521 = arith.addi %mul3A_261, %add3A_520 : i32
        %add3A_522 = arith.constant 16 : i32
        %add3A_523 = arith.addi %mul3A_508, %add3A_522 : i32
        %get3A_524 = arith.constant 2 : i32
        %get3A_525 = arith.index_cast %get3A_524 : i32 to index
        %get3A_526 = arith.index_cast %add3A_521 : i32 to index
        %get3A_527 = arith.index_cast %add3A_523 : i32 to index
        %get3A_528 = tpu.vector_load %arg8[%get3A_525, %get3A_526, %get3A_527] {strides = array<i32>} : memref<3x200x128xf32, #tpu.memory_space<vmem>>, vector<1x1x16xf32>,
        %get3A_529 = vector.shape_cast %get3A_528 : vector<1x1x16xf32> to vector<16xf32>
        %max3A_530 = arith.maximumf %max3A_479, %get3A_529 : vector<16xf32>
        %add3A_531 = arith.constant 4 : i32
        %add3A_532 = arith.addi %mul3A_261, %add3A_531 : i32
        %add3A_533 = arith.constant 32 : i32
        %add3A_534 = arith.addi %mul3A_508, %add3A_533 : i32
        %get3A_535 = arith.constant 2 : i32
        %get3A_536 = arith.index_cast %get3A_535 : i32 to index
        %get3A_537 = arith.index_cast %add3A_532 : i32 to index
        %get3A_538 = arith.index_cast %add3A_534 : i32 to index
        %get3A_539 = tpu.vector_load %arg8[%get3A_536, %get3A_537, %get3A_538] {strides = array<i32>} : memref<3x200x128xf32, #tpu.memory_space<vmem>>, vector<1x1x16xf32>,
        %get3A_540 = vector.shape_cast %get3A_539 : vector<1x1x16xf32> to vector<16xf32>
        %max3A_541 = arith.maximumf %max3A_490, %get3A_540 : vector<16xf32>
        %add3A_542 = arith.constant 4 : i32
        %add3A_543 = arith.addi %mul3A_261, %add3A_542 : i32
        %add3A_544 = arith.constant 48 : i32
        %add3A_545 = arith.addi %mul3A_508, %add3A_544 : i32
        %get3A_546 = arith.constant 2 : i32
        %get3A_547 = arith.index_cast %get3A_546 : i32 to index
        %get3A_548 = arith.index_cast %add3A_543 : i32 to index
        %get3A_549 = arith.index_cast %add3A_545 : i32 to index
        %get3A_550 = tpu.vector_load %arg8[%get3A_547, %get3A_548, %get3A_549] {strides = array<i32>} : memref<3x200x128xf32, #tpu.memory_space<vmem>>, vector<1x1x16xf32>,
        %get3A_551 = vector.shape_cast %get3A_550 : vector<1x1x16xf32> to vector<16xf32>
        %max3A_552 = arith.maximumf %max3A_501, %get3A_551 : vector<16xf32>
        %add3A_553 = arith.constant 5 : i32
        %add3A_554 = arith.addi %mul3A_299, %add3A_553 : i32
        %shift_right_arithmetic3A_555 = arith.shrsi %squeeze3A, %add3A_554 : i32
        %and3A_556 = arith.constant 1 : i32
        %and3A_557 = arith.andi %shift_right_arithmetic3A_555, %and3A_556 : i32
        %mul3A_558 = arith.constant 64 : i32
        %mul3A_559 = arith.muli %and3A_557, %mul3A_558 : i32
        %add3A_560 = arith.constant 5 : i32
        %add3A_561 = arith.addi %mul3A_261, %add3A_560 : i32
        %add3A_562 = arith.constant 0 : i32
        %add3A_563 = arith.addi %mul3A_559, %add3A_562 : i32
        %get3A_564 = arith.constant 2 : i32
        %get3A_565 = arith.index_cast %get3A_564 : i32 to index
        %get3A_566 = arith.index_cast %add3A_561 : i32 to index
        %get3A_567 = arith.index_cast %add3A_563 : i32 to index
        %get3A_568 = tpu.vector_load %arg8[%get3A_565, %get3A_566, %get3A_567] {strides = array<i32>} : memref<3x200x128xf32, #tpu.memory_space<vmem>>, vector<1x1x16xf32>,
        %get3A_569 = vector.shape_cast %get3A_568 : vector<1x1x16xf32> to vector<16xf32>
        %max3A_570 = arith.maximumf %max3A_519, %get3A_569 : vector<16xf32>
        %add3A_571 = arith.constant 5 : i32
        %add3A_572 = arith.addi %mul3A_261, %add3A_571 : i32
        %add3A_573 = arith.constant 16 : i32
        %add3A_574 = arith.addi %mul3A_559, %add3A_573 : i32
        %get3A_575 = arith.constant 2 : i32
        %get3A_576 = arith.index_cast %get3A_575 : i32 to index
        %get3A_577 = arith.index_cast %add3A_572 : i32 to index
        %get3A_578 = arith.index_cast %add3A_574 : i32 to index
        %get3A_579 = tpu.vector_load %arg8[%get3A_576, %get3A_577, %get3A_578] {strides = array<i32>} : memref<3x200x128xf32, #tpu.memory_space<vmem>>, vector<1x1x16xf32>,
        %get3A_580 = vector.shape_cast %get3A_579 : vector<1x1x16xf32> to vector<16xf32>
        %max3A_581 = arith.maximumf %max3A_530, %get3A_580 : vector<16xf32>
        %add3A_582 = arith.constant 5 : i32
        %add3A_583 = arith.addi %mul3A_261, %add3A_582 : i32
        %add3A_584 = arith.constant 32 : i32
        %add3A_585 = arith.addi %mul3A_559, %add3A_584 : i32
        %get3A_586 = arith.constant 2 : i32
        %get3A_587 = arith.index_cast %get3A_586 : i32 to index
        %get3A_588 = arith.index_cast %add3A_583 : i32 to index
        %get3A_589 = arith.index_cast %add3A_585 : i32 to index
        %get3A_590 = tpu.vector_load %arg8[%get3A_587, %get3A_588, %get3A_589] {strides = array<i32>} : memref<3x200x128xf32, #tpu.memory_space<vmem>>, vector<1x1x16xf32>,
        %get3A_591 = vector.shape_cast %get3A_590 : vector<1x1x16xf32> to vector<16xf32>
        %max3A_592 = arith.maximumf %max3A_541, %get3A_591 : vector<16xf32>
        %add3A_593 = arith.constant 5 : i32
        %add3A_594 = arith.addi %mul3A_261, %add3A_593 : i32
        %add3A_595 = arith.constant 48 : i32
        %add3A_596 = arith.addi %mul3A_559, %add3A_595 : i32
        %get3A_597 = arith.constant 2 : i32
        %get3A_598 = arith.index_cast %get3A_597 : i32 to index
        %get3A_599 = arith.index_cast %add3A_594 : i32 to index
        %get3A_600 = arith.index_cast %add3A_596 : i32 to index
        %get3A_601 = tpu.vector_load %arg8[%get3A_598, %get3A_599, %get3A_600] {strides = array<i32>} : memref<3x200x128xf32, #tpu.memory_space<vmem>>, vector<1x1x16xf32>,
        %get3A_602 = vector.shape_cast %get3A_601 : vector<1x1x16xf32> to vector<16xf32>
        %max3A_603 = arith.maximumf %max3A_552, %get3A_602 : vector<16xf32>
        %add3A_604 = arith.constant 6 : i32
        %add3A_605 = arith.addi %mul3A_299, %add3A_604 : i32
        %shift_right_arithmetic3A_606 = arith.shrsi %squeeze3A, %add3A_605 : i32
        %and3A_607 = arith.constant 1 : i32
        %and3A_608 = arith.andi %shift_right_arithmetic3A_606, %and3A_607 : i32
        %mul3A_609 = arith.constant 64 : i32
        %mul3A_610 = arith.muli %and3A_608, %mul3A_609 : i32
        %add3A_611 = arith.constant 6 : i32
        %add3A_612 = arith.addi %mul3A_261, %add3A_611 : i32
        %add3A_613 = arith.constant 0 : i32
        %add3A_614 = arith.addi %mul3A_610, %add3A_613 : i32
        %get3A_615 = arith.constant 2 : i32
        %get3A_616 = arith.index_cast %get3A_615 : i32 to index
        %get3A_617 = arith.index_cast %add3A_612 : i32 to index
        %get3A_618 = arith.index_cast %add3A_614 : i32 to index
        %get3A_619 = tpu.vector_load %arg8[%get3A_616, %get3A_617, %get3A_618] {strides = array<i32>} : memref<3x200x128xf32, #tpu.memory_space<vmem>>, vector<1x1x16xf32>,
        %get3A_620 = vector.shape_cast %get3A_619 : vector<1x1x16xf32> to vector<16xf32>
        %max3A_621 = arith.maximumf %max3A_570, %get3A_620 : vector<16xf32>
        %add3A_622 = arith.constant 6 : i32
        %add3A_623 = arith.addi %mul3A_261, %add3A_622 : i32
        %add3A_624 = arith.constant 16 : i32
        %add3A_625 = arith.addi %mul3A_610, %add3A_624 : i32
        %get3A_626 = arith.constant 2 : i32
        %get3A_627 = arith.index_cast %get3A_626 : i32 to index
        %get3A_628 = arith.index_cast %add3A_623 : i32 to index
        %get3A_629 = arith.index_cast %add3A_625 : i32 to index
        %get3A_630 = tpu.vector_load %arg8[%get3A_627, %get3A_628, %get3A_629] {strides = array<i32>} : memref<3x200x128xf32, #tpu.memory_space<vmem>>, vector<1x1x16xf32>,
        %get3A_631 = vector.shape_cast %get3A_630 : vector<1x1x16xf32> to vector<16xf32>
        %max3A_632 = arith.maximumf %max3A_581, %get3A_631 : vector<16xf32>
        %add3A_633 = arith.constant 6 : i32
        %add3A_634 = arith.addi %mul3A_261, %add3A_633 : i32
        %add3A_635 = arith.constant 32 : i32
        %add3A_636 = arith.addi %mul3A_610, %add3A_635 : i32
        %get3A_637 = arith.constant 2 : i32
        %get3A_638 = arith.index_cast %get3A_637 : i32 to index
        %get3A_639 = arith.index_cast %add3A_634 : i32 to index
        %get3A_640 = arith.index_cast %add3A_636 : i32 to index
        %get3A_641 = tpu.vector_load %arg8[%get3A_638, %get3A_639, %get3A_640] {strides = array<i32>} : memref<3x200x128xf32, #tpu.memory_space<vmem>>, vector<1x1x16xf32>,
        %get3A_642 = vector.shape_cast %get3A_641 : vector<1x1x16xf32> to vector<16xf32>
        %max3A_643 = arith.maximumf %max3A_592, %get3A_642 : vector<16xf32>
        %add3A_644 = arith.constant 6 : i32
        %add3A_645 = arith.addi %mul3A_261, %add3A_644 : i32
        %add3A_646 = arith.constant 48 : i32
        %add3A_647 = arith.addi %mul3A_610, %add3A_646 : i32
        %get3A_648 = arith.constant 2 : i32
        %get3A_649 = arith.index_cast %get3A_648 : i32 to index
        %get3A_650 = arith.index_cast %add3A_645 : i32 to index
        %get3A_651 = arith.index_cast %add3A_647 : i32 to index
        %get3A_652 = tpu.vector_load %arg8[%get3A_649, %get3A_650, %get3A_651] {strides = array<i32>} : memref<3x200x128xf32, #tpu.memory_space<vmem>>, vector<1x1x16xf32>,
        %get3A_653 = vector.shape_cast %get3A_652 : vector<1x1x16xf32> to vector<16xf32>
        %max3A_654 = arith.maximumf %max3A_603, %get3A_653 : vector<16xf32>
        %add3A_655 = arith.constant 7 : i32
        %add3A_656 = arith.addi %mul3A_299, %add3A_655 : i32
        %shift_right_arithmetic3A_657 = arith.shrsi %squeeze3A, %add3A_656 : i32
        %and3A_658 = arith.constant 1 : i32
        %and3A_659 = arith.andi %shift_right_arithmetic3A_657, %and3A_658 : i32
        %mul3A_660 = arith.constant 64 : i32
        %mul3A_661 = arith.muli %and3A_659, %mul3A_660 : i32
        %add3A_662 = arith.constant 7 : i32
        %add3A_663 = arith.addi %mul3A_261, %add3A_662 : i32
        %add3A_664 = arith.constant 0 : i32
        %add3A_665 = arith.addi %mul3A_661, %add3A_664 : i32
        %get3A_666 = arith.constant 2 : i32
        %get3A_667 = arith.index_cast %get3A_666 : i32 to index
        %get3A_668 = arith.index_cast %add3A_663 : i32 to index
        %get3A_669 = arith.index_cast %add3A_665 : i32 to index
        %get3A_670 = tpu.vector_load %arg8[%get3A_667, %get3A_668, %get3A_669] {strides = array<i32>} : memref<3x200x128xf32, #tpu.memory_space<vmem>>, vector<1x1x16xf32>,
        %get3A_671 = vector.shape_cast %get3A_670 : vector<1x1x16xf32> to vector<16xf32>
        %max3A_672 = arith.maximumf %max3A_621, %get3A_671 : vector<16xf32>
        %add3A_673 = arith.constant 7 : i32
        %add3A_674 = arith.addi %mul3A_261, %add3A_673 : i32
        %add3A_675 = arith.constant 16 : i32
        %add3A_676 = arith.addi %mul3A_661, %add3A_675 : i32
        %get3A_677 = arith.constant 2 : i32
        %get3A_678 = arith.index_cast %get3A_677 : i32 to index
        %get3A_679 = arith.index_cast %add3A_674 : i32 to index
        %get3A_680 = arith.index_cast %add3A_676 : i32 to index
        %get3A_681 = tpu.vector_load %arg8[%get3A_678, %get3A_679, %get3A_680] {strides = array<i32>} : memref<3x200x128xf32, #tpu.memory_space<vmem>>, vector<1x1x16xf32>,
        %get3A_682 = vector.shape_cast %get3A_681 : vector<1x1x16xf32> to vector<16xf32>
        %max3A_683 = arith.maximumf %max3A_632, %get3A_682 : vector<16xf32>
        %add3A_684 = arith.constant 7 : i32
        %add3A_685 = arith.addi %mul3A_261, %add3A_684 : i32
        %add3A_686 = arith.constant 32 : i32
        %add3A_687 = arith.addi %mul3A_661, %add3A_686 : i32
        %get3A_688 = arith.constant 2 : i32
        %get3A_689 = arith.index_cast %get3A_688 : i32 to index
        %get3A_690 = arith.index_cast %add3A_685 : i32 to index
        %get3A_691 = arith.index_cast %add3A_687 : i32 to index
        %get3A_692 = tpu.vector_load %arg8[%get3A_689, %get3A_690, %get3A_691] {strides = array<i32>} : memref<3x200x128xf32, #tpu.memory_space<vmem>>, vector<1x1x16xf32>,
        %get3A_693 = vector.shape_cast %get3A_692 : vector<1x1x16xf32> to vector<16xf32>
        %max3A_694 = arith.maximumf %max3A_643, %get3A_693 : vector<16xf32>
        %add3A_695 = arith.constant 7 : i32
        %add3A_696 = arith.addi %mul3A_261, %add3A_695 : i32
        %add3A_697 = arith.constant 48 : i32
        %add3A_698 = arith.addi %mul3A_661, %add3A_697 : i32
        %get3A_699 = arith.constant 2 : i32
        %get3A_700 = arith.index_cast %get3A_699 : i32 to index
        %get3A_701 = arith.index_cast %add3A_696 : i32 to index
        %get3A_702 = arith.index_cast %add3A_698 : i32 to index
        %get3A_703 = tpu.vector_load %arg8[%get3A_700, %get3A_701, %get3A_702] {strides = array<i32>} : memref<3x200x128xf32, #tpu.memory_space<vmem>>, vector<1x1x16xf32>,
        %get3A_704 = vector.shape_cast %get3A_703 : vector<1x1x16xf32> to vector<16xf32>
        %max3A_705 = arith.maximumf %max3A_654, %get3A_704 : vector<16xf32>
        scf.yield %max3A_672, %max3A_683, %max3A_694, %max3A_705 : vector<16xf32>, vector<16xf32>, vector<16xf32>, vector<16xf32>
      }
      %scan3A_234 = arith.constant 25 : i32
      %swap3A_235 = arith.index_cast %add3A_210 : i32 to index
      %swap3A_236 = arith.constant 0 : index
      %swap3A_237 = tpu.vector_load %arg9[%swap3A_235, %swap3A_236] {strides = array<i32>} : memref<128x128xf32, #tpu.memory_space<vmem>>, vector<1x16xf32>,
      %swap3A_238 = vector.shape_cast %swap3A_237 : vector<1x16xf32> to vector<16xf32>
      %swap3A_239 = vector.shape_cast %scan3A_233#0 : vector<16xf32> to vector<1x16xf32>
      tpu.vector_store %arg9[%swap3A_235, %swap3A_236], %swap3A_239 {strides = array<i32>} : memref<128x128xf32, #tpu.memory_space<vmem>>, vector<1x16xf32>,
      %swap3A_240 = arith.index_cast %add3A_210 : i32 to index
      %swap3A_241 = arith.constant 16 : index
      %swap3A_242 = tpu.vector_load %arg9[%swap3A_240, %swap3A_241] {strides = array<i32>} : memref<128x128xf32, #tpu.memory_space<vmem>>, vector<1x16xf32>,
      %swap3A_243 = vector.shape_cast %swap3A_242 : vector<1x16xf32> to vector<16xf32>
      %swap3A_244 = vector.shape_cast %scan3A_233#1 : vector<16xf32> to vector<1x16xf32>
      tpu.vector_store %arg9[%swap3A_240, %swap3A_241], %swap3A_244 {strides = array<i32>} : memref<128x128xf32, #tpu.memory_space<vmem>>, vector<1x16xf32>,
      %swap3A_245 = arith.index_cast %add3A_210 : i32 to index
      %swap3A_246 = arith.constant 32 : index
      %swap3A_247 = tpu.vector_load %arg9[%swap3A_245, %swap3A_246] {strides = array<i32>} : memref<128x128xf32, #tpu.memory_space<vmem>>, vector<1x16xf32>,
      %swap3A_248 = vector.shape_cast %swap3A_247 : vector<1x16xf32> to vector<16xf32>
      %swap3A_249 = vector.shape_cast %scan3A_233#2 : vector<16xf32> to vector<1x16xf32>
      tpu.vector_store %arg9[%swap3A_245, %swap3A_246], %swap3A_249 {strides = array<i32>} : memref<128x128xf32, #tpu.memory_space<vmem>>, vector<1x16xf32>,
      %swap3A_250 = arith.index_cast %add3A_210 : i32 to index
      %swap3A_251 = arith.constant 48 : index
      %swap3A_252 = tpu.vector_load %arg9[%swap3A_250, %swap3A_251] {strides = array<i32>} : memref<128x128xf32, #tpu.memory_space<vmem>>, vector<1x16xf32>,
      %swap3A_253 = vector.shape_cast %swap3A_252 : vector<1x16xf32> to vector<16xf32>
      %swap3A_254 = vector.shape_cast %scan3A_233#3 : vector<16xf32> to vector<1x16xf32>
      tpu.vector_store %arg9[%swap3A_250, %swap3A_251], %swap3A_254 {strides = array<i32>} : memref<128x128xf32, #tpu.memory_space<vmem>>, vector<1x16xf32>,
    }
    %scan3A_32 = arith.constant 42 : i32
    %multiple_of3A_33 = arith.constant 0 : i32
    %multiple_of3A_34 = tpu.assume_multiple %multiple_of3A_33, 256 : i32
    %dma_wait3A = arith.constant 0 : i32
    %dma_wait3A_35 = arith.constant 0 : i32
    %dma_wait3A_36 = arith.constant 0 : i32
    %dma_wait3A_37 = tpu.memref_slice %arg8[%dma_wait3A, %dma_wait3A_35, %dma_wait3A_36] : memref<3x200x128xf32, #tpu.memory_space<vmem>> -> memref<1x200x128xf32, #tpu.memory_space<vmem>>
    %dma_wait3A_38 = tpu.memref_squeeze %dma_wait3A_37 : memref<1x200x128xf32, #tpu.memory_space<vmem>> -> memref<200x128xf32, #tpu.memory_space<vmem>>
    %dma_wait3A_39 = tpu.memref_slice %arg6[%multiple_of3A_34] : memref<32768xi32, #tpu.memory_space<vmem>> -> memref<200xi32, #tpu.memory_space<vmem>>
    %dma_wait3A_40 = arith.constant 0 : i32
    %dma_wait3A_41 = arith.constant 0 : i32
    %dma_wait3A_42 = tpu.memref_slice %arg4[%dma_wait3A_40, %dma_wait3A_41] : memref<503808x128xf32, #tpu.memory_space<hbm>> -> memref<503808x128xf32, #tpu.memory_space<hbm>>
    tpu.wait_indirect_dma semaphore(%arg10 : memref<!tpu.dma_semaphore, #tpu.memory_space<semaphore_mem>>) src(%dma_wait3A_42 : memref<503808x128xf32, #tpu.memory_space<hbm>>) dst(%dma_wait3A_38 : memref<200x128xf32, #tpu.memory_space<vmem>>)
    %scan3A_43 = arith.constant 0 : i32
    %scan3A_44 = arith.constant 25 : i32
    %scan3A_45 = arith.addi %scan3A_43, %scan3A_44 : i32
    %scan3A_46 = arith.constant 1 : i32
    %scan3A_47:4 = scf.for %scan3A_113 = %scan3A_43 to %scan3A_45 step %scan3A_46 iter_args(%scan3A_114 = %broadcast_in_dim3A_27, %scan3A_115 = %broadcast_in_dim3A_27, %scan3A_116 = %broadcast_in_dim3A_27, %scan3A_117 = %broadcast_in_dim3A_27) -> (vector<16xf32>, vector<16xf32>, vector<16xf32>, vector<16xf32>)  : i32 {
      %mul3A_118 = arith.constant 8 : i32
      %mul3A_119 = arith.muli %scan3A_113, %mul3A_118 : i32
      %jit3A = arith.constant 4 : i32
      %div3A = arith.divsi %scan3A_113, %jit3A : i32
      %sign3A = arith.constant 0 : i32
      %sign3A_120 = arith.cmpi sgt, %scan3A_113, %sign3A : i32
      %sign3A_121 = arith.extui %sign3A_120 : i1 to i32
      %sign3A_122 = arith.constant 0 : i32
      %sign3A_123 = arith.cmpi slt, %scan3A_113, %sign3A_122 : i32
      %sign3A_124 = arith.extui %sign3A_123 : i1 to i32
      %sign3A_125 = arith.subi %sign3A_121, %sign3A_124 : i32
      %sign3A_126 = arith.constant 0 : i32
      %sign3A_127 = arith.cmpi sgt, %jit3A, %sign3A_126 : i32
      %sign3A_128 = arith.extui %sign3A_127 : i1 to i32
      %sign3A_129 = arith.constant 0 : i32
      %sign3A_130 = arith.cmpi slt, %jit3A, %sign3A_129 : i32
      %sign3A_131 = arith.extui %sign3A_130 : i1 to i32
      %sign3A_132 = arith.subi %sign3A_128, %sign3A_131 : i32
      %ne3A = arith.cmpi ne, %sign3A_125, %sign3A_132 : i32
      %rem3A = arith.remsi %scan3A_113, %jit3A : i32
      %ne3A_133 = arith.constant 0 : i32
      %ne3A_134 = arith.cmpi ne, %rem3A, %ne3A_133 : i32
      %and3A = arith.andi %ne3A, %ne3A_134 : i1
      %sub3A = arith.constant 1 : i32
      %sub3A_135 = arith.subi %div3A, %sub3A : i32
      %select_n3A = arith.select %and3A, %sub3A_135, %div3A : i32
      %add3A_136 = arith.constant 1008 : i32
      %add3A_137 = arith.addi %add3A_136, %select_n3A : i32
      %get3A = arith.index_cast %add3A_137 : i32 to index
      %get3A_138 = tpu.vector_load %arg7[%get3A] {strides = array<i32>} : memref<1040xi32, #tpu.memory_space<vmem>>, vector<16xi32>,
      %get3A_139 = vector.shape_cast %get3A_138 : vector<16xi32> to vector<16xi32>
      %slice3A = vector.extract_strided_slice %get3A_139 {offsets = [0], sizes = [1], strides = [1]} : vector<16xi32> to vector<1xi32>
      %squeeze3A = vector.extract %slice3A[0] : i32 from vector<1xi32>
      %jit3A_140 = arith.constant 4 : i32
      %eq3A = arith.constant 0 : i32
      %eq3A_141 = arith.cmpi eq, %jit3A_140, %eq3A : i32
      %jit3A_142 = arith.constant 1 : i32
      %select_n3A_143 = arith.select %eq3A_141, %jit3A_142, %jit3A_140 : i32
      %rem3A_144 = arith.remsi %scan3A_113, %select_n3A_143 : i32
      %ne3A_145 = arith.constant 0 : i32
      %ne3A_146 = arith.cmpi ne, %rem3A_144, %ne3A_145 : i32
      %lt3A = arith.constant 0 : i32
      %lt3A_147 = arith.cmpi slt, %rem3A_144, %lt3A : i32
      %lt3A_148 = arith.constant 0 : i32
      %lt3A_149 = arith.cmpi slt, %select_n3A_143, %lt3A_148 : i32
      %ne3A_150 = arith.xori %lt3A_147, %lt3A_149 : i1
      %and3A_151 = arith.andi %ne3A_150, %ne3A_146 : i1
      %add3A_152 = arith.addi %rem3A_144, %select_n3A_143 : i32
      %select_n3A_153 = arith.select %and3A_151, %add3A_152, %rem3A_144 : i32
      %mul3A_154 = arith.constant 8 : i32
      %mul3A_155 = arith.muli %select_n3A_153, %mul3A_154 : i32
      %add3A_156 = arith.constant 0 : i32
      %add3A_157 = arith.addi %mul3A_155, %add3A_156 : i32
      %shift_right_arithmetic3A = arith.shrsi %squeeze3A, %add3A_157 : i32
      %and3A_158 = arith.constant 1 : i32
      %and3A_159 = arith.andi %shift_right_arithmetic3A, %and3A_158 : i32
      %mul3A_160 = arith.constant 64 : i32
      %mul3A_161 = arith.muli %and3A_159, %mul3A_160 : i32
      %add3A_162 = arith.constant 0 : i32
      %add3A_163 = arith.addi %mul3A_119, %add3A_162 : i32
      %add3A_164 = arith.constant 0 : i32
      %add3A_165 = arith.addi %mul3A_161, %add3A_164 : i32
      %get3A_166 = arith.constant 0 : i32
      %get3A_167 = arith.index_cast %get3A_166 : i32 to index
      %get3A_168 = arith.index_cast %add3A_163 : i32 to index
      %get3A_169 = arith.index_cast %add3A_165 : i32 to index
      %get3A_170 = tpu.vector_load %arg8[%get3A_167, %get3A_168, %get3A_169] {strides = array<i32>} : memref<3x200x128xf32, #tpu.memory_space<vmem>>, vector<1x1x16xf32>,
      %get3A_171 = vector.shape_cast %get3A_170 : vector<1x1x16xf32> to vector<16xf32>
      %max3A = arith.maximumf %scan3A_114, %get3A_171 : vector<16xf32>
      %add3A_172 = arith.constant 0 : i32
      %add3A_173 = arith.addi %mul3A_119, %add3A_172 : i32
      %add3A_174 = arith.constant 16 : i32
      %add3A_175 = arith.addi %mul3A_161, %add3A_174 : i32
      %get3A_176 = arith.constant 0 : i32
      %get3A_177 = arith.index_cast %get3A_176 : i32 to index
      %get3A_178 = arith.index_cast %add3A_173 : i32 to index
      %get3A_179 = arith.index_cast %add3A_175 : i32 to index
      %get3A_180 = tpu.vector_load %arg8[%get3A_177, %get3A_178, %get3A_179] {strides = array<i32>} : memref<3x200x128xf32, #tpu.memory_space<vmem>>, vector<1x1x16xf32>,
      %get3A_181 = vector.shape_cast %get3A_180 : vector<1x1x16xf32> to vector<16xf32>
      %max3A_182 = arith.maximumf %scan3A_115, %get3A_181 : vector<16xf32>
      %add3A_183 = arith.constant 0 : i32
      %add3A_184 = arith.addi %mul3A_119, %add3A_183 : i32
      %add3A_185 = arith.constant 32 : i32
      %add3A_186 = arith.addi %mul3A_161, %add3A_185 : i32
      %get3A_187 = arith.constant 0 : i32
      %get3A_188 = arith.index_cast %get3A_187 : i32 to index
      %get3A_189 = arith.index_cast %add3A_184 : i32 to index
      %get3A_190 = arith.index_cast %add3A_186 : i32 to index
      %get3A_191 = tpu.vector_load %arg8[%get3A_188, %get3A_189, %get3A_190] {strides = array<i32>} : memref<3x200x128xf32, #tpu.memory_space<vmem>>, vector<1x1x16xf32>,
      %get3A_192 = vector.shape_cast %get3A_191 : vector<1x1x16xf32> to vector<16xf32>
      %max3A_193 = arith.maximumf %scan3A_116, %get3A_192 : vector<16xf32>
      %add3A_194 = arith.constant 0 : i32
      %add3A_195 = arith.addi %mul3A_119, %add3A_194 : i32
      %add3A_196 = arith.constant 48 : i32
      %add3A_197 = arith.addi %mul3A_161, %add3A_196 : i32
      %get3A_198 = arith.constant 0 : i32
      %get3A_199 = arith.index_cast %get3A_198 : i32 to index
      %get3A_200 = arith.index_cast %add3A_195 : i32 to index
      %get3A_201 = arith.index_cast %add3A_197 : i32 to index
      %get3A_202 = tpu.vector_load %arg8[%get3A_199, %get3A_200, %get3A_201] {strides = array<i32>} : memref<3x200x128xf32, #tpu.memory_space<vmem>>, vector<1x1x16xf32>,
      %get3A_203 = vector.shape_cast %get3A_202 : vector<1x1x16xf32> to vector<16xf32>
      %max3A_204 = arith.maximumf %scan3A_117, %get3A_203 : vector<16xf32>
      %add3A_205 = arith.constant 1 : i32
      %add3A_206 = arith.addi %mul3A_155, %add3A_205 : i32
      %shift_right_arithmetic3A_207 = arith.shrsi %squeeze3A, %add3A_206 : i32
      %and3A_208 = arith.constant 1 : i32
      %and3A_209 = arith.andi %shift_right_arithmetic3A_207, %and3A_208 : i32
      %mul3A_210 = arith.constant 64 : i32
      %mul3A_211 = arith.muli %and3A_209, %mul3A_210 : i32
      %add3A_212 = arith.constant 1 : i32
      %add3A_213 = arith.addi %mul3A_119, %add3A_212 : i32
      %add3A_214 = arith.constant 0 : i32
      %add3A_215 = arith.addi %mul3A_211, %add3A_214 : i32
      %get3A_216 = arith.constant 0 : i32
      %get3A_217 = arith.index_cast %get3A_216 : i32 to index
      %get3A_218 = arith.index_cast %add3A_213 : i32 to index
      %get3A_219 = arith.index_cast %add3A_215 : i32 to index
      %get3A_220 = tpu.vector_load %arg8[%get3A_217, %get3A_218, %get3A_219] {strides = array<i32>} : memref<3x200x128xf32, #tpu.memory_space<vmem>>, vector<1x1x16xf32>,
      %get3A_221 = vector.shape_cast %get3A_220 : vector<1x1x16xf32> to vector<16xf32>
      %max3A_222 = arith.maximumf %max3A, %get3A_221 : vector<16xf32>
      %add3A_223 = arith.constant 1 : i32
      %add3A_224 = arith.addi %mul3A_119, %add3A_223 : i32
      %add3A_225 = arith.constant 16 : i32
      %add3A_226 = arith.addi %mul3A_211, %add3A_225 : i32
      %get3A_227 = arith.constant 0 : i32
      %get3A_228 = arith.index_cast %get3A_227 : i32 to index
      %get3A_229 = arith.index_cast %add3A_224 : i32 to index
      %get3A_230 = arith.index_cast %add3A_226 : i32 to index
      %get3A_231 = tpu.vector_load %arg8[%get3A_228, %get3A_229, %get3A_230] {strides = array<i32>} : memref<3x200x128xf32, #tpu.memory_space<vmem>>, vector<1x1x16xf32>,
      %get3A_232 = vector.shape_cast %get3A_231 : vector<1x1x16xf32> to vector<16xf32>
      %max3A_233 = arith.maximumf %max3A_182, %get3A_232 : vector<16xf32>
      %add3A_234 = arith.constant 1 : i32
      %add3A_235 = arith.addi %mul3A_119, %add3A_234 : i32
      %add3A_236 = arith.constant 32 : i32
      %add3A_237 = arith.addi %mul3A_211, %add3A_236 : i32
      %get3A_238 = arith.constant 0 : i32
      %get3A_239 = arith.index_cast %get3A_238 : i32 to index
      %get3A_240 = arith.index_cast %add3A_235 : i32 to index
      %get3A_241 = arith.index_cast %add3A_237 : i32 to index
      %get3A_242 = tpu.vector_load %arg8[%get3A_239, %get3A_240, %get3A_241] {strides = array<i32>} : memref<3x200x128xf32, #tpu.memory_space<vmem>>, vector<1x1x16xf32>,
      %get3A_243 = vector.shape_cast %get3A_242 : vector<1x1x16xf32> to vector<16xf32>
      %max3A_244 = arith.maximumf %max3A_193, %get3A_243 : vector<16xf32>
      %add3A_245 = arith.constant 1 : i32
      %add3A_246 = arith.addi %mul3A_119, %add3A_245 : i32
      %add3A_247 = arith.constant 48 : i32
      %add3A_248 = arith.addi %mul3A_211, %add3A_247 : i32
      %get3A_249 = arith.constant 0 : i32
      %get3A_250 = arith.index_cast %get3A_249 : i32 to index
      %get3A_251 = arith.index_cast %add3A_246 : i32 to index
      %get3A_252 = arith.index_cast %add3A_248 : i32 to index
      %get3A_253 = tpu.vector_load %arg8[%get3A_250, %get3A_251, %get3A_252] {strides = array<i32>} : memref<3x200x128xf32, #tpu.memory_space<vmem>>, vector<1x1x16xf32>,
      %get3A_254 = vector.shape_cast %get3A_253 : vector<1x1x16xf32> to vector<16xf32>
      %max3A_255 = arith.maximumf %max3A_204, %get3A_254 : vector<16xf32>
      %add3A_256 = arith.constant 2 : i32
      %add3A_257 = arith.addi %mul3A_155, %add3A_256 : i32
      %shift_right_arithmetic3A_258 = arith.shrsi %squeeze3A, %add3A_257 : i32
      %and3A_259 = arith.constant 1 : i32
      %and3A_260 = arith.andi %shift_right_arithmetic3A_258, %and3A_259 : i32
      %mul3A_261 = arith.constant 64 : i32
      %mul3A_262 = arith.muli %and3A_260, %mul3A_261 : i32
      %add3A_263 = arith.constant 2 : i32
      %add3A_264 = arith.addi %mul3A_119, %add3A_263 : i32
      %add3A_265 = arith.constant 0 : i32
      %add3A_266 = arith.addi %mul3A_262, %add3A_265 : i32
      %get3A_267 = arith.constant 0 : i32
      %get3A_268 = arith.index_cast %get3A_267 : i32 to index
      %get3A_269 = arith.index_cast %add3A_264 : i32 to index
      %get3A_270 = arith.index_cast %add3A_266 : i32 to index
      %get3A_271 = tpu.vector_load %arg8[%get3A_268, %get3A_269, %get3A_270] {strides = array<i32>} : memref<3x200x128xf32, #tpu.memory_space<vmem>>, vector<1x1x16xf32>,
      %get3A_272 = vector.shape_cast %get3A_271 : vector<1x1x16xf32> to vector<16xf32>
      %max3A_273 = arith.maximumf %max3A_222, %get3A_272 : vector<16xf32>
      %add3A_274 = arith.constant 2 : i32
      %add3A_275 = arith.addi %mul3A_119, %add3A_274 : i32
      %add3A_276 = arith.constant 16 : i32
      %add3A_277 = arith.addi %mul3A_262, %add3A_276 : i32
      %get3A_278 = arith.constant 0 : i32
      %get3A_279 = arith.index_cast %get3A_278 : i32 to index
      %get3A_280 = arith.index_cast %add3A_275 : i32 to index
      %get3A_281 = arith.index_cast %add3A_277 : i32 to index
      %get3A_282 = tpu.vector_load %arg8[%get3A_279, %get3A_280, %get3A_281] {strides = array<i32>} : memref<3x200x128xf32, #tpu.memory_space<vmem>>, vector<1x1x16xf32>,
      %get3A_283 = vector.shape_cast %get3A_282 : vector<1x1x16xf32> to vector<16xf32>
      %max3A_284 = arith.maximumf %max3A_233, %get3A_283 : vector<16xf32>
      %add3A_285 = arith.constant 2 : i32
      %add3A_286 = arith.addi %mul3A_119, %add3A_285 : i32
      %add3A_287 = arith.constant 32 : i32
      %add3A_288 = arith.addi %mul3A_262, %add3A_287 : i32
      %get3A_289 = arith.constant 0 : i32
      %get3A_290 = arith.index_cast %get3A_289 : i32 to index
      %get3A_291 = arith.index_cast %add3A_286 : i32 to index
      %get3A_292 = arith.index_cast %add3A_288 : i32 to index
      %get3A_293 = tpu.vector_load %arg8[%get3A_290, %get3A_291, %get3A_292] {strides = array<i32>} : memref<3x200x128xf32, #tpu.memory_space<vmem>>, vector<1x1x16xf32>,
      %get3A_294 = vector.shape_cast %get3A_293 : vector<1x1x16xf32> to vector<16xf32>
      %max3A_295 = arith.maximumf %max3A_244, %get3A_294 : vector<16xf32>
      %add3A_296 = arith.constant 2 : i32
      %add3A_297 = arith.addi %mul3A_119, %add3A_296 : i32
      %add3A_298 = arith.constant 48 : i32
      %add3A_299 = arith.addi %mul3A_262, %add3A_298 : i32
      %get3A_300 = arith.constant 0 : i32
      %get3A_301 = arith.index_cast %get3A_300 : i32 to index
      %get3A_302 = arith.index_cast %add3A_297 : i32 to index
      %get3A_303 = arith.index_cast %add3A_299 : i32 to index
      %get3A_304 = tpu.vector_load %arg8[%get3A_301, %get3A_302, %get3A_303] {strides = array<i32>} : memref<3x200x128xf32, #tpu.memory_space<vmem>>, vector<1x1x16xf32>,
      %get3A_305 = vector.shape_cast %get3A_304 : vector<1x1x16xf32> to vector<16xf32>
      %max3A_306 = arith.maximumf %max3A_255, %get3A_305 : vector<16xf32>
      %add3A_307 = arith.constant 3 : i32
      %add3A_308 = arith.addi %mul3A_155, %add3A_307 : i32
      %shift_right_arithmetic3A_309 = arith.shrsi %squeeze3A, %add3A_308 : i32
      %and3A_310 = arith.constant 1 : i32
      %and3A_311 = arith.andi %shift_right_arithmetic3A_309, %and3A_310 : i32
      %mul3A_312 = arith.constant 64 : i32
      %mul3A_313 = arith.muli %and3A_311, %mul3A_312 : i32
      %add3A_314 = arith.constant 3 : i32
      %add3A_315 = arith.addi %mul3A_119, %add3A_314 : i32
      %add3A_316 = arith.constant 0 : i32
      %add3A_317 = arith.addi %mul3A_313, %add3A_316 : i32
      %get3A_318 = arith.constant 0 : i32
      %get3A_319 = arith.index_cast %get3A_318 : i32 to index
      %get3A_320 = arith.index_cast %add3A_315 : i32 to index
      %get3A_321 = arith.index_cast %add3A_317 : i32 to index
      %get3A_322 = tpu.vector_load %arg8[%get3A_319, %get3A_320, %get3A_321] {strides = array<i32>} : memref<3x200x128xf32, #tpu.memory_space<vmem>>, vector<1x1x16xf32>,
      %get3A_323 = vector.shape_cast %get3A_322 : vector<1x1x16xf32> to vector<16xf32>
      %max3A_324 = arith.maximumf %max3A_273, %get3A_323 : vector<16xf32>
      %add3A_325 = arith.constant 3 : i32
      %add3A_326 = arith.addi %mul3A_119, %add3A_325 : i32
      %add3A_327 = arith.constant 16 : i32
      %add3A_328 = arith.addi %mul3A_313, %add3A_327 : i32
      %get3A_329 = arith.constant 0 : i32
      %get3A_330 = arith.index_cast %get3A_329 : i32 to index
      %get3A_331 = arith.index_cast %add3A_326 : i32 to index
      %get3A_332 = arith.index_cast %add3A_328 : i32 to index
      %get3A_333 = tpu.vector_load %arg8[%get3A_330, %get3A_331, %get3A_332] {strides = array<i32>} : memref<3x200x128xf32, #tpu.memory_space<vmem>>, vector<1x1x16xf32>,
      %get3A_334 = vector.shape_cast %get3A_333 : vector<1x1x16xf32> to vector<16xf32>
      %max3A_335 = arith.maximumf %max3A_284, %get3A_334 : vector<16xf32>
      %add3A_336 = arith.constant 3 : i32
      %add3A_337 = arith.addi %mul3A_119, %add3A_336 : i32
      %add3A_338 = arith.constant 32 : i32
      %add3A_339 = arith.addi %mul3A_313, %add3A_338 : i32
      %get3A_340 = arith.constant 0 : i32
      %get3A_341 = arith.index_cast %get3A_340 : i32 to index
      %get3A_342 = arith.index_cast %add3A_337 : i32 to index
      %get3A_343 = arith.index_cast %add3A_339 : i32 to index
      %get3A_344 = tpu.vector_load %arg8[%get3A_341, %get3A_342, %get3A_343] {strides = array<i32>} : memref<3x200x128xf32, #tpu.memory_space<vmem>>, vector<1x1x16xf32>,
      %get3A_345 = vector.shape_cast %get3A_344 : vector<1x1x16xf32> to vector<16xf32>
      %max3A_346 = arith.maximumf %max3A_295, %get3A_345 : vector<16xf32>
      %add3A_347 = arith.constant 3 : i32
      %add3A_348 = arith.addi %mul3A_119, %add3A_347 : i32
      %add3A_349 = arith.constant 48 : i32
      %add3A_350 = arith.addi %mul3A_313, %add3A_349 : i32
      %get3A_351 = arith.constant 0 : i32
      %get3A_352 = arith.index_cast %get3A_351 : i32 to index
      %get3A_353 = arith.index_cast %add3A_348 : i32 to index
      %get3A_354 = arith.index_cast %add3A_350 : i32 to index
      %get3A_355 = tpu.vector_load %arg8[%get3A_352, %get3A_353, %get3A_354] {strides = array<i32>} : memref<3x200x128xf32, #tpu.memory_space<vmem>>, vector<1x1x16xf32>,
      %get3A_356 = vector.shape_cast %get3A_355 : vector<1x1x16xf32> to vector<16xf32>
      %max3A_357 = arith.maximumf %max3A_306, %get3A_356 : vector<16xf32>
      %add3A_358 = arith.constant 4 : i32
      %add3A_359 = arith.addi %mul3A_155, %add3A_358 : i32
      %shift_right_arithmetic3A_360 = arith.shrsi %squeeze3A, %add3A_359 : i32
      %and3A_361 = arith.constant 1 : i32
      %and3A_362 = arith.andi %shift_right_arithmetic3A_360, %and3A_361 : i32
      %mul3A_363 = arith.constant 64 : i32
      %mul3A_364 = arith.muli %and3A_362, %mul3A_363 : i32
      %add3A_365 = arith.constant 4 : i32
      %add3A_366 = arith.addi %mul3A_119, %add3A_365 : i32
      %add3A_367 = arith.constant 0 : i32
      %add3A_368 = arith.addi %mul3A_364, %add3A_367 : i32
      %get3A_369 = arith.constant 0 : i32
      %get3A_370 = arith.index_cast %get3A_369 : i32 to index
      %get3A_371 = arith.index_cast %add3A_366 : i32 to index
      %get3A_372 = arith.index_cast %add3A_368 : i32 to index
      %get3A_373 = tpu.vector_load %arg8[%get3A_370, %get3A_371, %get3A_372] {strides = array<i32>} : memref<3x200x128xf32, #tpu.memory_space<vmem>>, vector<1x1x16xf32>,
      %get3A_374 = vector.shape_cast %get3A_373 : vector<1x1x16xf32> to vector<16xf32>
      %max3A_375 = arith.maximumf %max3A_324, %get3A_374 : vector<16xf32>
      %add3A_376 = arith.constant 4 : i32
      %add3A_377 = arith.addi %mul3A_119, %add3A_376 : i32
      %add3A_378 = arith.constant 16 : i32
      %add3A_379 = arith.addi %mul3A_364, %add3A_378 : i32
      %get3A_380 = arith.constant 0 : i32
      %get3A_381 = arith.index_cast %get3A_380 : i32 to index
      %get3A_382 = arith.index_cast %add3A_377 : i32 to index
      %get3A_383 = arith.index_cast %add3A_379 : i32 to index
      %get3A_384 = tpu.vector_load %arg8[%get3A_381, %get3A_382, %get3A_383] {strides = array<i32>} : memref<3x200x128xf32, #tpu.memory_space<vmem>>, vector<1x1x16xf32>,
      %get3A_385 = vector.shape_cast %get3A_384 : vector<1x1x16xf32> to vector<16xf32>
      %max3A_386 = arith.maximumf %max3A_335, %get3A_385 : vector<16xf32>
      %add3A_387 = arith.constant 4 : i32
      %add3A_388 = arith.addi %mul3A_119, %add3A_387 : i32
      %add3A_389 = arith.constant 32 : i32
      %add3A_390 = arith.addi %mul3A_364, %add3A_389 : i32
      %get3A_391 = arith.constant 0 : i32
      %get3A_392 = arith.index_cast %get3A_391 : i32 to index
      %get3A_393 = arith.index_cast %add3A_388 : i32 to index
      %get3A_394 = arith.index_cast %add3A_390 : i32 to index
      %get3A_395 = tpu.vector_load %arg8[%get3A_392, %get3A_393, %get3A_394] {strides = array<i32>} : memref<3x200x128xf32, #tpu.memory_space<vmem>>, vector<1x1x16xf32>,
      %get3A_396 = vector.shape_cast %get3A_395 : vector<1x1x16xf32> to vector<16xf32>
      %max3A_397 = arith.maximumf %max3A_346, %get3A_396 : vector<16xf32>
      %add3A_398 = arith.constant 4 : i32
      %add3A_399 = arith.addi %mul3A_119, %add3A_398 : i32
      %add3A_400 = arith.constant 48 : i32
      %add3A_401 = arith.addi %mul3A_364, %add3A_400 : i32
      %get3A_402 = arith.constant 0 : i32
      %get3A_403 = arith.index_cast %get3A_402 : i32 to index
      %get3A_404 = arith.index_cast %add3A_399 : i32 to index
      %get3A_405 = arith.index_cast %add3A_401 : i32 to index
      %get3A_406 = tpu.vector_load %arg8[%get3A_403, %get3A_404, %get3A_405] {strides = array<i32>} : memref<3x200x128xf32, #tpu.memory_space<vmem>>, vector<1x1x16xf32>,
      %get3A_407 = vector.shape_cast %get3A_406 : vector<1x1x16xf32> to vector<16xf32>
      %max3A_408 = arith.maximumf %max3A_357, %get3A_407 : vector<16xf32>
      %add3A_409 = arith.constant 5 : i32
      %add3A_410 = arith.addi %mul3A_155, %add3A_409 : i32
      %shift_right_arithmetic3A_411 = arith.shrsi %squeeze3A, %add3A_410 : i32
      %and3A_412 = arith.constant 1 : i32
      %and3A_413 = arith.andi %shift_right_arithmetic3A_411, %and3A_412 : i32
      %mul3A_414 = arith.constant 64 : i32
      %mul3A_415 = arith.muli %and3A_413, %mul3A_414 : i32
      %add3A_416 = arith.constant 5 : i32
      %add3A_417 = arith.addi %mul3A_119, %add3A_416 : i32
      %add3A_418 = arith.constant 0 : i32
      %add3A_419 = arith.addi %mul3A_415, %add3A_418 : i32
      %get3A_420 = arith.constant 0 : i32
      %get3A_421 = arith.index_cast %get3A_420 : i32 to index
      %get3A_422 = arith.index_cast %add3A_417 : i32 to index
      %get3A_423 = arith.index_cast %add3A_419 : i32 to index
      %get3A_424 = tpu.vector_load %arg8[%get3A_421, %get3A_422, %get3A_423] {strides = array<i32>} : memref<3x200x128xf32, #tpu.memory_space<vmem>>, vector<1x1x16xf32>,
      %get3A_425 = vector.shape_cast %get3A_424 : vector<1x1x16xf32> to vector<16xf32>
      %max3A_426 = arith.maximumf %max3A_375, %get3A_425 : vector<16xf32>
      %add3A_427 = arith.constant 5 : i32
      %add3A_428 = arith.addi %mul3A_119, %add3A_427 : i32
      %add3A_429 = arith.constant 16 : i32
      %add3A_430 = arith.addi %mul3A_415, %add3A_429 : i32
      %get3A_431 = arith.constant 0 : i32
      %get3A_432 = arith.index_cast %get3A_431 : i32 to index
      %get3A_433 = arith.index_cast %add3A_428 : i32 to index
      %get3A_434 = arith.index_cast %add3A_430 : i32 to index
      %get3A_435 = tpu.vector_load %arg8[%get3A_432, %get3A_433, %get3A_434] {strides = array<i32>} : memref<3x200x128xf32, #tpu.memory_space<vmem>>, vector<1x1x16xf32>,
      %get3A_436 = vector.shape_cast %get3A_435 : vector<1x1x16xf32> to vector<16xf32>
      %max3A_437 = arith.maximumf %max3A_386, %get3A_436 : vector<16xf32>
      %add3A_438 = arith.constant 5 : i32
      %add3A_439 = arith.addi %mul3A_119, %add3A_438 : i32
      %add3A_440 = arith.constant 32 : i32
      %add3A_441 = arith.addi %mul3A_415, %add3A_440 : i32
      %get3A_442 = arith.constant 0 : i32
      %get3A_443 = arith.index_cast %get3A_442 : i32 to index
      %get3A_444 = arith.index_cast %add3A_439 : i32 to index
      %get3A_445 = arith.index_cast %add3A_441 : i32 to index
      %get3A_446 = tpu.vector_load %arg8[%get3A_443, %get3A_444, %get3A_445] {strides = array<i32>} : memref<3x200x128xf32, #tpu.memory_space<vmem>>, vector<1x1x16xf32>,
      %get3A_447 = vector.shape_cast %get3A_446 : vector<1x1x16xf32> to vector<16xf32>
      %max3A_448 = arith.maximumf %max3A_397, %get3A_447 : vector<16xf32>
      %add3A_449 = arith.constant 5 : i32
      %add3A_450 = arith.addi %mul3A_119, %add3A_449 : i32
      %add3A_451 = arith.constant 48 : i32
      %add3A_452 = arith.addi %mul3A_415, %add3A_451 : i32
      %get3A_453 = arith.constant 0 : i32
      %get3A_454 = arith.index_cast %get3A_453 : i32 to index
      %get3A_455 = arith.index_cast %add3A_450 : i32 to index
      %get3A_456 = arith.index_cast %add3A_452 : i32 to index
      %get3A_457 = tpu.vector_load %arg8[%get3A_454, %get3A_455, %get3A_456] {strides = array<i32>} : memref<3x200x128xf32, #tpu.memory_space<vmem>>, vector<1x1x16xf32>,
      %get3A_458 = vector.shape_cast %get3A_457 : vector<1x1x16xf32> to vector<16xf32>
      %max3A_459 = arith.maximumf %max3A_408, %get3A_458 : vector<16xf32>
      %add3A_460 = arith.constant 6 : i32
      %add3A_461 = arith.addi %mul3A_155, %add3A_460 : i32
      %shift_right_arithmetic3A_462 = arith.shrsi %squeeze3A, %add3A_461 : i32
      %and3A_463 = arith.constant 1 : i32
      %and3A_464 = arith.andi %shift_right_arithmetic3A_462, %and3A_463 : i32
      %mul3A_465 = arith.constant 64 : i32
      %mul3A_466 = arith.muli %and3A_464, %mul3A_465 : i32
      %add3A_467 = arith.constant 6 : i32
      %add3A_468 = arith.addi %mul3A_119, %add3A_467 : i32
      %add3A_469 = arith.constant 0 : i32
      %add3A_470 = arith.addi %mul3A_466, %add3A_469 : i32
      %get3A_471 = arith.constant 0 : i32
      %get3A_472 = arith.index_cast %get3A_471 : i32 to index
      %get3A_473 = arith.index_cast %add3A_468 : i32 to index
      %get3A_474 = arith.index_cast %add3A_470 : i32 to index
      %get3A_475 = tpu.vector_load %arg8[%get3A_472, %get3A_473, %get3A_474] {strides = array<i32>} : memref<3x200x128xf32, #tpu.memory_space<vmem>>, vector<1x1x16xf32>,
      %get3A_476 = vector.shape_cast %get3A_475 : vector<1x1x16xf32> to vector<16xf32>
      %max3A_477 = arith.maximumf %max3A_426, %get3A_476 : vector<16xf32>
      %add3A_478 = arith.constant 6 : i32
      %add3A_479 = arith.addi %mul3A_119, %add3A_478 : i32
      %add3A_480 = arith.constant 16 : i32
      %add3A_481 = arith.addi %mul3A_466, %add3A_480 : i32
      %get3A_482 = arith.constant 0 : i32
      %get3A_483 = arith.index_cast %get3A_482 : i32 to index
      %get3A_484 = arith.index_cast %add3A_479 : i32 to index
      %get3A_485 = arith.index_cast %add3A_481 : i32 to index
      %get3A_486 = tpu.vector_load %arg8[%get3A_483, %get3A_484, %get3A_485] {strides = array<i32>} : memref<3x200x128xf32, #tpu.memory_space<vmem>>, vector<1x1x16xf32>,
      %get3A_487 = vector.shape_cast %get3A_486 : vector<1x1x16xf32> to vector<16xf32>
      %max3A_488 = arith.maximumf %max3A_437, %get3A_487 : vector<16xf32>
      %add3A_489 = arith.constant 6 : i32
      %add3A_490 = arith.addi %mul3A_119, %add3A_489 : i32
      %add3A_491 = arith.constant 32 : i32
      %add3A_492 = arith.addi %mul3A_466, %add3A_491 : i32
      %get3A_493 = arith.constant 0 : i32
      %get3A_494 = arith.index_cast %get3A_493 : i32 to index
      %get3A_495 = arith.index_cast %add3A_490 : i32 to index
      %get3A_496 = arith.index_cast %add3A_492 : i32 to index
      %get3A_497 = tpu.vector_load %arg8[%get3A_494, %get3A_495, %get3A_496] {strides = array<i32>} : memref<3x200x128xf32, #tpu.memory_space<vmem>>, vector<1x1x16xf32>,
      %get3A_498 = vector.shape_cast %get3A_497 : vector<1x1x16xf32> to vector<16xf32>
      %max3A_499 = arith.maximumf %max3A_448, %get3A_498 : vector<16xf32>
      %add3A_500 = arith.constant 6 : i32
      %add3A_501 = arith.addi %mul3A_119, %add3A_500 : i32
      %add3A_502 = arith.constant 48 : i32
      %add3A_503 = arith.addi %mul3A_466, %add3A_502 : i32
      %get3A_504 = arith.constant 0 : i32
      %get3A_505 = arith.index_cast %get3A_504 : i32 to index
      %get3A_506 = arith.index_cast %add3A_501 : i32 to index
      %get3A_507 = arith.index_cast %add3A_503 : i32 to index
      %get3A_508 = tpu.vector_load %arg8[%get3A_505, %get3A_506, %get3A_507] {strides = array<i32>} : memref<3x200x128xf32, #tpu.memory_space<vmem>>, vector<1x1x16xf32>,
      %get3A_509 = vector.shape_cast %get3A_508 : vector<1x1x16xf32> to vector<16xf32>
      %max3A_510 = arith.maximumf %max3A_459, %get3A_509 : vector<16xf32>
      %add3A_511 = arith.constant 7 : i32
      %add3A_512 = arith.addi %mul3A_155, %add3A_511 : i32
      %shift_right_arithmetic3A_513 = arith.shrsi %squeeze3A, %add3A_512 : i32
      %and3A_514 = arith.constant 1 : i32
      %and3A_515 = arith.andi %shift_right_arithmetic3A_513, %and3A_514 : i32
      %mul3A_516 = arith.constant 64 : i32
      %mul3A_517 = arith.muli %and3A_515, %mul3A_516 : i32
      %add3A_518 = arith.constant 7 : i32
      %add3A_519 = arith.addi %mul3A_119, %add3A_518 : i32
      %add3A_520 = arith.constant 0 : i32
      %add3A_521 = arith.addi %mul3A_517, %add3A_520 : i32
      %get3A_522 = arith.constant 0 : i32
      %get3A_523 = arith.index_cast %get3A_522 : i32 to index
      %get3A_524 = arith.index_cast %add3A_519 : i32 to index
      %get3A_525 = arith.index_cast %add3A_521 : i32 to index
      %get3A_526 = tpu.vector_load %arg8[%get3A_523, %get3A_524, %get3A_525] {strides = array<i32>} : memref<3x200x128xf32, #tpu.memory_space<vmem>>, vector<1x1x16xf32>,
      %get3A_527 = vector.shape_cast %get3A_526 : vector<1x1x16xf32> to vector<16xf32>
      %max3A_528 = arith.maximumf %max3A_477, %get3A_527 : vector<16xf32>
      %add3A_529 = arith.constant 7 : i32
      %add3A_530 = arith.addi %mul3A_119, %add3A_529 : i32
      %add3A_531 = arith.constant 16 : i32
      %add3A_532 = arith.addi %mul3A_517, %add3A_531 : i32
      %get3A_533 = arith.constant 0 : i32
      %get3A_534 = arith.index_cast %get3A_533 : i32 to index
      %get3A_535 = arith.index_cast %add3A_530 : i32 to index
      %get3A_536 = arith.index_cast %add3A_532 : i32 to index
      %get3A_537 = tpu.vector_load %arg8[%get3A_534, %get3A_535, %get3A_536] {strides = array<i32>} : memref<3x200x128xf32, #tpu.memory_space<vmem>>, vector<1x1x16xf32>,
      %get3A_538 = vector.shape_cast %get3A_537 : vector<1x1x16xf32> to vector<16xf32>
      %max3A_539 = arith.maximumf %max3A_488, %get3A_538 : vector<16xf32>
      %add3A_540 = arith.constant 7 : i32
      %add3A_541 = arith.addi %mul3A_119, %add3A_540 : i32
      %add3A_542 = arith.constant 32 : i32
      %add3A_543 = arith.addi %mul3A_517, %add3A_542 : i32
      %get3A_544 = arith.constant 0 : i32
      %get3A_545 = arith.index_cast %get3A_544 : i32 to index
      %get3A_546 = arith.index_cast %add3A_541 : i32 to index
      %get3A_547 = arith.index_cast %add3A_543 : i32 to index
      %get3A_548 = tpu.vector_load %arg8[%get3A_545, %get3A_546, %get3A_547] {strides = array<i32>} : memref<3x200x128xf32, #tpu.memory_space<vmem>>, vector<1x1x16xf32>,
      %get3A_549 = vector.shape_cast %get3A_548 : vector<1x1x16xf32> to vector<16xf32>
      %max3A_550 = arith.maximumf %max3A_499, %get3A_549 : vector<16xf32>
      %add3A_551 = arith.constant 7 : i32
      %add3A_552 = arith.addi %mul3A_119, %add3A_551 : i32
      %add3A_553 = arith.constant 48 : i32
      %add3A_554 = arith.addi %mul3A_517, %add3A_553 : i32
      %get3A_555 = arith.constant 0 : i32
      %get3A_556 = arith.index_cast %get3A_555 : i32 to index
      %get3A_557 = arith.index_cast %add3A_552 : i32 to index
      %get3A_558 = arith.index_cast %add3A_554 : i32 to index
      %get3A_559 = tpu.vector_load %arg8[%get3A_556, %get3A_557, %get3A_558] {strides = array<i32>} : memref<3x200x128xf32, #tpu.memory_space<vmem>>, vector<1x1x16xf32>,
      %get3A_560 = vector.shape_cast %get3A_559 : vector<1x1x16xf32> to vector<16xf32>
      %max3A_561 = arith.maximumf %max3A_510, %get3A_560 : vector<16xf32>
      scf.yield %max3A_528, %max3A_539, %max3A_550, %max3A_561 : vector<16xf32>, vector<16xf32>, vector<16xf32>, vector<16xf32>
    }
    %scan3A_48 = arith.constant 25 : i32
    %swap3A = arith.constant 126 : i32
    %swap3A_49 = arith.index_cast %swap3A : i32 to index
    %swap3A_50 = arith.constant 0 : index
    %swap3A_51 = tpu.vector_load %arg9[%swap3A_49, %swap3A_50] {strides = array<i32>} : memref<128x128xf32, #tpu.memory_space<vmem>>, vector<1x16xf32>,
    %swap3A_52 = vector.shape_cast %swap3A_51 : vector<1x16xf32> to vector<16xf32>
    %swap3A_53 = vector.shape_cast %scan3A_47#0 : vector<16xf32> to vector<1x16xf32>
    tpu.vector_store %arg9[%swap3A_49, %swap3A_50], %swap3A_53 {strides = array<i32>} : memref<128x128xf32, #tpu.memory_space<vmem>>, vector<1x16xf32>,
    %swap3A_54 = arith.constant 126 : i32
    %swap3A_55 = arith.index_cast %swap3A_54 : i32 to index
    %swap3A_56 = arith.constant 16 : index
    %swap3A_57 = tpu.vector_load %arg9[%swap3A_55, %swap3A_56] {strides = array<i32>} : memref<128x128xf32, #tpu.memory_space<vmem>>, vector<1x16xf32>,
    %swap3A_58 = vector.shape_cast %swap3A_57 : vector<1x16xf32> to vector<16xf32>
    %swap3A_59 = vector.shape_cast %scan3A_47#1 : vector<16xf32> to vector<1x16xf32>
    tpu.vector_store %arg9[%swap3A_55, %swap3A_56], %swap3A_59 {strides = array<i32>} : memref<128x128xf32, #tpu.memory_space<vmem>>, vector<1x16xf32>,
    %swap3A_60 = arith.constant 126 : i32
    %swap3A_61 = arith.index_cast %swap3A_60 : i32 to index
    %swap3A_62 = arith.constant 32 : index
    %swap3A_63 = tpu.vector_load %arg9[%swap3A_61, %swap3A_62] {strides = array<i32>} : memref<128x128xf32, #tpu.memory_space<vmem>>, vector<1x16xf32>,
    %swap3A_64 = vector.shape_cast %swap3A_63 : vector<1x16xf32> to vector<16xf32>
    %swap3A_65 = vector.shape_cast %scan3A_47#2 : vector<16xf32> to vector<1x16xf32>
    tpu.vector_store %arg9[%swap3A_61, %swap3A_62], %swap3A_65 {strides = array<i32>} : memref<128x128xf32, #tpu.memory_space<vmem>>, vector<1x16xf32>,
    %swap3A_66 = arith.constant 126 : i32
    %swap3A_67 = arith.index_cast %swap3A_66 : i32 to index
    %swap3A_68 = arith.constant 48 : index
    %swap3A_69 = tpu.vector_load %arg9[%swap3A_67, %swap3A_68] {strides = array<i32>} : memref<128x128xf32, #tpu.memory_space<vmem>>, vector<1x16xf32>,
    %swap3A_70 = vector.shape_cast %swap3A_69 : vector<1x16xf32> to vector<16xf32>
    %swap3A_71 = vector.shape_cast %scan3A_47#3 : vector<16xf32> to vector<1x16xf32>
    tpu.vector_store %arg9[%swap3A_67, %swap3A_68], %swap3A_71 {strides = array<i32>} : memref<128x128xf32, #tpu.memory_space<vmem>>, vector<1x16xf32>,
    %multiple_of3A_72 = arith.constant 0 : i32
    %multiple_of3A_73 = tpu.assume_multiple %multiple_of3A_72, 256 : i32
    %dma_wait3A_74 = arith.constant 1 : i32
    %dma_wait3A_75 = arith.constant 0 : i32
    %dma_wait3A_76 = arith.constant 0 : i32
    %dma_wait3A_77 = tpu.memref_slice %arg8[%dma_wait3A_74, %dma_wait3A_75, %dma_wait3A_76] : memref<3x200x128xf32, #tpu.memory_space<vmem>> -> memref<1x200x128xf32, #tpu.memory_space<vmem>>
    %dma_wait3A_78 = tpu.memref_squeeze %dma_wait3A_77 : memref<1x200x128xf32, #tpu.memory_space<vmem>> -> memref<200x128xf32, #tpu.memory_space<vmem>>
    %dma_wait3A_79 = tpu.memref_slice %arg6[%multiple_of3A_73] : memref<32768xi32, #tpu.memory_space<vmem>> -> memref<200xi32, #tpu.memory_space<vmem>>
    %dma_wait3A_80 = arith.constant 0 : i32
    %dma_wait3A_81 = arith.constant 0 : i32
    %dma_wait3A_82 = tpu.memref_slice %arg4[%dma_wait3A_80, %dma_wait3A_81] : memref<503808x128xf32, #tpu.memory_space<hbm>> -> memref<503808x128xf32, #tpu.memory_space<hbm>>
    tpu.wait_indirect_dma semaphore(%arg11 : memref<!tpu.dma_semaphore, #tpu.memory_space<semaphore_mem>>) src(%dma_wait3A_82 : memref<503808x128xf32, #tpu.memory_space<hbm>>) dst(%dma_wait3A_78 : memref<200x128xf32, #tpu.memory_space<vmem>>)
    %scan3A_83 = arith.constant 0 : i32
    %scan3A_84 = arith.constant 25 : i32
    %scan3A_85 = arith.addi %scan3A_83, %scan3A_84 : i32
    %scan3A_86 = arith.constant 1 : i32
    %scan3A_87:4 = scf.for %scan3A_113 = %scan3A_83 to %scan3A_85 step %scan3A_86 iter_args(%scan3A_114 = %broadcast_in_dim3A_27, %scan3A_115 = %broadcast_in_dim3A_27, %scan3A_116 = %broadcast_in_dim3A_27, %scan3A_117 = %broadcast_in_dim3A_27) -> (vector<16xf32>, vector<16xf32>, vector<16xf32>, vector<16xf32>)  : i32 {
      %mul3A_118 = arith.constant 8 : i32
      %mul3A_119 = arith.muli %scan3A_113, %mul3A_118 : i32
      %jit3A = arith.constant 4 : i32
      %div3A = arith.divsi %scan3A_113, %jit3A : i32
      %sign3A = arith.constant 0 : i32
      %sign3A_120 = arith.cmpi sgt, %scan3A_113, %sign3A : i32
      %sign3A_121 = arith.extui %sign3A_120 : i1 to i32
      %sign3A_122 = arith.constant 0 : i32
      %sign3A_123 = arith.cmpi slt, %scan3A_113, %sign3A_122 : i32
      %sign3A_124 = arith.extui %sign3A_123 : i1 to i32
      %sign3A_125 = arith.subi %sign3A_121, %sign3A_124 : i32
      %sign3A_126 = arith.constant 0 : i32
      %sign3A_127 = arith.cmpi sgt, %jit3A, %sign3A_126 : i32
      %sign3A_128 = arith.extui %sign3A_127 : i1 to i32
      %sign3A_129 = arith.constant 0 : i32
      %sign3A_130 = arith.cmpi slt, %jit3A, %sign3A_129 : i32
      %sign3A_131 = arith.extui %sign3A_130 : i1 to i32
      %sign3A_132 = arith.subi %sign3A_128, %sign3A_131 : i32
      %ne3A = arith.cmpi ne, %sign3A_125, %sign3A_132 : i32
      %rem3A = arith.remsi %scan3A_113, %jit3A : i32
      %ne3A_133 = arith.constant 0 : i32
      %ne3A_134 = arith.cmpi ne, %rem3A, %ne3A_133 : i32
      %and3A = arith.andi %ne3A, %ne3A_134 : i1
      %sub3A = arith.constant 1 : i32
      %sub3A_135 = arith.subi %div3A, %sub3A : i32
      %select_n3A = arith.select %and3A, %sub3A_135, %div3A : i32
      %add3A_136 = arith.constant 1016 : i32
      %add3A_137 = arith.addi %add3A_136, %select_n3A : i32
      %get3A = arith.index_cast %add3A_137 : i32 to index
      %get3A_138 = tpu.vector_load %arg7[%get3A] {strides = array<i32>} : memref<1040xi32, #tpu.memory_space<vmem>>, vector<16xi32>,
      %get3A_139 = vector.shape_cast %get3A_138 : vector<16xi32> to vector<16xi32>
      %slice3A = vector.extract_strided_slice %get3A_139 {offsets = [0], sizes = [1], strides = [1]} : vector<16xi32> to vector<1xi32>
      %squeeze3A = vector.extract %slice3A[0] : i32 from vector<1xi32>
      %jit3A_140 = arith.constant 4 : i32
      %eq3A = arith.constant 0 : i32
      %eq3A_141 = arith.cmpi eq, %jit3A_140, %eq3A : i32
      %jit3A_142 = arith.constant 1 : i32
      %select_n3A_143 = arith.select %eq3A_141, %jit3A_142, %jit3A_140 : i32
      %rem3A_144 = arith.remsi %scan3A_113, %select_n3A_143 : i32
      %ne3A_145 = arith.constant 0 : i32
      %ne3A_146 = arith.cmpi ne, %rem3A_144, %ne3A_145 : i32
      %lt3A = arith.constant 0 : i32
      %lt3A_147 = arith.cmpi slt, %rem3A_144, %lt3A : i32
      %lt3A_148 = arith.constant 0 : i32
      %lt3A_149 = arith.cmpi slt, %select_n3A_143, %lt3A_148 : i32
      %ne3A_150 = arith.xori %lt3A_147, %lt3A_149 : i1
      %and3A_151 = arith.andi %ne3A_150, %ne3A_146 : i1
      %add3A_152 = arith.addi %rem3A_144, %select_n3A_143 : i32
      %select_n3A_153 = arith.select %and3A_151, %add3A_152, %rem3A_144 : i32
      %mul3A_154 = arith.constant 8 : i32
      %mul3A_155 = arith.muli %select_n3A_153, %mul3A_154 : i32
      %add3A_156 = arith.constant 0 : i32
      %add3A_157 = arith.addi %mul3A_155, %add3A_156 : i32
      %shift_right_arithmetic3A = arith.shrsi %squeeze3A, %add3A_157 : i32
      %and3A_158 = arith.constant 1 : i32
      %and3A_159 = arith.andi %shift_right_arithmetic3A, %and3A_158 : i32
      %mul3A_160 = arith.constant 64 : i32
      %mul3A_161 = arith.muli %and3A_159, %mul3A_160 : i32
      %add3A_162 = arith.constant 0 : i32
      %add3A_163 = arith.addi %mul3A_119, %add3A_162 : i32
      %add3A_164 = arith.constant 0 : i32
      %add3A_165 = arith.addi %mul3A_161, %add3A_164 : i32
      %get3A_166 = arith.constant 1 : i32
      %get3A_167 = arith.index_cast %get3A_166 : i32 to index
      %get3A_168 = arith.index_cast %add3A_163 : i32 to index
      %get3A_169 = arith.index_cast %add3A_165 : i32 to index
      %get3A_170 = tpu.vector_load %arg8[%get3A_167, %get3A_168, %get3A_169] {strides = array<i32>} : memref<3x200x128xf32, #tpu.memory_space<vmem>>, vector<1x1x16xf32>,
      %get3A_171 = vector.shape_cast %get3A_170 : vector<1x1x16xf32> to vector<16xf32>
      %max3A = arith.maximumf %scan3A_114, %get3A_171 : vector<16xf32>
      %add3A_172 = arith.constant 0 : i32
      %add3A_173 = arith.addi %mul3A_119, %add3A_172 : i32
      %add3A_174 = arith.constant 16 : i32
      %add3A_175 = arith.addi %mul3A_161, %add3A_174 : i32
      %get3A_176 = arith.constant 1 : i32
      %get3A_177 = arith.index_cast %get3A_176 : i32 to index
      %get3A_178 = arith.index_cast %add3A_173 : i32 to index
      %get3A_179 = arith.index_cast %add3A_175 : i32 to index
      %get3A_180 = tpu.vector_load %arg8[%get3A_177, %get3A_178, %get3A_179] {strides = array<i32>} : memref<3x200x128xf32, #tpu.memory_space<vmem>>, vector<1x1x16xf32>,
      %get3A_181 = vector.shape_cast %get3A_180 : vector<1x1x16xf32> to vector<16xf32>
      %max3A_182 = arith.maximumf %scan3A_115, %get3A_181 : vector<16xf32>
      %add3A_183 = arith.constant 0 : i32
      %add3A_184 = arith.addi %mul3A_119, %add3A_183 : i32
      %add3A_185 = arith.constant 32 : i32
      %add3A_186 = arith.addi %mul3A_161, %add3A_185 : i32
      %get3A_187 = arith.constant 1 : i32
      %get3A_188 = arith.index_cast %get3A_187 : i32 to index
      %get3A_189 = arith.index_cast %add3A_184 : i32 to index
      %get3A_190 = arith.index_cast %add3A_186 : i32 to index
      %get3A_191 = tpu.vector_load %arg8[%get3A_188, %get3A_189, %get3A_190] {strides = array<i32>} : memref<3x200x128xf32, #tpu.memory_space<vmem>>, vector<1x1x16xf32>,
      %get3A_192 = vector.shape_cast %get3A_191 : vector<1x1x16xf32> to vector<16xf32>
      %max3A_193 = arith.maximumf %scan3A_116, %get3A_192 : vector<16xf32>
      %add3A_194 = arith.constant 0 : i32
      %add3A_195 = arith.addi %mul3A_119, %add3A_194 : i32
      %add3A_196 = arith.constant 48 : i32
      %add3A_197 = arith.addi %mul3A_161, %add3A_196 : i32
      %get3A_198 = arith.constant 1 : i32
      %get3A_199 = arith.index_cast %get3A_198 : i32 to index
      %get3A_200 = arith.index_cast %add3A_195 : i32 to index
      %get3A_201 = arith.index_cast %add3A_197 : i32 to index
      %get3A_202 = tpu.vector_load %arg8[%get3A_199, %get3A_200, %get3A_201] {strides = array<i32>} : memref<3x200x128xf32, #tpu.memory_space<vmem>>, vector<1x1x16xf32>,
      %get3A_203 = vector.shape_cast %get3A_202 : vector<1x1x16xf32> to vector<16xf32>
      %max3A_204 = arith.maximumf %scan3A_117, %get3A_203 : vector<16xf32>
      %add3A_205 = arith.constant 1 : i32
      %add3A_206 = arith.addi %mul3A_155, %add3A_205 : i32
      %shift_right_arithmetic3A_207 = arith.shrsi %squeeze3A, %add3A_206 : i32
      %and3A_208 = arith.constant 1 : i32
      %and3A_209 = arith.andi %shift_right_arithmetic3A_207, %and3A_208 : i32
      %mul3A_210 = arith.constant 64 : i32
      %mul3A_211 = arith.muli %and3A_209, %mul3A_210 : i32
      %add3A_212 = arith.constant 1 : i32
      %add3A_213 = arith.addi %mul3A_119, %add3A_212 : i32
      %add3A_214 = arith.constant 0 : i32
      %add3A_215 = arith.addi %mul3A_211, %add3A_214 : i32
      %get3A_216 = arith.constant 1 : i32
      %get3A_217 = arith.index_cast %get3A_216 : i32 to index
      %get3A_218 = arith.index_cast %add3A_213 : i32 to index
      %get3A_219 = arith.index_cast %add3A_215 : i32 to index
      %get3A_220 = tpu.vector_load %arg8[%get3A_217, %get3A_218, %get3A_219] {strides = array<i32>} : memref<3x200x128xf32, #tpu.memory_space<vmem>>, vector<1x1x16xf32>,
      %get3A_221 = vector.shape_cast %get3A_220 : vector<1x1x16xf32> to vector<16xf32>
      %max3A_222 = arith.maximumf %max3A, %get3A_221 : vector<16xf32>
      %add3A_223 = arith.constant 1 : i32
      %add3A_224 = arith.addi %mul3A_119, %add3A_223 : i32
      %add3A_225 = arith.constant 16 : i32
      %add3A_226 = arith.addi %mul3A_211, %add3A_225 : i32
      %get3A_227 = arith.constant 1 : i32
      %get3A_228 = arith.index_cast %get3A_227 : i32 to index
      %get3A_229 = arith.index_cast %add3A_224 : i32 to index
      %get3A_230 = arith.index_cast %add3A_226 : i32 to index
      %get3A_231 = tpu.vector_load %arg8[%get3A_228, %get3A_229, %get3A_230] {strides = array<i32>} : memref<3x200x128xf32, #tpu.memory_space<vmem>>, vector<1x1x16xf32>,
      %get3A_232 = vector.shape_cast %get3A_231 : vector<1x1x16xf32> to vector<16xf32>
      %max3A_233 = arith.maximumf %max3A_182, %get3A_232 : vector<16xf32>
      %add3A_234 = arith.constant 1 : i32
      %add3A_235 = arith.addi %mul3A_119, %add3A_234 : i32
      %add3A_236 = arith.constant 32 : i32
      %add3A_237 = arith.addi %mul3A_211, %add3A_236 : i32
      %get3A_238 = arith.constant 1 : i32
      %get3A_239 = arith.index_cast %get3A_238 : i32 to index
      %get3A_240 = arith.index_cast %add3A_235 : i32 to index
      %get3A_241 = arith.index_cast %add3A_237 : i32 to index
      %get3A_242 = tpu.vector_load %arg8[%get3A_239, %get3A_240, %get3A_241] {strides = array<i32>} : memref<3x200x128xf32, #tpu.memory_space<vmem>>, vector<1x1x16xf32>,
      %get3A_243 = vector.shape_cast %get3A_242 : vector<1x1x16xf32> to vector<16xf32>
      %max3A_244 = arith.maximumf %max3A_193, %get3A_243 : vector<16xf32>
      %add3A_245 = arith.constant 1 : i32
      %add3A_246 = arith.addi %mul3A_119, %add3A_245 : i32
      %add3A_247 = arith.constant 48 : i32
      %add3A_248 = arith.addi %mul3A_211, %add3A_247 : i32
      %get3A_249 = arith.constant 1 : i32
      %get3A_250 = arith.index_cast %get3A_249 : i32 to index
      %get3A_251 = arith.index_cast %add3A_246 : i32 to index
      %get3A_252 = arith.index_cast %add3A_248 : i32 to index
      %get3A_253 = tpu.vector_load %arg8[%get3A_250, %get3A_251, %get3A_252] {strides = array<i32>} : memref<3x200x128xf32, #tpu.memory_space<vmem>>, vector<1x1x16xf32>,
      %get3A_254 = vector.shape_cast %get3A_253 : vector<1x1x16xf32> to vector<16xf32>
      %max3A_255 = arith.maximumf %max3A_204, %get3A_254 : vector<16xf32>
      %add3A_256 = arith.constant 2 : i32
      %add3A_257 = arith.addi %mul3A_155, %add3A_256 : i32
      %shift_right_arithmetic3A_258 = arith.shrsi %squeeze3A, %add3A_257 : i32
      %and3A_259 = arith.constant 1 : i32
      %and3A_260 = arith.andi %shift_right_arithmetic3A_258, %and3A_259 : i32
      %mul3A_261 = arith.constant 64 : i32
      %mul3A_262 = arith.muli %and3A_260, %mul3A_261 : i32
      %add3A_263 = arith.constant 2 : i32
      %add3A_264 = arith.addi %mul3A_119, %add3A_263 : i32
      %add3A_265 = arith.constant 0 : i32
      %add3A_266 = arith.addi %mul3A_262, %add3A_265 : i32
      %get3A_267 = arith.constant 1 : i32
      %get3A_268 = arith.index_cast %get3A_267 : i32 to index
      %get3A_269 = arith.index_cast %add3A_264 : i32 to index
      %get3A_270 = arith.index_cast %add3A_266 : i32 to index
      %get3A_271 = tpu.vector_load %arg8[%get3A_268, %get3A_269, %get3A_270] {strides = array<i32>} : memref<3x200x128xf32, #tpu.memory_space<vmem>>, vector<1x1x16xf32>,
      %get3A_272 = vector.shape_cast %get3A_271 : vector<1x1x16xf32> to vector<16xf32>
      %max3A_273 = arith.maximumf %max3A_222, %get3A_272 : vector<16xf32>
      %add3A_274 = arith.constant 2 : i32
      %add3A_275 = arith.addi %mul3A_119, %add3A_274 : i32
      %add3A_276 = arith.constant 16 : i32
      %add3A_277 = arith.addi %mul3A_262, %add3A_276 : i32
      %get3A_278 = arith.constant 1 : i32
      %get3A_279 = arith.index_cast %get3A_278 : i32 to index
      %get3A_280 = arith.index_cast %add3A_275 : i32 to index
      %get3A_281 = arith.index_cast %add3A_277 : i32 to index
      %get3A_282 = tpu.vector_load %arg8[%get3A_279, %get3A_280, %get3A_281] {strides = array<i32>} : memref<3x200x128xf32, #tpu.memory_space<vmem>>, vector<1x1x16xf32>,
      %get3A_283 = vector.shape_cast %get3A_282 : vector<1x1x16xf32> to vector<16xf32>
      %max3A_284 = arith.maximumf %max3A_233, %get3A_283 : vector<16xf32>
      %add3A_285 = arith.constant 2 : i32
      %add3A_286 = arith.addi %mul3A_119, %add3A_285 : i32
      %add3A_287 = arith.constant 32 : i32
      %add3A_288 = arith.addi %mul3A_262, %add3A_287 : i32
      %get3A_289 = arith.constant 1 : i32
      %get3A_290 = arith.index_cast %get3A_289 : i32 to index
      %get3A_291 = arith.index_cast %add3A_286 : i32 to index
      %get3A_292 = arith.index_cast %add3A_288 : i32 to index
      %get3A_293 = tpu.vector_load %arg8[%get3A_290, %get3A_291, %get3A_292] {strides = array<i32>} : memref<3x200x128xf32, #tpu.memory_space<vmem>>, vector<1x1x16xf32>,
      %get3A_294 = vector.shape_cast %get3A_293 : vector<1x1x16xf32> to vector<16xf32>
      %max3A_295 = arith.maximumf %max3A_244, %get3A_294 : vector<16xf32>
      %add3A_296 = arith.constant 2 : i32
      %add3A_297 = arith.addi %mul3A_119, %add3A_296 : i32
      %add3A_298 = arith.constant 48 : i32
      %add3A_299 = arith.addi %mul3A_262, %add3A_298 : i32
      %get3A_300 = arith.constant 1 : i32
      %get3A_301 = arith.index_cast %get3A_300 : i32 to index
      %get3A_302 = arith.index_cast %add3A_297 : i32 to index
      %get3A_303 = arith.index_cast %add3A_299 : i32 to index
      %get3A_304 = tpu.vector_load %arg8[%get3A_301, %get3A_302, %get3A_303] {strides = array<i32>} : memref<3x200x128xf32, #tpu.memory_space<vmem>>, vector<1x1x16xf32>,
      %get3A_305 = vector.shape_cast %get3A_304 : vector<1x1x16xf32> to vector<16xf32>
      %max3A_306 = arith.maximumf %max3A_255, %get3A_305 : vector<16xf32>
      %add3A_307 = arith.constant 3 : i32
      %add3A_308 = arith.addi %mul3A_155, %add3A_307 : i32
      %shift_right_arithmetic3A_309 = arith.shrsi %squeeze3A, %add3A_308 : i32
      %and3A_310 = arith.constant 1 : i32
      %and3A_311 = arith.andi %shift_right_arithmetic3A_309, %and3A_310 : i32
      %mul3A_312 = arith.constant 64 : i32
      %mul3A_313 = arith.muli %and3A_311, %mul3A_312 : i32
      %add3A_314 = arith.constant 3 : i32
      %add3A_315 = arith.addi %mul3A_119, %add3A_314 : i32
      %add3A_316 = arith.constant 0 : i32
      %add3A_317 = arith.addi %mul3A_313, %add3A_316 : i32
      %get3A_318 = arith.constant 1 : i32
      %get3A_319 = arith.index_cast %get3A_318 : i32 to index
      %get3A_320 = arith.index_cast %add3A_315 : i32 to index
      %get3A_321 = arith.index_cast %add3A_317 : i32 to index
      %get3A_322 = tpu.vector_load %arg8[%get3A_319, %get3A_320, %get3A_321] {strides = array<i32>} : memref<3x200x128xf32, #tpu.memory_space<vmem>>, vector<1x1x16xf32>,
      %get3A_323 = vector.shape_cast %get3A_322 : vector<1x1x16xf32> to vector<16xf32>
      %max3A_324 = arith.maximumf %max3A_273, %get3A_323 : vector<16xf32>
      %add3A_325 = arith.constant 3 : i32
      %add3A_326 = arith.addi %mul3A_119, %add3A_325 : i32
      %add3A_327 = arith.constant 16 : i32
      %add3A_328 = arith.addi %mul3A_313, %add3A_327 : i32
      %get3A_329 = arith.constant 1 : i32
      %get3A_330 = arith.index_cast %get3A_329 : i32 to index
      %get3A_331 = arith.index_cast %add3A_326 : i32 to index
      %get3A_332 = arith.index_cast %add3A_328 : i32 to index
      %get3A_333 = tpu.vector_load %arg8[%get3A_330, %get3A_331, %get3A_332] {strides = array<i32>} : memref<3x200x128xf32, #tpu.memory_space<vmem>>, vector<1x1x16xf32>,
      %get3A_334 = vector.shape_cast %get3A_333 : vector<1x1x16xf32> to vector<16xf32>
      %max3A_335 = arith.maximumf %max3A_284, %get3A_334 : vector<16xf32>
      %add3A_336 = arith.constant 3 : i32
      %add3A_337 = arith.addi %mul3A_119, %add3A_336 : i32
      %add3A_338 = arith.constant 32 : i32
      %add3A_339 = arith.addi %mul3A_313, %add3A_338 : i32
      %get3A_340 = arith.constant 1 : i32
      %get3A_341 = arith.index_cast %get3A_340 : i32 to index
      %get3A_342 = arith.index_cast %add3A_337 : i32 to index
      %get3A_343 = arith.index_cast %add3A_339 : i32 to index
      %get3A_344 = tpu.vector_load %arg8[%get3A_341, %get3A_342, %get3A_343] {strides = array<i32>} : memref<3x200x128xf32, #tpu.memory_space<vmem>>, vector<1x1x16xf32>,
      %get3A_345 = vector.shape_cast %get3A_344 : vector<1x1x16xf32> to vector<16xf32>
      %max3A_346 = arith.maximumf %max3A_295, %get3A_345 : vector<16xf32>
      %add3A_347 = arith.constant 3 : i32
      %add3A_348 = arith.addi %mul3A_119, %add3A_347 : i32
      %add3A_349 = arith.constant 48 : i32
      %add3A_350 = arith.addi %mul3A_313, %add3A_349 : i32
      %get3A_351 = arith.constant 1 : i32
      %get3A_352 = arith.index_cast %get3A_351 : i32 to index
      %get3A_353 = arith.index_cast %add3A_348 : i32 to index
      %get3A_354 = arith.index_cast %add3A_350 : i32 to index
      %get3A_355 = tpu.vector_load %arg8[%get3A_352, %get3A_353, %get3A_354] {strides = array<i32>} : memref<3x200x128xf32, #tpu.memory_space<vmem>>, vector<1x1x16xf32>,
      %get3A_356 = vector.shape_cast %get3A_355 : vector<1x1x16xf32> to vector<16xf32>
      %max3A_357 = arith.maximumf %max3A_306, %get3A_356 : vector<16xf32>
      %add3A_358 = arith.constant 4 : i32
      %add3A_359 = arith.addi %mul3A_155, %add3A_358 : i32
      %shift_right_arithmetic3A_360 = arith.shrsi %squeeze3A, %add3A_359 : i32
      %and3A_361 = arith.constant 1 : i32
      %and3A_362 = arith.andi %shift_right_arithmetic3A_360, %and3A_361 : i32
      %mul3A_363 = arith.constant 64 : i32
      %mul3A_364 = arith.muli %and3A_362, %mul3A_363 : i32
      %add3A_365 = arith.constant 4 : i32
      %add3A_366 = arith.addi %mul3A_119, %add3A_365 : i32
      %add3A_367 = arith.constant 0 : i32
      %add3A_368 = arith.addi %mul3A_364, %add3A_367 : i32
      %get3A_369 = arith.constant 1 : i32
      %get3A_370 = arith.index_cast %get3A_369 : i32 to index
      %get3A_371 = arith.index_cast %add3A_366 : i32 to index
      %get3A_372 = arith.index_cast %add3A_368 : i32 to index
      %get3A_373 = tpu.vector_load %arg8[%get3A_370, %get3A_371, %get3A_372] {strides = array<i32>} : memref<3x200x128xf32, #tpu.memory_space<vmem>>, vector<1x1x16xf32>,
      %get3A_374 = vector.shape_cast %get3A_373 : vector<1x1x16xf32> to vector<16xf32>
      %max3A_375 = arith.maximumf %max3A_324, %get3A_374 : vector<16xf32>
      %add3A_376 = arith.constant 4 : i32
      %add3A_377 = arith.addi %mul3A_119, %add3A_376 : i32
      %add3A_378 = arith.constant 16 : i32
      %add3A_379 = arith.addi %mul3A_364, %add3A_378 : i32
      %get3A_380 = arith.constant 1 : i32
      %get3A_381 = arith.index_cast %get3A_380 : i32 to index
      %get3A_382 = arith.index_cast %add3A_377 : i32 to index
      %get3A_383 = arith.index_cast %add3A_379 : i32 to index
      %get3A_384 = tpu.vector_load %arg8[%get3A_381, %get3A_382, %get3A_383] {strides = array<i32>} : memref<3x200x128xf32, #tpu.memory_space<vmem>>, vector<1x1x16xf32>,
      %get3A_385 = vector.shape_cast %get3A_384 : vector<1x1x16xf32> to vector<16xf32>
      %max3A_386 = arith.maximumf %max3A_335, %get3A_385 : vector<16xf32>
      %add3A_387 = arith.constant 4 : i32
      %add3A_388 = arith.addi %mul3A_119, %add3A_387 : i32
      %add3A_389 = arith.constant 32 : i32
      %add3A_390 = arith.addi %mul3A_364, %add3A_389 : i32
      %get3A_391 = arith.constant 1 : i32
      %get3A_392 = arith.index_cast %get3A_391 : i32 to index
      %get3A_393 = arith.index_cast %add3A_388 : i32 to index
      %get3A_394 = arith.index_cast %add3A_390 : i32 to index
      %get3A_395 = tpu.vector_load %arg8[%get3A_392, %get3A_393, %get3A_394] {strides = array<i32>} : memref<3x200x128xf32, #tpu.memory_space<vmem>>, vector<1x1x16xf32>,
      %get3A_396 = vector.shape_cast %get3A_395 : vector<1x1x16xf32> to vector<16xf32>
      %max3A_397 = arith.maximumf %max3A_346, %get3A_396 : vector<16xf32>
      %add3A_398 = arith.constant 4 : i32
      %add3A_399 = arith.addi %mul3A_119, %add3A_398 : i32
      %add3A_400 = arith.constant 48 : i32
      %add3A_401 = arith.addi %mul3A_364, %add3A_400 : i32
      %get3A_402 = arith.constant 1 : i32
      %get3A_403 = arith.index_cast %get3A_402 : i32 to index
      %get3A_404 = arith.index_cast %add3A_399 : i32 to index
      %get3A_405 = arith.index_cast %add3A_401 : i32 to index
      %get3A_406 = tpu.vector_load %arg8[%get3A_403, %get3A_404, %get3A_405] {strides = array<i32>} : memref<3x200x128xf32, #tpu.memory_space<vmem>>, vector<1x1x16xf32>,
      %get3A_407 = vector.shape_cast %get3A_406 : vector<1x1x16xf32> to vector<16xf32>
      %max3A_408 = arith.maximumf %max3A_357, %get3A_407 : vector<16xf32>
      %add3A_409 = arith.constant 5 : i32
      %add3A_410 = arith.addi %mul3A_155, %add3A_409 : i32
      %shift_right_arithmetic3A_411 = arith.shrsi %squeeze3A, %add3A_410 : i32
      %and3A_412 = arith.constant 1 : i32
      %and3A_413 = arith.andi %shift_right_arithmetic3A_411, %and3A_412 : i32
      %mul3A_414 = arith.constant 64 : i32
      %mul3A_415 = arith.muli %and3A_413, %mul3A_414 : i32
      %add3A_416 = arith.constant 5 : i32
      %add3A_417 = arith.addi %mul3A_119, %add3A_416 : i32
      %add3A_418 = arith.constant 0 : i32
      %add3A_419 = arith.addi %mul3A_415, %add3A_418 : i32
      %get3A_420 = arith.constant 1 : i32
      %get3A_421 = arith.index_cast %get3A_420 : i32 to index
      %get3A_422 = arith.index_cast %add3A_417 : i32 to index
      %get3A_423 = arith.index_cast %add3A_419 : i32 to index
      %get3A_424 = tpu.vector_load %arg8[%get3A_421, %get3A_422, %get3A_423] {strides = array<i32>} : memref<3x200x128xf32, #tpu.memory_space<vmem>>, vector<1x1x16xf32>,
      %get3A_425 = vector.shape_cast %get3A_424 : vector<1x1x16xf32> to vector<16xf32>
      %max3A_426 = arith.maximumf %max3A_375, %get3A_425 : vector<16xf32>
      %add3A_427 = arith.constant 5 : i32
      %add3A_428 = arith.addi %mul3A_119, %add3A_427 : i32
      %add3A_429 = arith.constant 16 : i32
      %add3A_430 = arith.addi %mul3A_415, %add3A_429 : i32
      %get3A_431 = arith.constant 1 : i32
      %get3A_432 = arith.index_cast %get3A_431 : i32 to index
      %get3A_433 = arith.index_cast %add3A_428 : i32 to index
      %get3A_434 = arith.index_cast %add3A_430 : i32 to index
      %get3A_435 = tpu.vector_load %arg8[%get3A_432, %get3A_433, %get3A_434] {strides = array<i32>} : memref<3x200x128xf32, #tpu.memory_space<vmem>>, vector<1x1x16xf32>,
      %get3A_436 = vector.shape_cast %get3A_435 : vector<1x1x16xf32> to vector<16xf32>
      %max3A_437 = arith.maximumf %max3A_386, %get3A_436 : vector<16xf32>
      %add3A_438 = arith.constant 5 : i32
      %add3A_439 = arith.addi %mul3A_119, %add3A_438 : i32
      %add3A_440 = arith.constant 32 : i32
      %add3A_441 = arith.addi %mul3A_415, %add3A_440 : i32
      %get3A_442 = arith.constant 1 : i32
      %get3A_443 = arith.index_cast %get3A_442 : i32 to index
      %get3A_444 = arith.index_cast %add3A_439 : i32 to index
      %get3A_445 = arith.index_cast %add3A_441 : i32 to index
      %get3A_446 = tpu.vector_load %arg8[%get3A_443, %get3A_444, %get3A_445] {strides = array<i32>} : memref<3x200x128xf32, #tpu.memory_space<vmem>>, vector<1x1x16xf32>,
      %get3A_447 = vector.shape_cast %get3A_446 : vector<1x1x16xf32> to vector<16xf32>
      %max3A_448 = arith.maximumf %max3A_397, %get3A_447 : vector<16xf32>
      %add3A_449 = arith.constant 5 : i32
      %add3A_450 = arith.addi %mul3A_119, %add3A_449 : i32
      %add3A_451 = arith.constant 48 : i32
      %add3A_452 = arith.addi %mul3A_415, %add3A_451 : i32
      %get3A_453 = arith.constant 1 : i32
      %get3A_454 = arith.index_cast %get3A_453 : i32 to index
      %get3A_455 = arith.index_cast %add3A_450 : i32 to index
      %get3A_456 = arith.index_cast %add3A_452 : i32 to index
      %get3A_457 = tpu.vector_load %arg8[%get3A_454, %get3A_455, %get3A_456] {strides = array<i32>} : memref<3x200x128xf32, #tpu.memory_space<vmem>>, vector<1x1x16xf32>,
      %get3A_458 = vector.shape_cast %get3A_457 : vector<1x1x16xf32> to vector<16xf32>
      %max3A_459 = arith.maximumf %max3A_408, %get3A_458 : vector<16xf32>
      %add3A_460 = arith.constant 6 : i32
      %add3A_461 = arith.addi %mul3A_155, %add3A_460 : i32
      %shift_right_arithmetic3A_462 = arith.shrsi %squeeze3A, %add3A_461 : i32
      %and3A_463 = arith.constant 1 : i32
      %and3A_464 = arith.andi %shift_right_arithmetic3A_462, %and3A_463 : i32
      %mul3A_465 = arith.constant 64 : i32
      %mul3A_466 = arith.muli %and3A_464, %mul3A_465 : i32
      %add3A_467 = arith.constant 6 : i32
      %add3A_468 = arith.addi %mul3A_119, %add3A_467 : i32
      %add3A_469 = arith.constant 0 : i32
      %add3A_470 = arith.addi %mul3A_466, %add3A_469 : i32
      %get3A_471 = arith.constant 1 : i32
      %get3A_472 = arith.index_cast %get3A_471 : i32 to index
      %get3A_473 = arith.index_cast %add3A_468 : i32 to index
      %get3A_474 = arith.index_cast %add3A_470 : i32 to index
      %get3A_475 = tpu.vector_load %arg8[%get3A_472, %get3A_473, %get3A_474] {strides = array<i32>} : memref<3x200x128xf32, #tpu.memory_space<vmem>>, vector<1x1x16xf32>,
      %get3A_476 = vector.shape_cast %get3A_475 : vector<1x1x16xf32> to vector<16xf32>
      %max3A_477 = arith.maximumf %max3A_426, %get3A_476 : vector<16xf32>
      %add3A_478 = arith.constant 6 : i32
      %add3A_479 = arith.addi %mul3A_119, %add3A_478 : i32
      %add3A_480 = arith.constant 16 : i32
      %add3A_481 = arith.addi %mul3A_466, %add3A_480 : i32
      %get3A_482 = arith.constant 1 : i32
      %get3A_483 = arith.index_cast %get3A_482 : i32 to index
      %get3A_484 = arith.index_cast %add3A_479 : i32 to index
      %get3A_485 = arith.index_cast %add3A_481 : i32 to index
      %get3A_486 = tpu.vector_load %arg8[%get3A_483, %get3A_484, %get3A_485] {strides = array<i32>} : memref<3x200x128xf32, #tpu.memory_space<vmem>>, vector<1x1x16xf32>,
      %get3A_487 = vector.shape_cast %get3A_486 : vector<1x1x16xf32> to vector<16xf32>
      %max3A_488 = arith.maximumf %max3A_437, %get3A_487 : vector<16xf32>
      %add3A_489 = arith.constant 6 : i32
      %add3A_490 = arith.addi %mul3A_119, %add3A_489 : i32
      %add3A_491 = arith.constant 32 : i32
      %add3A_492 = arith.addi %mul3A_466, %add3A_491 : i32
      %get3A_493 = arith.constant 1 : i32
      %get3A_494 = arith.index_cast %get3A_493 : i32 to index
      %get3A_495 = arith.index_cast %add3A_490 : i32 to index
      %get3A_496 = arith.index_cast %add3A_492 : i32 to index
      %get3A_497 = tpu.vector_load %arg8[%get3A_494, %get3A_495, %get3A_496] {strides = array<i32>} : memref<3x200x128xf32, #tpu.memory_space<vmem>>, vector<1x1x16xf32>,
      %get3A_498 = vector.shape_cast %get3A_497 : vector<1x1x16xf32> to vector<16xf32>
      %max3A_499 = arith.maximumf %max3A_448, %get3A_498 : vector<16xf32>
      %add3A_500 = arith.constant 6 : i32
      %add3A_501 = arith.addi %mul3A_119, %add3A_500 : i32
      %add3A_502 = arith.constant 48 : i32
      %add3A_503 = arith.addi %mul3A_466, %add3A_502 : i32
      %get3A_504 = arith.constant 1 : i32
      %get3A_505 = arith.index_cast %get3A_504 : i32 to index
      %get3A_506 = arith.index_cast %add3A_501 : i32 to index
      %get3A_507 = arith.index_cast %add3A_503 : i32 to index
      %get3A_508 = tpu.vector_load %arg8[%get3A_505, %get3A_506, %get3A_507] {strides = array<i32>} : memref<3x200x128xf32, #tpu.memory_space<vmem>>, vector<1x1x16xf32>,
      %get3A_509 = vector.shape_cast %get3A_508 : vector<1x1x16xf32> to vector<16xf32>
      %max3A_510 = arith.maximumf %max3A_459, %get3A_509 : vector<16xf32>
      %add3A_511 = arith.constant 7 : i32
      %add3A_512 = arith.addi %mul3A_155, %add3A_511 : i32
      %shift_right_arithmetic3A_513 = arith.shrsi %squeeze3A, %add3A_512 : i32
      %and3A_514 = arith.constant 1 : i32
      %and3A_515 = arith.andi %shift_right_arithmetic3A_513, %and3A_514 : i32
      %mul3A_516 = arith.constant 64 : i32
      %mul3A_517 = arith.muli %and3A_515, %mul3A_516 : i32
      %add3A_518 = arith.constant 7 : i32
      %add3A_519 = arith.addi %mul3A_119, %add3A_518 : i32
      %add3A_520 = arith.constant 0 : i32
      %add3A_521 = arith.addi %mul3A_517, %add3A_520 : i32
      %get3A_522 = arith.constant 1 : i32
      %get3A_523 = arith.index_cast %get3A_522 : i32 to index
      %get3A_524 = arith.index_cast %add3A_519 : i32 to index
      %get3A_525 = arith.index_cast %add3A_521 : i32 to index
      %get3A_526 = tpu.vector_load %arg8[%get3A_523, %get3A_524, %get3A_525] {strides = array<i32>} : memref<3x200x128xf32, #tpu.memory_space<vmem>>, vector<1x1x16xf32>,
      %get3A_527 = vector.shape_cast %get3A_526 : vector<1x1x16xf32> to vector<16xf32>
      %max3A_528 = arith.maximumf %max3A_477, %get3A_527 : vector<16xf32>
      %add3A_529 = arith.constant 7 : i32
      %add3A_530 = arith.addi %mul3A_119, %add3A_529 : i32
      %add3A_531 = arith.constant 16 : i32
      %add3A_532 = arith.addi %mul3A_517, %add3A_531 : i32
      %get3A_533 = arith.constant 1 : i32
      %get3A_534 = arith.index_cast %get3A_533 : i32 to index
      %get3A_535 = arith.index_cast %add3A_530 : i32 to index
      %get3A_536 = arith.index_cast %add3A_532 : i32 to index
      %get3A_537 = tpu.vector_load %arg8[%get3A_534, %get3A_535, %get3A_536] {strides = array<i32>} : memref<3x200x128xf32, #tpu.memory_space<vmem>>, vector<1x1x16xf32>,
      %get3A_538 = vector.shape_cast %get3A_537 : vector<1x1x16xf32> to vector<16xf32>
      %max3A_539 = arith.maximumf %max3A_488, %get3A_538 : vector<16xf32>
      %add3A_540 = arith.constant 7 : i32
      %add3A_541 = arith.addi %mul3A_119, %add3A_540 : i32
      %add3A_542 = arith.constant 32 : i32
      %add3A_543 = arith.addi %mul3A_517, %add3A_542 : i32
      %get3A_544 = arith.constant 1 : i32
      %get3A_545 = arith.index_cast %get3A_544 : i32 to index
      %get3A_546 = arith.index_cast %add3A_541 : i32 to index
      %get3A_547 = arith.index_cast %add3A_543 : i32 to index
      %get3A_548 = tpu.vector_load %arg8[%get3A_545, %get3A_546, %get3A_547] {strides = array<i32>} : memref<3x200x128xf32, #tpu.memory_space<vmem>>, vector<1x1x16xf32>,
      %get3A_549 = vector.shape_cast %get3A_548 : vector<1x1x16xf32> to vector<16xf32>
      %max3A_550 = arith.maximumf %max3A_499, %get3A_549 : vector<16xf32>
      %add3A_551 = arith.constant 7 : i32
      %add3A_552 = arith.addi %mul3A_119, %add3A_551 : i32
      %add3A_553 = arith.constant 48 : i32
      %add3A_554 = arith.addi %mul3A_517, %add3A_553 : i32
      %get3A_555 = arith.constant 1 : i32
      %get3A_556 = arith.index_cast %get3A_555 : i32 to index
      %get3A_557 = arith.index_cast %add3A_552 : i32 to index
      %get3A_558 = arith.index_cast %add3A_554 : i32 to index
      %get3A_559 = tpu.vector_load %arg8[%get3A_556, %get3A_557, %get3A_558] {strides = array<i32>} : memref<3x200x128xf32, #tpu.memory_space<vmem>>, vector<1x1x16xf32>,
      %get3A_560 = vector.shape_cast %get3A_559 : vector<1x1x16xf32> to vector<16xf32>
      %max3A_561 = arith.maximumf %max3A_510, %get3A_560 : vector<16xf32>
      scf.yield %max3A_528, %max3A_539, %max3A_550, %max3A_561 : vector<16xf32>, vector<16xf32>, vector<16xf32>, vector<16xf32>
    }
    %scan3A_88 = arith.constant 25 : i32
    %swap3A_89 = arith.constant 127 : i32
    %swap3A_90 = arith.index_cast %swap3A_89 : i32 to index
    %swap3A_91 = arith.constant 0 : index
    %swap3A_92 = tpu.vector_load %arg9[%swap3A_90, %swap3A_91] {strides = array<i32>} : memref<128x128xf32, #tpu.memory_space<vmem>>, vector<1x16xf32>,
    %swap3A_93 = vector.shape_cast %swap3A_92 : vector<1x16xf32> to vector<16xf32>
    %swap3A_94 = vector.shape_cast %scan3A_87#0 : vector<16xf32> to vector<1x16xf32>
    tpu.vector_store %arg9[%swap3A_90, %swap3A_91], %swap3A_94 {strides = array<i32>} : memref<128x128xf32, #tpu.memory_space<vmem>>, vector<1x16xf32>,
    %swap3A_95 = arith.constant 127 : i32
    %swap3A_96 = arith.index_cast %swap3A_95 : i32 to index
    %swap3A_97 = arith.constant 16 : index
    %swap3A_98 = tpu.vector_load %arg9[%swap3A_96, %swap3A_97] {strides = array<i32>} : memref<128x128xf32, #tpu.memory_space<vmem>>, vector<1x16xf32>,
    %swap3A_99 = vector.shape_cast %swap3A_98 : vector<1x16xf32> to vector<16xf32>
    %swap3A_100 = vector.shape_cast %scan3A_87#1 : vector<16xf32> to vector<1x16xf32>
    tpu.vector_store %arg9[%swap3A_96, %swap3A_97], %swap3A_100 {strides = array<i32>} : memref<128x128xf32, #tpu.memory_space<vmem>>, vector<1x16xf32>,
    %swap3A_101 = arith.constant 127 : i32
    %swap3A_102 = arith.index_cast %swap3A_101 : i32 to index
    %swap3A_103 = arith.constant 32 : index
    %swap3A_104 = tpu.vector_load %arg9[%swap3A_102, %swap3A_103] {strides = array<i32>} : memref<128x128xf32, #tpu.memory_space<vmem>>, vector<1x16xf32>,
    %swap3A_105 = vector.shape_cast %swap3A_104 : vector<1x16xf32> to vector<16xf32>
    %swap3A_106 = vector.shape_cast %scan3A_87#2 : vector<16xf32> to vector<1x16xf32>
    tpu.vector_store %arg9[%swap3A_102, %swap3A_103], %swap3A_106 {strides = array<i32>} : memref<128x128xf32, #tpu.memory_space<vmem>>, vector<1x16xf32>,
    %swap3A_107 = arith.constant 127 : i32
    %swap3A_108 = arith.index_cast %swap3A_107 : i32 to index
    %swap3A_109 = arith.constant 48 : index
    %swap3A_110 = tpu.vector_load %arg9[%swap3A_108, %swap3A_109] {strides = array<i32>} : memref<128x128xf32, #tpu.memory_space<vmem>>, vector<1x16xf32>,
    %swap3A_111 = vector.shape_cast %swap3A_110 : vector<1x16xf32> to vector<16xf32>
    %swap3A_112 = vector.shape_cast %scan3A_87#3 : vector<16xf32> to vector<1x16xf32>
    tpu.vector_store %arg9[%swap3A_108, %swap3A_109], %swap3A_112 {strides = array<i32>} : memref<128x128xf32, #tpu.memory_space<vmem>>, vector<1x16xf32>,
    "tpu.region"() ({
      %run_scoped3A = tpu.sem_alloc : memref<!tpu.dma_semaphore, #tpu.memory_space<semaphore_mem>>
      %dma_start3A_113 = arith.constant 0 : i32
      %dma_start3A_114 = tpu.memref_slice %arg5[%mul3A_2, %dma_start3A_113] : memref<4096x128xf32, #tpu.memory_space<hbm>> -> memref<128x128xf32, #tpu.memory_space<hbm>>
      %dma_start3A_115 = arith.constant 0 : i32
      %dma_start3A_116 = tpu.memref_slice %arg5[%mul3A_2, %dma_start3A_115] : memref<4096x128xf32, #tpu.memory_space<hbm>> -> memref<128x128xf32, #tpu.memory_space<hbm>>
      tpu.enqueue_dma source(%arg9 : memref<128x128xf32, #tpu.memory_space<vmem>>) target(%dma_start3A_116 : memref<128x128xf32, #tpu.memory_space<hbm>>) target_semaphore(%run_scoped3A : memref<!tpu.dma_semaphore, #tpu.memory_space<semaphore_mem>>)
      %dma_wait3A_117 = arith.constant 0 : i32
      %dma_wait3A_118 = tpu.memref_slice %arg5[%mul3A_2, %dma_wait3A_117] : memref<4096x128xf32, #tpu.memory_space<hbm>> -> memref<128x128xf32, #tpu.memory_space<hbm>>
      %dma_wait3A_119 = arith.constant 0 : i32
      %dma_wait3A_120 = tpu.memref_slice %arg5[%mul3A_2, %dma_wait3A_119] : memref<4096x128xf32, #tpu.memory_space<hbm>> -> memref<128x128xf32, #tpu.memory_space<hbm>>
      tpu.wait_dma2 semaphore(%run_scoped3A : memref<!tpu.dma_semaphore, #tpu.memory_space<semaphore_mem>>) src(%arg9 : memref<128x128xf32, #tpu.memory_space<vmem>>) dst(%dma_wait3A_120 : memref<128x128xf32, #tpu.memory_space<hbm>>)
      tpu.yield
    }) : () -> ()
    return
  }
}

module attributes {stable_mosaic.version = 14 : i64} {
  func.func @_pack_body(%arg0: i32, %arg1: memref<64x8192xf32, #tpu.memory_space<vmem>>, %arg2: memref<4096x128xf32, #tpu.memory_space<vmem>>) attributes {dimension_semantics = [#tpu.dimension_semantics<arbitrary>], iteration_bounds = array<i64: 123>, scalar_prefetch = 0 : i64, scratch_operands = 0 : i64, tpu.core_type = #tpu.core_type<tc>, window_params = [{transform_indices = @transform_0, window_bounds = array<i64: 64, 8192>}, {transform_indices = @transform_1, window_bounds = array<i64: 4096, 128>}]} {
    %get3A = arith.constant 0 : index
    %get3A_0 = arith.constant 0 : index
    %get3A_1 = vector.load %arg1[%get3A, %get3A_0] : memref<64x8192xf32, #tpu.memory_space<vmem>>, vector<64x8192xf32>
    %slice3A = vector.extract_strided_slice %get3A_1 {offsets = [0, 0], sizes = [64, 4096], strides = [1, 1]} : vector<64x8192xf32> to vector<64x4096xf32>
    %transpose3A = tpu.transpose %slice3A, [1, 0] : vector<64x4096xf32> -> vector<4096x64xf32>
    %swap3A = arith.constant 0 : index
    %swap3A_2 = arith.constant 0 : index
    %swap3A_3 = vector.load %arg2[%swap3A, %swap3A_2] : memref<4096x128xf32, #tpu.memory_space<vmem>>, vector<4096x64xf32>
    tpu.vector_store %arg2[%swap3A, %swap3A_2], %transpose3A {strides = array<i32>} : memref<4096x128xf32, #tpu.memory_space<vmem>>, vector<4096x64xf32>,
    %slice3A_4 = vector.extract_strided_slice %get3A_1 {offsets = [0, 4096], sizes = [64, 4096], strides = [1, 1]} : vector<64x8192xf32> to vector<64x4096xf32>
    %transpose3A_5 = tpu.transpose %slice3A_4, [1, 0] : vector<64x4096xf32> -> vector<4096x64xf32>
    %swap3A_6 = arith.constant 0 : index
    %swap3A_7 = arith.constant 64 : index
    %swap3A_8 = vector.load %arg2[%swap3A_6, %swap3A_7] : memref<4096x128xf32, #tpu.memory_space<vmem>>, vector<4096x64xf32>
    tpu.vector_store %arg2[%swap3A_6, %swap3A_7], %transpose3A_5 {strides = array<i32>} : memref<4096x128xf32, #tpu.memory_space<vmem>>, vector<4096x64xf32>,
    return
  }
  func.func @transform_0(%arg0: i32) -> (i32, i32) {
    %c0_i32 = arith.constant 0 : i32
    %c0_i32_0 = arith.constant 0 : i32
    return %c0_i32, %arg0 : i32, i32
  }
  func.func @transform_1(%arg0: i32) -> (i32, i32) {
    %c0_i32 = arith.constant 0 : i32
    %c0_i32_0 = arith.constant 0 : i32
    return %arg0, %c0_i32 : i32, i32
  }
}

module attributes {stable_mosaic.version = 14 : i64} {
  func.func @_mlp_body(%arg0: memref<4096x128xf32, #tpu.memory_space<vmem>>, %arg1: memref<64x64xf32, #tpu.memory_space<vmem>>, %arg2: memref<1x64xf32, #tpu.memory_space<vmem>>, %arg3: memref<64x16xf32, #tpu.memory_space<vmem>>, %arg4: memref<1x16xf32, #tpu.memory_space<vmem>>, %arg5: memref<4096x16xf32, #tpu.memory_space<vmem>>) attributes {dimension_semantics = [], scalar_prefetch = 0 : i64, scratch_operands = 0 : i64, tpu.core_type = #tpu.core_type<tc>} {
    %get3A = arith.constant 0 : index
    %get3A_0 = arith.constant 0 : index
    %get3A_1 = vector.load %arg0[%get3A, %get3A_0] : memref<4096x128xf32, #tpu.memory_space<vmem>>, vector<4096x128xf32>
    %slice3A = vector.extract_strided_slice %get3A_1 {offsets = [0, 0], sizes = [4096, 64], strides = [1, 1]} : vector<4096x128xf32> to vector<4096x64xf32>
    %get3A_2 = arith.constant 0 : index
    %get3A_3 = arith.constant 0 : index
    %get3A_4 = vector.load %arg1[%get3A_2, %get3A_3] : memref<64x64xf32, #tpu.memory_space<vmem>>, vector<64x64xf32>
    %dot_general3A = arith.constant dense<0.000000e+00> : vector<4096x64xf32>
    %dot_general3A_5 = tpu.matmul %slice3A, %get3A_4, %dot_general3A {dimension_numbers = #tpu.dot_dimension_numbers<[1], [0], [0], [1], [0, 0, 1, 1], [], []>, transpose_lhs_hint = false} : vector<4096x64xf32>, vector<64x64xf32>, vector<4096x64xf32> -> vector<4096x64xf32>
    %get3A_6 = arith.constant 0 : index
    %get3A_7 = arith.constant 0 : index
    %get3A_8 = vector.load %arg2[%get3A_6, %get3A_7] : memref<1x64xf32, #tpu.memory_space<vmem>>, vector<1x64xf32>
    %add3A = vector.broadcast %get3A_8 : vector<1x64xf32> to vector<4096x64xf32>
    %add3A_9 = arith.addf %dot_general3A_5, %add3A : vector<4096x64xf32>
    %max3A = arith.constant 0.000000e+00 : f32
    %max3A_10 = vector.broadcast %max3A : f32 to vector<4096x64xf32>
    %max3A_11 = arith.maximumf %add3A_9, %max3A_10 : vector<4096x64xf32>
    %get3A_12 = arith.constant 0 : index
    %get3A_13 = arith.constant 0 : index
    %get3A_14 = vector.load %arg3[%get3A_12, %get3A_13] : memref<64x16xf32, #tpu.memory_space<vmem>>, vector<64x16xf32>
    %dot_general3A_15 = arith.constant dense<0.000000e+00> : vector<4096x16xf32>
    %dot_general3A_16 = tpu.matmul %max3A_11, %get3A_14, %dot_general3A_15 {dimension_numbers = #tpu.dot_dimension_numbers<[1], [0], [0], [1], [0, 0, 1, 1], [], []>, transpose_lhs_hint = false} : vector<4096x64xf32>, vector<64x16xf32>, vector<4096x16xf32> -> vector<4096x16xf32>
    %get3A_17 = arith.constant 0 : index
    %get3A_18 = arith.constant 0 : index
    %get3A_19 = vector.load %arg4[%get3A_17, %get3A_18] : memref<1x16xf32, #tpu.memory_space<vmem>>, vector<1x16xf32>
    %add3A_20 = vector.broadcast %get3A_19 : vector<1x16xf32> to vector<4096x16xf32>
    %add3A_21 = arith.addf %dot_general3A_16, %add3A_20 : vector<4096x16xf32>
    %swap3A = arith.constant 0 : index
    %swap3A_22 = arith.constant 0 : index
    %swap3A_23 = vector.load %arg5[%swap3A, %swap3A_22] : memref<4096x16xf32, #tpu.memory_space<vmem>>, vector<4096x16xf32>
    tpu.vector_store %arg5[%swap3A, %swap3A_22], %add3A_21 {strides = array<i32>} : memref<4096x16xf32, #tpu.memory_space<vmem>>, vector<4096x16xf32>,
    return
  }
}

</mosaic_0001>

<sc_bundles>
// kernel: kernel.5.cloned.1.call-start
scs
__scs_entry_jumppad:
0x0: {  	(pc) =	sbr.rel $0x88, $3  }
0x1: {  	(tag) =	ssettag $0x0;
	lr =	simm.s32 $0x1  }
0x2: {  	[smem:$0x3F9B] =	sst lr;
	_ =	strace $0xD0000000  }
0x3: {  	_ = 	snop  }
0x4: {  	_ = 	snop  }
0x5: {  	_ = 	snop  }
0x6: {  	_ = 	snop  }
0x7: {  	_ = 	snop  }
__scs_overlays_trampoline_lowered:
0x8: {  	[smem:$0x3FAA] =	sst s0  }
0x9: {  	[smem:$0x3FAB] =	sst s1  }
0xa: {  	[smem:$0x3FAC] =	sst s2  }
0xb: {  	[smem:$0x3FAD] =	sst s3  }
0xc: {  	[smem:$0x3FAE] =	sst s4  }
0xd: {  	[smem:$0x3FAF] =	sst s5  }
0xe: {  	[smem:$0x3FB0] =	sst s6  }
0xf: {  	[smem:$0x3FB1] =	sst s7  }
0x10: {  	[smem:$0x3FB2] =	sst s8  }
0x11: {  	[smem:$0x3FB3] =	sst s9;
	s0 =	simm.s32 @!p0 $0x0  }
0x12: {  	s1 =	sld [smem:$0x3F99];
	s0 =	simm.s32 @p0 $0x1  }
0x13: {  	[smem:$0x3FB4] =	sst s0;
	s0 =	simm.s32 @!p1 $0x0  }
0x14: {  	s2 =	sld [smem:$0x3F98];
	s0 =	simm.s32 @p1 $0x1  }
0x15: {  	[smem:$0x3FB5] =	sst s0;
	s0 =	simm.s32 @!p2 $0x0  }
0x16: {  	s3 =	sld [smem:$0x3FDB];
	s0 =	simm.s32 @p2 $0x1  }
0x17: {  	s4 =	simm.s32 $0x1BF5;
	[smem:$0x3FB7] =	sst s0  }
0x18: {  	s0 =	sld [smem:$0x3F9A];
	_ =	swait.ge [sflag:s4], $0x0  }
0x19: {  	s7 =	sld [smem:$0x3F9B]  }
0x1a: {  	s8 =	sadd.s32 $0xFFFFE003, lr  }
0x1b: {  	s9 =	sadd.s32 $0xFFFFFEF7, lr;
	s5 =	simm.s32 $0xFFFFFFFF;
	p2 =	slt.u32 s8, $0xFFFFF086  }
0x1c: {  	p1 =	slt.u32 s9, $0xF7A;
	s5 =	simm.s32 @!p2 $0x0  }
0x1d: {  	s5 =	simm.s32 @p1 $0x1;
	p0 =	seq.s32 s7, s2  }
0x1e: {  	s7 =	smul.u32 @!p0 $0xF7A, s2;
	p2 =	seq.s32 @!p0 s5, $0x0  }
0x1f: {  	s9 =	smul.u32 $0xF7A, s1;
	s8 =	simm.s32 @!p0 $0x1BF5;
	p2 =	por !p2, p0  }
0x20: {  	[sflag:s8] =	ssyncset.s32 @!p0 $0xFFFFF086;
	s6 =	sadd.s32 @!p0 s3, s7;
	s7 =	simm.s32 @!p0 $0x108  }
0x21: {  	s3 =	sadd.s32 s3, s9;
	s6 =	sadd.s32 @!p0 $0x88, s6;
	s7 =	simm.s32 @p2 $0x1082  }
0x22: {  	[simem:s7], [sflag:s8] =	dma.local @!p0 [hbm:s6], $0xF7A  }
0x23: {  	s9 =	sor.u32 $0xD0000000, s2;
	s6 =	simm.s32 $0x108;
	_ =	swait.ge @!p0 [sflag:s8], $0x0  }
0x24: {  	s3 =	sadd.s32 $0x88, s3;
	s6 =	simm.s32 @!p1 $0x1082;
	[sflag:s4] =	ssyncset.s32 $0xFFFFF086  }
0x25: {  	[simem:s6], [sflag:s4] =	dma.local [hbm:s3], $0xF7A  }
0x26: {  	[smem:$0x3F9B] =	sst s1;
	(tag) =	ssettag s2;
	_ =	strace s9  }
0x27: {  	s1 =	sld [smem:$0x3FAB]  }
0x28: {  	s2 =	sld [smem:$0x3FAC]  }
0x29: {  	s4 =	sld [smem:$0x3FAE]  }
0x2a: {  	p0 =	seq.s32 s5, $0x0;
	s5 =	sld [smem:$0x3FAF]  }
0x2b: {  	s6 =	sld [smem:$0x3FB0]  }
0x2c: {  	s7 =	sld [smem:$0x3FB1]  }
0x2d: {  	s3 =	simm.s32 $0x108;
	s8 =	sld [smem:$0x3FB2]  }
0x2e: {  	s3 =	simm.s32 @!p0 $0x1082;
	s9 =	sld [smem:$0x3FB3]  }
0x2f: {  	lr =	sadd.s32 s0, s3;
	s0 =	sld [smem:$0x3FAA]  }
0x30: {  	s3 =	sld [smem:$0x3FAD]  }
0x31: {  	[smem:$0x3FB6] =	sst s10  }
0x32: {  	s10 =	sld [smem:$0x3FB4];
	_ =	sdelay $0x3  }
0x33: {  	p0 =	seq.s32 s10, $0x1;
	s10 =	sld [smem:$0x3FB6];
	_ =	sdelay $0x3  }
0x34: {  	[smem:$0x3FB6] =	sst s10  }
0x35: {  	s10 =	sld [smem:$0x3FB5];
	_ =	sdelay $0x3  }
0x36: {  	p1 =	seq.s32 s10, $0x1;
	s10 =	sld [smem:$0x3FB6];
	_ =	sdelay $0x3  }
0x37: {  	[smem:$0x3FB6] =	sst s10  }
0x38: {  	s10 =	sld [smem:$0x3FB7]  }
0x39: {  	_ = 	snop;
	(pc) =	sbr.ind lr, $3  }
0x3a: {  	_ = 	snop  }
0x3b: {  	_ = 	snop  }
0x3c: {  	p2 =	seq.s32 s10, $0x1;
	s10 =	sld [smem:$0x3FB6]  }
0x3d: {  	_ =	shalt  }
0x3e: {  	_ =	shalt  }
0x3f: {  	_ =	shalt  }
0x40: {  	_ =	shalt  }
0x41: {  	_ =	shalt  }
0x42: {  	_ =	shalt  }
0x43: {  	_ =	shalt  }
0x44: {  	_ =	shalt  }
0x45: {  	_ =	shalt  }
0x46: {  	_ =	shalt  }
0x47: {  	_ =	shalt  }
0x48: {  	_ =	shalt  }
0x49: {  	_ =	shalt  }
0x4a: {  	_ =	shalt  }
0x4b: {  	_ =	shalt  }
0x4c: {  	_ =	shalt  }
0x4d: {  	_ =	shalt  }
0x4e: {  	_ =	shalt  }
0x4f: {  	_ =	shalt  }
0x50: {  	_ =	shalt  }
0x51: {  	_ =	shalt  }
0x52: {  	_ =	shalt  }
0x53: {  	_ =	shalt  }
0x54: {  	_ =	shalt  }
0x55: {  	_ =	shalt  }
0x56: {  	_ =	shalt  }
0x57: {  	_ =	shalt  }
0x58: {  	_ =	shalt  }
0x59: {  	_ =	shalt  }
0x5a: {  	_ =	shalt  }
0x5b: {  	_ =	shalt  }
0x5c: {  	_ =	shalt  }
0x5d: {  	_ =	shalt  }
0x5e: {  	_ =	shalt  }
0x5f: {  	_ =	shalt  }
0x60: {  	_ =	shalt  }
0x61: {  	_ =	shalt  }
0x62: {  	_ =	shalt  }
0x63: {  	_ =	shalt  }
0x64: {  	_ =	shalt  }
0x65: {  	_ =	shalt  }
0x66: {  	_ =	shalt  }
0x67: {  	_ =	shalt  }
0x68: {  	_ =	shalt  }
0x69: {  	_ =	shalt  }
0x6a: {  	_ =	shalt  }
0x6b: {  	_ =	shalt  }
0x6c: {  	_ =	shalt  }
0x6d: {  	_ =	shalt  }
0x6e: {  	_ =	shalt  }
0x6f: {  	_ =	shalt  }
0x70: {  	_ =	shalt  }
0x71: {  	_ =	shalt  }
0x72: {  	_ =	shalt  }
0x73: {  	_ =	shalt  }
0x74: {  	_ =	shalt  }
0x75: {  	_ =	shalt  }
0x76: {  	_ =	shalt  }
0x77: {  	_ =	shalt  }
0x78: {  	_ =	shalt  }
0x79: {  	_ =	shalt  }
0x7a: {  	_ =	shalt  }
0x7b: {  	_ =	shalt  }
0x7c: {  	_ =	shalt  }
0x7d: {  	_ =	shalt  }
0x7e: {  	_ =	shalt  }
0x7f: {  	_ =	shalt  }
0x80: {  	_ =	shalt  }
0x81: {  	_ =	shalt  }
0x82: {  	_ =	shalt  }
0x83: {  	_ =	shalt  }
0x84: {  	_ =	shalt  }
0x85: {  	_ =	shalt  }
0x86: {  	_ =	shalt  }
0x87: {  	_ =	shalt  }
.Lfunc_end0:
.L_simem_size_0:
called_computation_lowered:
.L_overlay_start_0:
0x88: {  	s2 =	sld [smem:$0x3FD9]  }
0x89: {  	s3 =	sld [smem:$0x3FFE];
	_ =	sdelay $0x1  }
0x8a: {  	s1 =	srdreg.scid  }
0x8b: {  	s0 =	sand.u32 $0x1, s1  }
0x8c: {  	s17 =	sshll.u32 s0, $0xA;
	s2 =	sadd.s32 s3, s2  }
0x8d: {  	s2 =	sadd.s32 s2, s17  }
0x8e: {  	[smem:$0x3FC2] =	sst s2  }
0x8f: {  	_ = 	snop  }
0x90: {  	s2 =	sld [smem:$0x3FD0];
	(tm) =	ssettm $0x1  }
0x91: {  	s18 =	sld [smem:$0x3FFB];
	_ =	sdelay $0x3  }
0x92: {  	_ =	strace s18  }
0x93: {  	s3 =	sld [smem:$0x3FFC];
	_ =	sdelay $0x3  }
0x94: {  	_ =	strace s3  }
0x95: {  	s3 =	sld [smem:$0x3FFD];
	_ =	sdelay $0x3  }
0x96: {  	_ =	strace s3  }
0x97: {  	_ =	strace $0x8FFFFFFF  }
0x98: {  	s19 =	sld [smem:$0x3FDB];
	_ =	sdelay $0x1  }
0x99: {  	s4 =	simm.s32 $_scs_section_size  }
0x9a: {  	s5 =	simm.s32 $_size__tile_overlayer_lowered;
	s6 =	simm.s32 $_tile_overlayer_lowered  }
0x9b: {  	s22 =	simm.s32 $0x1BFF;
	s21 =	sshll.u32 s6, $0x1;
	s3 =	sadd.s32 s4, s19  }
0x9c: {  	s7 =	simm.s32 $0x0;
	s20 =	sshll.u32 s5, $0x1;
	s5 =	sadd.s32 s21, s3  }
0x9d: {  	[timem:s7], [sflag:s22] =	dma.local [hbm:s5], s20  }
0x9e: {  	_ =	swait.ge [sflag:s22], s20  }
0x9f: {  	s4 =	ssub.s32 $0x0, s20;
	[sflag:s22] =	ssyncset.done $0x0  }
0xa0: {  	[sflag:s22] =	ssyncadd.s32 s4;
	_ =	sdelay $0x1  }
0xa1: {  	s23 =	simm.s32 $0x1B8B  }
0xa2: {  	_ =	swait.ge [sflag:s23], $0x1  }
0xa3: {  	[sflag:s23] =	ssyncset.done $0x0  }
0xa4: {  	s25 =	simm.s32 $0x1B8E;
	s24 =	sld [smem:$0x3FFE];
	[sflag:s23] =	ssyncadd.s32 $0xFFFFFFFF  }
0xa5: {  	s26 =	simm.s32 $execute0_lowered;
	[smem:$0x3FD2] =	sst s25  }
0xa6: {  	s5 =	sshll.u32 s26, $0x1;
	_ =	strace $0x80000046;
	[dreg:$0x1] =	wrdreg $0xFFFFFFFF  }
0xa7: {  	s28 =	simm.s32 $_size_execute0_lowered;
	s3 =	sadd.s32 s3, s5;
	[dreg:$0x0] =	wrdreg $0x0  }
0xa8: {  	s5 =	sshll.u32 s28, $0x1;
	[dreg:$0x2] =	wrdreg s3  }
0xa9: {  	[dreg:$0x3] =	wrdreg s5  }
0xaa: {  	[dreg:$0x4] =	wrdreg $0xC0  }
0xab: {  	_ =	task [dreg:s7], $0x5FFFF  }
0xac: {  	[dreg:$0x1] =	wrdreg $0xFFFFFFFF  }
0xad: {  	[dreg:$0x0] =	wrdreg $0x60  }
0xae: {  	[dreg:$0x2] =	wrdreg s24  }
0xaf: {  	[dreg:$0x3] =	wrdreg s2  }
0xb0: {  	[dreg:$0x4] =	wrdreg $0x9  }
0xb1: {  	_ =	task.clear_ibuf [dreg:s7], $0x5FFFF;
	_ =	strace $0x90000046  }
0xb2: {  	s29 =	simm.s32 $0x9;
	_ =	strace $0x80000048  }
0xb3: {  	_ =	swait.ge [sflag:s29], $0x1  }
0xb4: {  	[sflag:s29] =	ssyncadd.s32 $0xFFFFFFFF  }
0xb5: {  	_ =	strace $0x90000048  }
0xb6: {  	_ =	sfence  }
0xb7: {  	s30 =	sld [smem:$0x0];
	_ =	sdelay $0x2  }
0xb8: {  	s31 =	sshll.u32 s1, $0xD;
	s1 =	sshrl.u32 s1, $0x2  }
0xb9: {  	s3 =	sand.u32 $0x4000, s31;
	s1 =	sadd.s32 s1, s30  }
0xba: {  	s0 =	sor.u32 s3, s0;
	s1 =	sshll.u32 s1, $0x11  }
0xbb: {  	s0 =	sor.u32 s1, s0  }
0xbc: {  	s0 =	sadd.s32 $0x8F2B, s0  }
0xbd: {  	[sflag:s0] =	ssyncadd.remote.s32 $0x1  }
0xbe: {  	_ =	sfence.sel $0xFFFF  }
0xbf: {  	[dreg:$0x0] =	wrdreg $0xFFFFFFFF;
	(pc) =	sbr.abs _section_cstart, $3  }
0xc0: {  	[dreg:$0x1] =	wrdreg $0xFFFFFFFF  }
0xc1: {  	_ =	task.clear_ibuf [dreg:s7], $0x2FFFF;
	_ =	strace $0x9FFFFFFF  }
0xc2: {  	(tm) =	ssettm $0x7FFFFFFF  }
0xc3: {  	_ =	shalt  }
tec
execute0_lowered:
.L_overlay_start_1:
0x0: {  	(tag) =	ssettag $0x1  }
0x1: {  	s0 =	rddreg [dreg:$0x0]  }
0x2: {  	s1 =	rddreg [dreg:$0x1]  }
0x3: {  	s3 =	srdreg.scid;
	s4 =	stileid.u32;
	s2 =	simm.s32 $0x0  }
0x4: {  	s8 =	simm.s32 $0x4;
	s10 =	simm.s32 $0xC8;
	s11 =	simm.s32 $0x8480  }
0x5: {  	s13 =	simm.s32 $0xE880;
	s14 =	simm.s32 $0x1;
	s15 =	simm.s32 $0x14C80  }
0x6: {  	s16 =	simm.s32 $0x2;
	s3 =	sand.u32 $0x1, s3;
	s4 =	sshll.u32 s4, $0x1  }
0x7: {  	s17 =	simm.s32 $0x3;
	[smem:$0x7FF] =	sst s2;
	s4 =	sor.u32 s3, s4  }
0x8: {  	_ =	strace $0x80000047;
	s7 =	ssub.s32 $0x2, s3;
	s3 =	sadd.s32 $0x20C00, s0  }
0x9: {  	s5 =	sshll.u32 s4, $0xC;
	s6 =	sshll.u32 s4, $0xB;
	s4 =	sshll.u32 s4, $0x7  }
0xa: {  	s31 =	sshrl.u32 s7, $0x1;
	s5 =	sadd.s32 s5, s0;
	s1 =	sadd.s32 s1, s4  }
0xb: {  	s0 =	sadd.s32 s6, s0;
	s5 =	sadd.s32 $0xC00, s5;
	[dreg:$0x4] =	wrdreg s1  }
0xc: {  	s7 =	ssub.s32 s7, s31;
	s0 =	sadd.s32 $0x7D0C00, s0;
	[dreg:$0x3] =	wrdreg s5  }
0xd: {  	s19 =	simm.s32 $0x0;
	s7 =	smax.u32 s7, $0x1;
	[dreg:$0x5] =	wrdreg s0  }
.LBB2_1:
0xe: {  	s0 =	rddreg [dreg:$0x3]  }
0xf: {  	[tilespmem:s2], [sflag:$0x4] =	stream.linear.gather [hbm4b:s0+s2], $0x8000, $0x38;
	[tilespmem:$0x1F080] =	vst v63  }
0x10: {  	_ =	swait.ge [sflag:s8], $0x8000  }
0x11: {  	[sflag:s8] =	ssyncset.done $0x0  }
0x12: {  	s1 =	simm.s32 $0x8000;
	s30 =	rddreg [dreg:$0x4];
	[sflag:s8] =	ssyncadd.s32 $0xFFFF8000  }
0x13: {  	[tilespmem:s1], [sflag:$0x4] =	stream.linear.gather [hbm4b:s30+s2], $0x400, $0x38;
	[tilespmem:$0x1F080] =	vst v63  }
0x14: {  	_ =	swait.ge [sflag:s8], $0x400  }
0x15: {  	[sflag:s8] =	ssyncset.done $0x0  }
0x16: {  	[sflag:s8] =	ssyncadd.s32 $0xFFFFFC00  }
0x17: {  	[tilespmem:s11], [sflag:$0x1] =	stream.indirect.gather [hbm4b:s3+s10], $0x80, s2, s10, $0xb8;
	[tilespmem:$0x1F080] =	vst v63  }
0x18: {  	s31 =	simm.s32 $0x100;
	s20 =	simm.s32 $0x0  }
0x19: {  	[tilespmem:s13], [sflag:$0x2] =	stream.indirect.gather [hbm4b:s3+s10], $0x80, s31, s10, $0xb8;
	[tilespmem:$0x1F080] =	vst v63  }
.LBB2_2:
0x1a: {  	s0 =	smul.u32 $0x60, s20;
	_ =	sdelay $0x1  }
0x1b: {  	s0 =	sshra.s32 s0, $0x2  }
0x1c: {  	s22 =	smul.u32 $0x3, s20;
	s0 =	sadd.s32 $0x8000, s0  }
0x1d: {  	v3 =	vmov s0  }
0x1e: {  	_ =	swait.ge [sflag:s14], $0x6400;
	s21 =	sadd.s32 $0x2, s22  }
0x1f: {  	[sflag:s14] =	ssyncset.done $0x0;
	s9 =	sshll.u32 s21, $0x8  }
0x20: {  	s12 =	simm.s32 $0x0;
	[sflag:s14] =	ssyncadd.s32 $0xFFFF9C00;
	s0 =	sand.u32 $0x3FFFFF00, s9  }
0x21: {  	[tilespmem:s15], [sflag:$0x3] =	stream.indirect.gather [hbm4b:s3+s10], $0x80, s0, s10, $0xb8;
	[tilespmem:$0x1F080] =	vst v63  }
0x22: {  	v0 =	vld.idx.msk [tilespmem:v3+s12+$0x0 ss:$0x1], $0xffff;
	_ =	sdelay $0x4  }
0x23: {  	(v2sf) =	vpush v0, $0x0;
	_ =	sdelay $0xc  }
0x24: {  	s18 =	simm.s32 $0x0  }
0x25: {  	s0 =	sand.u32 $0x18, s18  }
0x26: {  	s1 =	sor.u32 $0x5, s0;
	s4 =	spop (v2sf)  }
0x27: {  	s18 =	simm.s32 $0x0;
	s5 =	sor.u32 $0x7, s0;
	s1 =	sshrl.u32 s4, s1  }
0x28: {  	s9 =	sor.u32 $0x1, s0;
	s12 =	sor.u32 $0x4, s0;
	s1 =	sand.u32 $0x1, s1  }
0x29: {  	s5 =	sshrl.u32 s4, s5;
	s9 =	sshrl.u32 s4, s9;
	s1 =	sshll.u32 s1, $0x6  }
0x2a: {  	v6 =	vld.idx.msk [tilespmem:v3+s18+$0x0 ss:$0x1], $0xffff;
	s24 =	sshrl.u32 s4, s12;
	s9 =	sand.u32 $0x1, s9;
	s18 =	sadd.s32 $0x0, s1  }
0x2b: {  	s23 =	sand.u32 $0x1, s5;
	s5 =	sand.u32 $0x1, s24;
	s9 =	sshll.u32 s9, $0x6;
	v15 =	vld [tilespmem:s18+$0x8700]  }
0x2c: {  	s6 =	sshrl.u32 s4, s0;
	s5 =	sshll.u32 s5, $0x6;
	s9 =	sadd.s32 $0x0, s9;
	v0 =	vld [tilespmem:s18+$0x8720]  }
0x2d: {  	s12 =	sand.u32 $0x1, s6;
	s5 =	sadd.s32 $0x0, s5;
	v13 =	vld [tilespmem:s9+$0x8500]  }
0x2e: {  	s12 =	sshll.u32 s12, $0x6;
	v4 =	vld [tilespmem:s5+$0x86A0]  }
0x2f: {  	s12 =	sadd.s32 $0x0, s12;
	v17 =	vld [tilespmem:s9+$0x8530]  }
0x30: {  	v12 =	vld [tilespmem:s12+$0x8480]  }
0x31: {  	v20 =	vld [tilespmem:s12+$0x84B0]  }
0x32: {  	v21 =	vld [tilespmem:s5+$0x8680]  }
0x33: {  	v14 =	vld [tilespmem:s9+$0x8520]  }
0x34: {  	(v2sf) =	vpush v6, $0x0;
	v6 =	vld [tilespmem:s5+$0x86B0]  }
0x35: {  	v22 =	vld [tilespmem:s12+$0x8490]  }
0x36: {  	v19 =	vld [tilespmem:s12+$0x84A0]  }
0x37: {  	v7 =	vld [tilespmem:s18+$0x8730]  }
0x38: {  	s25 =	sor.u32 $0x6, s0;
	s24 =	sor.u32 $0x2, s0;
	v23 =	vld [tilespmem:s9+$0x8510]  }
0x39: {  	s0 =	sor.u32 $0x3, s0;
	s24 =	sshrl.u32 s4, s24;
	s1 =	sshll.u32 s23, $0x6;
	v9 =	vld [tilespmem:s5+$0x8690]  }
0x3a: {  	s0 =	sshrl.u32 s4, s0;
	s24 =	sand.u32 $0x1, s24;
	s23 =	sadd.s32 $0x0, s1;
	v10 =	vld [tilespmem:s18+$0x8710]  }
0x3b: {  	s0 =	sand.u32 $0x1, s0;
	s24 =	sshll.u32 s24, $0x6;
	v2 =	vld [tilespmem:s23+$0x8800]  }
0x3c: {  	s0 =	sshll.u32 s0, $0x6;
	v1 =	vld [tilespmem:s23+$0x8820];
	s30 =	sadd.s32 $0x0, s24  }
0x3d: {  	s0 =	sadd.s32 $0x0, s0;
	v18 =	vld [tilespmem:s30+$0x8580]  }
0x3e: {  	s26 =	sshrl.u32 s4, s25;
	v8 =	vld [tilespmem:s0+$0x8620]  }
0x3f: {  	s1 =	sand.u32 $0x1, s26;
	v24 =	vld [tilespmem:s0+$0x8600]  }
0x40: {  	s1 =	sshll.u32 s1, $0x6;
	v11 =	vld [tilespmem:s0+$0x8630]  }
0x41: {  	s1 =	sadd.s32 $0x0, s1;
	v63 =	vld [tilespmem:s30+$0x85B0]  }
0x42: {  	v25 =	vimm.f32 $-Inf;
	v16 =	vld [tilespmem:s1+$0x8780]  }
0x43: {  	s28 =	simm.s32 $0x2;
	s26 =	simm.s32 $0x8;
	v5 =	vld [tilespmem:s1+$0x8790];
	v26 =	vmax.f32 v25, v12  }
0x44: {  	s25 =	simm.s32 $0x2000;
	s24 =	simm.s32 $0x400;
	v12 =	vld [tilespmem:s0+$0x8610];
	s0 =	sand.u32 $0x18, s26;
	v13 =	vmax.f32 v26, v13  }
0x45: {  	s18 =	sor.u32 $0x2, s0;
	s5 =	sor.u32 $0x5, s0;
	s31 =	sor.u32 $0x3, s0;
	v13 =	vmax.f32 v13, v18;
	v18 =	vld [tilespmem:s30+$0x8590]  }
0x46: {  	v27 =	vmax.f32 v25, v19;
	v19 =	vld [tilespmem:s30+$0x85A0];
	s9 =	sor.u32 $0x7, s0;
	s6 =	sor.u32 $0x1, s0;
	v13 =	vmax.f32 v13, v24;
	s29 =	spop (v2sf)  }
0x47: {  	v20 =	vmax.f32 v25, v20;
	v14 =	vmax.f32 v27, v14;
	v21 =	vmax.f32 v13, v21;
	v13 =	vld [tilespmem:s1+$0x87A0];
	s4 =	sshrl.u32 s29, s18;
	s18 =	sor.u32 $0x4, s0;
	s6 =	sshrl.u32 s29, s6  }
0x48: {  	v17 =	vmax.f32 v20, v17;
	v20 =	vmax.f32 v25, v22;
	v22 =	vmax.f32 v21, v15;
	v15 =	vld [tilespmem:s1+$0x87B0];
	s4 =	sand.u32 $0x1, s4;
	s12 =	sshrl.u32 s29, s18;
	s1 =	sand.u32 $0x1, s6  }
0x49: {  	v20 =	vmax.f32 v20, v23;
	v21 =	vmax.f32 v17, v63;
	v17 =	vld [tilespmem:s23+$0x8810];
	v16 =	vmax.f32 v22, v16;
	s18 =	sor.u32 $0x6, s0;
	s30 =	sshll.u32 s4, $0x6;
	s4 =	sshrl.u32 s29, s5  }
.LBB2_3:
0x4a: {  	s5 =	sshrl.u32 s28, $0x2;
	s1 =	sshll.u32 s1, $0x6;
	s4 =	sand.u32 $0x1, s4;
	v18 =	vmax.f32 v20, v18;
	v20 =	vld [tilespmem:s23+$0x8830]  }
0x4b: {  	s0 =	sshrl.u32 s29, s0;
	v11 =	vmax.f32 v21, v11;
	v22 =	vld.idx.msk [tilespmem:v3+s5+$0x0 ss:$0x1], $0xffff;
	s4 =	sshll.u32 s4, $0x6;
	s5 =	sshrl.u32 s29, s9;
	v14 =	vmax.f32 v14, v19;
	v12 =	vmax.f32 v18, v12  }
0x4c: {  	s6 =	sand.u32 $0x1, s0;
	v6 =	vmax.f32 v11, v6;
	s0 =	sadd.s32 s24, s4;
	s4 =	sand.u32 $0x1, s5;
	v8 =	vmax.f32 v14, v8;
	v9 =	vmax.f32 v12, v9  }
0x4d: {  	s9 =	sadd.s32 s24, s1;
	s1 =	sshrl.u32 s29, s18;
	v6 =	vmax.f32 v6, v7;
	v21 =	vld [tilespmem:s0+$0x8700];
	s4 =	sshll.u32 s4, $0x6;
	v4 =	vmax.f32 v8, v4;
	v8 =	vmax.f32 v9, v10  }
0x4e: {  	s5 =	sshll.u32 s6, $0x6;
	s6 =	sand.u32 $0x1, s12;
	v6 =	vmax.f32 v6, v15;
	s23 =	sadd.s32 s24, s4;
	v4 =	vmax.f32 v4, v0;
	v0 =	vld [tilespmem:s0+$0x8720];
	v5 =	vmax.f32 v8, v5  }
0x4f: {  	s1 =	sand.u32 $0x1, s1;
	s4 =	sadd.s32 s24, s5;
	s5 =	sshrl.u32 s29, s31;
	v7 =	vld [tilespmem:s23+$0x8800];
	v4 =	vmax.f32 v4, v13;
	v13 =	vmax.f32 v5, v17;
	v10 =	vmax.f32 v6, v20  }
0x50: {  	v12 =	vmax.f32 v16, v2;
	s6 =	sshll.u32 s6, $0x6;
	s1 =	sshll.u32 s1, $0x6;
	s5 =	sand.u32 $0x1, s5;
	v15 =	vld [tilespmem:s9+$0x8500];
	v11 =	vmax.f32 v4, v1  }
0x51: {  	s6 =	sadd.s32 s24, s6;
	s1 =	sadd.s32 s24, s1;
	s5 =	sshll.u32 s5, $0x6;
	v1 =	vld [tilespmem:s23+$0x8820]  }
0x52: {  	p0 =	sne.s32 s25, $0x18000;
	s12 =	smov.u32 s25;
	s25 =	sadd.s32 $0x1000, s25;
	v4 =	vld [tilespmem:s6+$0x86A0]  }
0x53: {  	v16 =	vld [tilespmem:s1+$0x8780]  }
0x54: {  	v17 =	vld [tilespmem:s9+$0x8530];
	v2 =	vmov v7  }
0x55: {  	v18 =	vld [tilespmem:s4+$0x8480]  }
0x56: {  	s18 =	sadd.s32 s24, s30;
	v5 =	vld [tilespmem:s1+$0x8790]  }
0x57: {  	v19 =	vld [tilespmem:s4+$0x84B0]  }
0x58: {  	(v2sf) =	vpush v22, $0x0;
	v22 =	vld [tilespmem:s6+$0x8680]  }
0x59: {  	v14 =	vld [tilespmem:s9+$0x8520]  }
0x5a: {  	v6 =	vld [tilespmem:s6+$0x86B0]  }
0x5b: {  	v20 =	vld [tilespmem:s4+$0x8490]  }
0x5c: {  	v23 =	vld [tilespmem:s18+$0x8580]  }
0x5d: {  	v24 =	vld [tilespmem:s4+$0x84A0]  }
0x5e: {  	s26 =	sadd.s32 $0x8, s26;
	v7 =	vld [tilespmem:s0+$0x8730]  }
0x5f: {  	s4 =	sadd.s32 s24, s5;
	v25 =	vld [tilespmem:s9+$0x8510]  }
0x60: {  	v8 =	vld [tilespmem:s4+$0x8620]  }
0x61: {  	v9 =	vld [tilespmem:s6+$0x8690]  }
0x62: {  	v11 =	vmax.f32 v11, v24;
	v24 =	vld [tilespmem:s4+$0x8600]  }
0x63: {  	v14 =	vmax.f32 v11, v14;
	v11 =	vld [tilespmem:s4+$0x8630]  }
0x64: {  	v19 =	vmax.f32 v10, v19;
	v10 =	vld [tilespmem:s0+$0x8710]  }
0x65: {  	v18 =	vmax.f32 v12, v18;
	v17 =	vmax.f32 v19, v17;
	s0 =	sand.u32 $0x18, s26;
	v12 =	vld [tilespmem:s4+$0x8610]  }
0x66: {  	s28 =	sadd.s32 $0x1, s28;
	v15 =	vmax.f32 v18, v15;
	s24 =	sshra.s32 s12, $0x2;
	s4 =	sor.u32 $0x2, s0;
	v26 =	vld [tilespmem:s18+$0x85B0]  }
.Ltmp0:
0x67: {  	v15 =	vmax.f32 v15, v23;
	s5 =	sor.u32 $0x5, s0;
	s29 =	spop (v2sf);
	v18 =	vld [tilespmem:s18+$0x8590];
	(pc) =	sbr.rel @p0 .LBB2_3-.Ltmp0, $4  }
0x68: {  	v13 =	vmax.f32 v13, v20;
	s31 =	sor.u32 $0x3, s0;
	s9 =	sor.u32 $0x7, s0;
	v15 =	vmax.f32 v15, v24;
	s4 =	sshrl.u32 s29, s4;
	v19 =	vld [tilespmem:s18+$0x85A0]  }
0x69: {  	v20 =	vmax.f32 v13, v25;
	s6 =	sor.u32 $0x1, s0;
	s12 =	sor.u32 $0x4, s0;
	v15 =	vmax.f32 v15, v22;
	s4 =	sand.u32 $0x1, s4;
	v13 =	vld [tilespmem:s1+$0x87A0]  }
0x6a: {  	s6 =	sshrl.u32 s29, s6;
	s12 =	sshrl.u32 s29, s12;
	v22 =	vmax.f32 v15, v21;
	s30 =	sshll.u32 s4, $0x6;
	v15 =	vld [tilespmem:s1+$0x87B0]  }
0x6b: {  	s18 =	sor.u32 $0x6, s0;
	s1 =	sand.u32 $0x1, s6;
	s4 =	sshrl.u32 s29, s5;
	v16 =	vmax.f32 v22, v16;
	v21 =	vmax.f32 v17, v26;
	v17 =	vld [tilespmem:s23+$0x8810]  }
0x6c: {  	s4 =	sand.u32 $0x1, s4  }
0x6d: {  	s4 =	sshll.u32 s4, $0x6  }
0x6e: {  	s5 =	sshrl.u32 s29, s9;
	v3 =	vld [tilespmem:s23+$0x8830];
	s9 =	sadd.s32 s24, s4  }
0x6f: {  	s6 =	sand.u32 $0x1, s5;
	v22 =	vld [tilespmem:s9+$0x8700]  }
0x70: {  	s4 =	sshll.u32 s6, $0x6;
	s6 =	sand.u32 $0x1, s12;
	s12 =	sadd.s32 s24, s30;
	v23 =	vld [tilespmem:s9+$0x8720]  }
0x71: {  	v18 =	vmax.f32 v20, v18;
	v11 =	vmax.f32 v21, v11;
	v37 =	vld [tilespmem:s12+$0x8580]  }
0x72: {  	v12 =	vmax.f32 v18, v12;
	v6 =	vmax.f32 v11, v6;
	v39 =	vld [tilespmem:s9+$0x8730]  }
0x73: {  	v9 =	vmax.f32 v12, v9;
	v6 =	vmax.f32 v6, v7;
	v7 =	vld [tilespmem:s12+$0x85B0]  }
0x74: {  	s23 =	sshll.u32 s1, $0x6;
	s25 =	sshrl.u32 s29, s18;
	s1 =	sadd.s32 s24, s4;
	v9 =	vmax.f32 v9, v10;
	v10 =	vld [tilespmem:s9+$0x8710]  }
0x75: {  	s5 =	sand.u32 $0x1, s25;
	s4 =	sadd.s32 s24, s23;
	v24 =	vld [tilespmem:s1+$0x8800]  }
0x76: {  	s0 =	sshrl.u32 s29, s0;
	s5 =	sshll.u32 s5, $0x6;
	v25 =	vld [tilespmem:s4+$0x8500]  }
0x77: {  	s26 =	sand.u32 $0x1, s0;
	s0 =	sadd.s32 s24, s5;
	v26 =	vld [tilespmem:s1+$0x8820]  }
0x78: {  	s18 =	sshll.u32 s26, $0x6;
	v28 =	vld [tilespmem:s0+$0x8780]  }
0x79: {  	s5 =	sadd.s32 s24, s18;
	v29 =	vld [tilespmem:s4+$0x8530]  }
0x7a: {  	v30 =	vld [tilespmem:s5+$0x8480]  }
0x7b: {  	v31 =	vld [tilespmem:s0+$0x8790]  }
0x7c: {  	v32 =	vld [tilespmem:s5+$0x84B0]  }
0x7d: {  	v34 =	vld [tilespmem:s4+$0x8520]  }
0x7e: {  	v36 =	vld [tilespmem:s5+$0x8490]  }
0x7f: {  	v38 =	vld [tilespmem:s5+$0x84A0]  }
0x80: {  	s6 =	sshll.u32 s6, $0x6;
	v40 =	vld [tilespmem:s4+$0x8510]  }
0x81: {  	s23 =	sshrl.u32 s29, s31;
	s6 =	sadd.s32 s24, s6;
	v5 =	vmax.f32 v9, v5;
	v9 =	vld [tilespmem:s12+$0x85A0]  }
0x82: {  	v14 =	vmax.f32 v14, v19;
	s18 =	sand.u32 $0x1, s23;
	v27 =	vld [tilespmem:s6+$0x86A0]  }
0x83: {  	v8 =	vmax.f32 v14, v8;
	v33 =	vld [tilespmem:s6+$0x8680];
	s25 =	sshll.u32 s18, $0x6  }
0x84: {  	v4 =	vmax.f32 v8, v4;
	v35 =	vld [tilespmem:s6+$0x86B0];
	s26 =	sadd.s32 s24, s25  }
0x85: {  	v0 =	vmax.f32 v4, v0;
	v19 =	vld [tilespmem:s26+$0x8620]  }
0x86: {  	v6 =	vmax.f32 v6, v15;
	v0 =	vmax.f32 v0, v13;
	v8 =	vld [tilespmem:s26+$0x8600]  }
0x87: {  	v2 =	vmax.f32 v16, v2;
	v3 =	vmax.f32 v6, v3;
	v0 =	vmax.f32 v0, v1;
	v6 =	vld [tilespmem:s26+$0x8630]  }
0x88: {  	v5 =	vmax.f32 v5, v17;
	v1 =	vmax.f32 v2, v30;
	v2 =	vld [tilespmem:s12+$0x8590];
	v0 =	vmax.f32 v0, v38  }
0x89: {  	v4 =	vld [tilespmem:s26+$0x8610];
	v3 =	vmax.f32 v3, v32;
	v5 =	vmax.f32 v5, v36;
	v1 =	vmax.f32 v1, v25  }
0x8a: {  	v14 =	vld [tilespmem:s6+$0x8690];
	v0 =	vmax.f32 v0, v34;
	v3 =	vmax.f32 v3, v29;
	v1 =	vmax.f32 v1, v37  }
0x8b: {  	v3 =	vmax.f32 v3, v7;
	v0 =	vmax.f32 v0, v9;
	v1 =	vmax.f32 v1, v8;
	v8 =	vld [tilespmem:s0+$0x87A0]  }
0x8c: {  	v5 =	vmax.f32 v5, v40;
	v7 =	vld [tilespmem:s1+$0x8810];
	v3 =	vmax.f32 v3, v6;
	v0 =	vmax.f32 v0, v19  }
0x8d: {  	v1 =	vmax.f32 v1, v33;
	v3 =	vmax.f32 v3, v35;
	v2 =	vmax.f32 v5, v2;
	v5 =	vld [tilespmem:s0+$0x87B0]  }
0x8e: {  	v0 =	vmax.f32 v0, v27;
	v1 =	vmax.f32 v1, v22;
	v2 =	vmax.f32 v2, v4;
	v4 =	vld [tilespmem:s1+$0x8830];
	s1 =	smul.u32 $0x600, s20  }
0x8f: {  	v0 =	vmax.f32 v0, v23;
	v1 =	vmax.f32 v1, v28;
	v2 =	vmax.f32 v2, v14  }
0x90: {  	s23 =	sadd.s32 $0x1, s22;
	v1 =	vmax.f32 v1, v24;
	v2 =	vmax.f32 v2, v10;
	s0 =	sshra.s32 s1, $0x2;
	v0 =	vmax.f32 v0, v8  }
0x91: {  	s4 =	sshll.u32 s23, $0x3;
	v3 =	vmax.f32 v3, v39;
	v2 =	vmax.f32 v2, v31;
	[tilespmem:s0+$0x1B080] =	vst v1;
	v0 =	vmax.f32 v0, v26  }
0x92: {  	s1 =	sand.u32 $0x3FFFFFF8, s4;
	v2 =	vmax.f32 v2, v7;
	v1 =	vmax.f32 v3, v5;
	[tilespmem:s0+$0x1B0A0] =	vst v0  }
0x93: {  	s1 =	sadd.s32 $0x8000, s1;
	[tilespmem:s0+$0x1B090] =	vst v2;
	v1 =	vmax.f32 v1, v4  }
0x94: {  	s5 =	smul.u32 $0xC00, s20;
	v3 =	vmov s1;
	[tilespmem:s0+$0x1B0B0] =	vst v1  }
0x95: {  	_ =	swait.ge [sflag:s16], $0x6400  }
0x96: {  	s22 =	sshra.s32 s5, $0x2;
	[sflag:s16] =	ssyncset.done $0x0  }
0x97: {  	s6 =	simm.s32 $0x0;
	s0 =	sadd.s32 $0x300, s22;
	[sflag:s16] =	ssyncadd.s32 $0xFFFF9C00  }
0x98: {  	[tilespmem:s11], [sflag:$0x1] =	stream.indirect.gather [hbm4b:s3+s10], $0x80, s0, s10, $0xb8;
	[tilespmem:$0x1F080] =	vst v63  }
0x99: {  	v0 =	vld.idx.msk [tilespmem:v3+s6+$0x0 ss:$0x1], $0xffff;
	_ =	sdelay $0x4  }
0x9a: {  	(v2sf) =	vpush v0, $0x0;
	_ =	sdelay $0xc  }
0x9b: {  	s9 =	simm.s32 $0x0  }
0x9c: {  	s0 =	sand.u32 $0x18, s9  }
0x9d: {  	s12 =	sor.u32 $0x5, s0;
	s4 =	spop (v2sf)  }
0x9e: {  	s1 =	sshrl.u32 s4, s12  }
0x9f: {  	s26 =	simm.s32 $0x0;
	s18 =	sor.u32 $0x7, s0;
	s1 =	sand.u32 $0x1, s1  }
0xa0: {  	s24 =	sor.u32 $0x1, s0;
	s5 =	sshrl.u32 s4, s18;
	s1 =	sshll.u32 s1, $0x6  }
0xa1: {  	v6 =	vld.idx.msk [tilespmem:v3+s26+$0x0 ss:$0x1], $0xffff;
	s6 =	sshrl.u32 s4, s24;
	s5 =	sand.u32 $0x1, s5;
	s1 =	sadd.s32 $0x0, s1  }
0xa2: {  	s25 =	sor.u32 $0x4, s0;
	s6 =	sand.u32 $0x1, s6;
	s5 =	sshll.u32 s5, $0x6;
	v15 =	vld [tilespmem:s1+$0xEB00]  }
0xa3: {  	s9 =	sshrl.u32 s4, s25;
	s6 =	sshll.u32 s6, $0x6;
	s24 =	sadd.s32 $0x0, s5;
	v0 =	vld [tilespmem:s1+$0xEB20]  }
0xa4: {  	s9 =	sand.u32 $0x1, s9;
	s5 =	sadd.s32 $0x0, s6;
	v2 =	vld [tilespmem:s24+$0xEC00]  }
0xa5: {  	s18 =	sor.u32 $0x6, s0;
	s9 =	sshll.u32 s9, $0x6;
	v13 =	vld [tilespmem:s5+$0xE900]  }
0xa6: {  	s25 =	sshrl.u32 s4, s18;
	s18 =	sadd.s32 $0x0, s9;
	v1 =	vld [tilespmem:s24+$0xEC20]  }
0xa7: {  	v4 =	vld [tilespmem:s18+$0xEAA0]  }
0xa8: {  	v17 =	vld [tilespmem:s5+$0xE930]  }
0xa9: {  	v21 =	vld [tilespmem:s18+$0xEA80]  }
0xaa: {  	v14 =	vld [tilespmem:s5+$0xE920]  }
0xab: {  	(v2sf) =	vpush v6, $0x0;
	v6 =	vld [tilespmem:s18+$0xEAB0]  }
0xac: {  	v7 =	vld [tilespmem:s1+$0xEB30]  }
0xad: {  	s26 =	sshrl.u32 s4, s0;
	s6 =	sand.u32 $0x1, s25;
	v23 =	vld [tilespmem:s5+$0xE910]  }
0xae: {  	s12 =	sand.u32 $0x1, s26;
	s6 =	sshll.u32 s6, $0x6;
	v9 =	vld [tilespmem:s18+$0xEA90]  }
0xaf: {  	s25 =	sshll.u32 s12, $0x6;
	v10 =	vld [tilespmem:s1+$0xEB10];
	s9 =	sadd.s32 $0x0, s6  }
0xb0: {  	s6 =	sadd.s32 $0x0, s25;
	v16 =	vld [tilespmem:s9+$0xEB80]  }
0xb1: {  	s26 =	sor.u32 $0x2, s0;
	s0 =	sor.u32 $0x3, s0;
	v12 =	vld [tilespmem:s6+$0xE880]  }
0xb2: {  	s0 =	sshrl.u32 s4, s0;
	v5 =	vld [tilespmem:s9+$0xEB90]  }
0xb3: {  	s12 =	sshrl.u32 s4, s26;
	s0 =	sand.u32 $0x1, s0;
	v20 =	vld [tilespmem:s6+$0xE8B0]  }
0xb4: {  	s12 =	sand.u32 $0x1, s12;
	s0 =	sshll.u32 s0, $0x6;
	v22 =	vld [tilespmem:s6+$0xE890]  }
0xb5: {  	s12 =	sshll.u32 s12, $0x6;
	s0 =	sadd.s32 $0x0, s0;
	v19 =	vld [tilespmem:s6+$0xE8A0]  }
0xb6: {  	s31 =	sadd.s32 $0x0, s12;
	v8 =	vld [tilespmem:s0+$0xEA20]  }
0xb7: {  	v18 =	vld [tilespmem:s31+$0xE980]  }
0xb8: {  	v59 =	vld [tilespmem:s0+$0xEA00]  }
0xb9: {  	v60 =	vimm.f32 $-Inf;
	v11 =	vld [tilespmem:s0+$0xEA30]  }
0xba: {  	s28 =	simm.s32 $0x8;
	s29 =	simm.s32 $0x2;
	v62 =	vld [tilespmem:s31+$0xE9B0];
	v61 =	vmax.f32 v60, v12  }
0xbb: {  	s26 =	simm.s32 $0x2000;
	s1 =	sand.u32 $0x18, s28;
	s25 =	simm.s32 $0x400;
	v12 =	vld [tilespmem:s0+$0xEA10];
	v13 =	vmax.f32 v61, v13  }
0xbc: {  	s4 =	sor.u32 $0x5, s1;
	s12 =	sor.u32 $0x2, s1;
	v13 =	vmax.f32 v13, v18;
	v18 =	vld [tilespmem:s31+$0xE990];
	s30 =	spop (v2sf)  }
0xbd: {  	s6 =	sor.u32 $0x1, s1;
	v63 =	vmax.f32 v60, v19;
	s0 =	sor.u32 $0x3, s1;
	v19 =	vld [tilespmem:s31+$0xE9A0];
	v13 =	vmax.f32 v13, v59;
	s18 =	sshrl.u32 s30, s12  }
0xbe: {  	v20 =	vmax.f32 v60, v20;
	v14 =	vmax.f32 v63, v14;
	s12 =	sor.u32 $0x7, s1;
	v21 =	vmax.f32 v13, v21;
	v13 =	vld [tilespmem:s9+$0xEBA0];
	s6 =	sshrl.u32 s30, s6;
	s5 =	sand.u32 $0x1, s18  }
0xbf: {  	v17 =	vmax.f32 v20, v17;
	v20 =	vmax.f32 v60, v22;
	s18 =	sor.u32 $0x4, s1;
	v22 =	vmax.f32 v21, v15;
	v15 =	vld [tilespmem:s9+$0xEBB0];
	s9 =	sand.u32 $0x1, s6;
	s31 =	sshll.u32 s5, $0x6  }
0xc0: {  	v20 =	vmax.f32 v20, v23;
	v21 =	vmax.f32 v17, v62;
	v17 =	vld [tilespmem:s24+$0xEC10];
	s18 =	sshrl.u32 s30, s18;
	s5 =	sshrl.u32 s30, s4;
	s4 =	sor.u32 $0x6, s1;
	v16 =	vmax.f32 v22, v16  }
.LBB2_5:
0xc1: {  	s6 =	sshrl.u32 s29, $0x2;
	s9 =	sshll.u32 s9, $0x6;
	s5 =	sand.u32 $0x1, s5;
	v18 =	vmax.f32 v20, v18;
	v20 =	vld [tilespmem:s24+$0xEC30]  }
0xc2: {  	s1 =	sshrl.u32 s30, s1;
	v11 =	vmax.f32 v21, v11;
	v22 =	vld.idx.msk [tilespmem:v3+s6+$0x0 ss:$0x1], $0xffff;
	s5 =	sshll.u32 s5, $0x6;
	s6 =	sshrl.u32 s30, s12;
	v14 =	vmax.f32 v14, v19;
	v12 =	vmax.f32 v18, v12  }
0xc3: {  	s24 =	sand.u32 $0x1, s1;
	v6 =	vmax.f32 v11, v6;
	s1 =	sadd.s32 s25, s5;
	s5 =	sand.u32 $0x1, s6;
	v8 =	vmax.f32 v14, v8;
	v9 =	vmax.f32 v12, v9  }
0xc4: {  	s4 =	sshrl.u32 s30, s4;
	s12 =	sadd.s32 s25, s9;
	v6 =	vmax.f32 v6, v7;
	v21 =	vld [tilespmem:s1+$0xEB00];
	s5 =	sshll.u32 s5, $0x6;
	v4 =	vmax.f32 v8, v4;
	v8 =	vmax.f32 v9, v10  }
0xc5: {  	s9 =	sand.u32 $0x1, s18;
	s6 =	sshll.u32 s24, $0x6;
	v6 =	vmax.f32 v6, v15;
	s24 =	sadd.s32 s25, s5;
	v4 =	vmax.f32 v4, v0;
	v0 =	vld [tilespmem:s1+$0xEB20];
	v5 =	vmax.f32 v8, v5  }
0xc6: {  	s0 =	sshrl.u32 s30, s0;
	s4 =	sand.u32 $0x1, s4;
	s5 =	sadd.s32 s25, s6;
	v7 =	vld [tilespmem:s24+$0xEC00];
	v4 =	vmax.f32 v4, v13;
	v13 =	vmax.f32 v5, v17;
	v10 =	vmax.f32 v6, v20  }
0xc7: {  	s0 =	sand.u32 $0x1, s0;
	s4 =	sshll.u32 s4, $0x6;
	v12 =	vmax.f32 v16, v2;
	s6 =	sshll.u32 s9, $0x6;
	v15 =	vld [tilespmem:s12+$0xE900];
	v11 =	vmax.f32 v4, v1  }
0xc8: {  	s0 =	sshll.u32 s0, $0x6;
	s9 =	sadd.s32 s25, s4;
	s6 =	sadd.s32 s25, s6;
	v1 =	vld [tilespmem:s24+$0xEC20]  }
0xc9: {  	p0 =	sne.s32 s26, $0x18000;
	s4 =	smov.u32 s26;
	s26 =	sadd.s32 $0x1000, s26;
	v4 =	vld [tilespmem:s6+$0xEAA0]  }
0xca: {  	v16 =	vld [tilespmem:s9+$0xEB80]  }
0xcb: {  	v17 =	vld [tilespmem:s12+$0xE930];
	v2 =	vmov v7  }
0xcc: {  	v18 =	vld [tilespmem:s5+$0xE880]  }
0xcd: {  	s18 =	sadd.s32 s25, s31;
	v5 =	vld [tilespmem:s9+$0xEB90]  }
0xce: {  	v19 =	vld [tilespmem:s5+$0xE8B0]  }
0xcf: {  	(v2sf) =	vpush v22, $0x0;
	v22 =	vld [tilespmem:s6+$0xEA80]  }
0xd0: {  	v14 =	vld [tilespmem:s12+$0xE920]  }
0xd1: {  	v6 =	vld [tilespmem:s6+$0xEAB0]  }
0xd2: {  	v20 =	vld [tilespmem:s5+$0xE890]  }
0xd3: {  	v23 =	vld [tilespmem:s18+$0xE980]  }
0xd4: {  	v24 =	vld [tilespmem:s5+$0xE8A0]  }
0xd5: {  	s28 =	sadd.s32 $0x8, s28;
	v7 =	vld [tilespmem:s1+$0xEB30]  }
0xd6: {  	s0 =	sadd.s32 s25, s0;
	v25 =	vld [tilespmem:s12+$0xE910]  }
0xd7: {  	v8 =	vld [tilespmem:s0+$0xEA20]  }
0xd8: {  	v9 =	vld [tilespmem:s6+$0xEA90]  }
0xd9: {  	v11 =	vmax.f32 v11, v24;
	v24 =	vld [tilespmem:s0+$0xEA00]  }
0xda: {  	v14 =	vmax.f32 v11, v14;
	v11 =	vld [tilespmem:s0+$0xEA30]  }
0xdb: {  	v19 =	vmax.f32 v10, v19;
	v10 =	vld [tilespmem:s1+$0xEB10]  }
0xdc: {  	v18 =	vmax.f32 v12, v18;
	v17 =	vmax.f32 v19, v17;
	s1 =	sand.u32 $0x18, s28;
	v12 =	vld [tilespmem:s0+$0xEA10]  }
0xdd: {  	s29 =	sadd.s32 $0x1, s29;
	s25 =	sshra.s32 s4, $0x2;
	v15 =	vmax.f32 v18, v15;
	s0 =	sor.u32 $0x2, s1;
	v26 =	vld [tilespmem:s18+$0xE9B0]  }
.Ltmp1:
0xde: {  	v15 =	vmax.f32 v15, v23;
	s4 =	sor.u32 $0x5, s1;
	s30 =	spop (v2sf);
	v18 =	vld [tilespmem:s18+$0xE990];
	(pc) =	sbr.rel @p0 .LBB2_5-.Ltmp1, $4  }
0xdf: {  	v13 =	vmax.f32 v13, v20;
	s12 =	sor.u32 $0x7, s1;
	v15 =	vmax.f32 v15, v24;
	s5 =	sshrl.u32 s30, s0;
	s0 =	sor.u32 $0x3, s1;
	v19 =	vld [tilespmem:s18+$0xE9A0]  }
0xe0: {  	v20 =	vmax.f32 v13, v25;
	s6 =	sor.u32 $0x1, s1;
	s18 =	sor.u32 $0x4, s1;
	v15 =	vmax.f32 v15, v22;
	s5 =	sand.u32 $0x1, s5;
	v13 =	vld [tilespmem:s9+$0xEBA0]  }
0xe1: {  	s6 =	sshrl.u32 s30, s6;
	s18 =	sshrl.u32 s30, s18;
	v22 =	vmax.f32 v15, v21;
	s31 =	sshll.u32 s5, $0x6;
	v15 =	vld [tilespmem:s9+$0xEBB0]  }
0xe2: {  	s9 =	sand.u32 $0x1, s6;
	s5 =	sshrl.u32 s30, s4;
	s4 =	sor.u32 $0x6, s1;
	v16 =	vmax.f32 v22, v16;
	v21 =	vmax.f32 v17, v26;
	v17 =	vld [tilespmem:s24+$0xEC10]  }
0xe3: {  	s5 =	sand.u32 $0x1, s5  }
0xe4: {  	s5 =	sshll.u32 s5, $0x6  }
0xe5: {  	v3 =	vld [tilespmem:s24+$0xEC30];
	s24 =	sadd.s32 s25, s5  }
0xe6: {  	s6 =	sshrl.u32 s30, s12;
	v18 =	vmax.f32 v20, v18;
	v22 =	vld [tilespmem:s24+$0xEB00]  }
0xe7: {  	s12 =	sand.u32 $0x1, s6;
	v12 =	vmax.f32 v18, v12;
	v23 =	vld [tilespmem:s24+$0xEB20]  }
0xe8: {  	s5 =	sshll.u32 s12, $0x6;
	v9 =	vmax.f32 v12, v9;
	v39 =	vld [tilespmem:s24+$0xEB30]  }
0xe9: {  	s26 =	sshll.u32 s9, $0x6;
	s4 =	sshrl.u32 s30, s4;
	s9 =	sadd.s32 s25, s5;
	v9 =	vmax.f32 v9, v10;
	v10 =	vld [tilespmem:s24+$0xEB10]  }
0xea: {  	s4 =	sand.u32 $0x1, s4;
	s5 =	sadd.s32 s25, s26;
	v24 =	vld [tilespmem:s9+$0xEC00]  }
0xeb: {  	s4 =	sshll.u32 s4, $0x6;
	v25 =	vld [tilespmem:s5+$0xE900]  }
0xec: {  	s26 =	sadd.s32 s25, s4;
	v26 =	vld [tilespmem:s9+$0xEC20]  }
0xed: {  	v28 =	vld [tilespmem:s26+$0xEB80]  }
0xee: {  	s1 =	sshrl.u32 s30, s1;
	s0 =	sshrl.u32 s30, s0;
	v29 =	vld [tilespmem:s5+$0xE930]  }
0xef: {  	s0 =	sand.u32 $0x1, s0;
	s12 =	sand.u32 $0x1, s18;
	s18 =	sand.u32 $0x1, s1;
	v31 =	vld [tilespmem:s26+$0xEB90]  }
0xf0: {  	s6 =	sshll.u32 s12, $0x6;
	s12 =	sshll.u32 s18, $0x6;
	s18 =	sadd.s32 s25, s31;
	v34 =	vld [tilespmem:s5+$0xE920]  }
0xf1: {  	s0 =	sshll.u32 s0, $0x6;
	v37 =	vld [tilespmem:s18+$0xE980]  }
0xf2: {  	v14 =	vmax.f32 v14, v19;
	s0 =	sadd.s32 s25, s0;
	v40 =	vld [tilespmem:s5+$0xE910]  }
0xf3: {  	v8 =	vmax.f32 v14, v8;
	v19 =	vld [tilespmem:s0+$0xEA20]  }
0xf4: {  	v11 =	vmax.f32 v21, v11;
	v4 =	vmax.f32 v8, v4;
	v8 =	vld [tilespmem:s0+$0xEA00]  }
0xf5: {  	v6 =	vmax.f32 v11, v6;
	v0 =	vmax.f32 v4, v0;
	v4 =	vld [tilespmem:s0+$0xEA10]  }
0xf6: {  	v6 =	vmax.f32 v6, v7;
	v7 =	vld [tilespmem:s18+$0xE9B0]  }
0xf7: {  	s4 =	sadd.s32 s25, s12;
	v5 =	vmax.f32 v9, v5;
	v9 =	vld [tilespmem:s18+$0xE9A0]  }
0xf8: {  	v30 =	vld [tilespmem:s4+$0xE880]  }
0xf9: {  	v32 =	vld [tilespmem:s4+$0xE8B0]  }
0xfa: {  	v38 =	vld [tilespmem:s4+$0xE8A0]  }
0xfb: {  	s6 =	sadd.s32 s25, s6;
	v36 =	vld [tilespmem:s4+$0xE890]  }
0xfc: {  	v33 =	vld [tilespmem:s6+$0xEA80]  }
0xfd: {  	v6 =	vmax.f32 v6, v15;
	v35 =	vld [tilespmem:s6+$0xEAB0];
	v0 =	vmax.f32 v0, v13  }
0xfe: {  	v2 =	vmax.f32 v16, v2;
	v3 =	vmax.f32 v6, v3;
	v6 =	vld [tilespmem:s0+$0xEA30];
	v0 =	vmax.f32 v0, v1  }
0xff: {  	v5 =	vmax.f32 v5, v17;
	v1 =	vmax.f32 v2, v30;
	v2 =	vld [tilespmem:s18+$0xE990];
	v0 =	vmax.f32 v0, v38  }
0x100: {  	v27 =	vld [tilespmem:s6+$0xEAA0];
	v3 =	vmax.f32 v3, v32;
	v5 =	vmax.f32 v5, v36;
	v1 =	vmax.f32 v1, v25  }
0x101: {  	v14 =	vld [tilespmem:s6+$0xEA90];
	v0 =	vmax.f32 v0, v34;
	v3 =	vmax.f32 v3, v29;
	v1 =	vmax.f32 v1, v37  }
0x102: {  	v3 =	vmax.f32 v3, v7;
	v0 =	vmax.f32 v0, v9;
	v1 =	vmax.f32 v1, v8;
	v8 =	vld [tilespmem:s26+$0xEBA0]  }
0x103: {  	v5 =	vmax.f32 v5, v40;
	v7 =	vld [tilespmem:s9+$0xEC10];
	v3 =	vmax.f32 v3, v6;
	v0 =	vmax.f32 v0, v19  }
0x104: {  	v1 =	vmax.f32 v1, v33;
	v3 =	vmax.f32 v3, v35;
	v2 =	vmax.f32 v5, v2;
	v5 =	vld [tilespmem:s26+$0xEBB0]  }
0x105: {  	v0 =	vmax.f32 v0, v27;
	v1 =	vmax.f32 v1, v22;
	v2 =	vmax.f32 v2, v4;
	v4 =	vld [tilespmem:s9+$0xEC30]  }
0x106: {  	s23 =	sshll.u32 s23, $0x7;
	v0 =	vmax.f32 v0, v23;
	v1 =	vmax.f32 v1, v28;
	v2 =	vmax.f32 v2, v14  }
0x107: {  	s0 =	sand.u32 $0x3FFFFF80, s23;
	v1 =	vmax.f32 v1, v24;
	v2 =	vmax.f32 v2, v10;
	v0 =	vmax.f32 v0, v8  }
0x108: {  	s24 =	sshll.u32 s21, $0x3;
	v3 =	vmax.f32 v3, v39;
	[tilespmem:s0+$0x1B080] =	vst v1;
	v2 =	vmax.f32 v2, v31;
	v0 =	vmax.f32 v0, v26  }
0x109: {  	s1 =	sand.u32 $0x3FFFFFF8, s24;
	v2 =	vmax.f32 v2, v7;
	v1 =	vmax.f32 v3, v5;
	[tilespmem:s0+$0x1B0A0] =	vst v0  }
0x10a: {  	s25 =	sadd.s32 $0x8000, s1;
	[tilespmem:s0+$0x1B090] =	vst v2;
	v1 =	vmax.f32 v1, v4  }
0x10b: {  	v6 =	vmov s25;
	[tilespmem:s0+$0x1B0B0] =	vst v1  }
0x10c: {  	_ =	swait.ge [sflag:s17], $0x6400  }
0x10d: {  	[sflag:s17] =	ssyncset.done $0x0  }
0x10e: {  	s31 =	simm.s32 $0x0;
	s26 =	sadd.s32 $0x400, s22;
	[sflag:s17] =	ssyncadd.s32 $0xFFFF9C00  }
0x10f: {  	[tilespmem:s13], [sflag:$0x2] =	stream.indirect.gather [hbm4b:s3+s10], $0x80, s26, s10, $0xb8;
	[tilespmem:$0x1F080] =	vst v63  }
0x110: {  	v0 =	vld.idx.msk [tilespmem:v6+s31+$0x0 ss:$0x1], $0xffff;
	_ =	sdelay $0x4  }
0x111: {  	(v2sf) =	vpush v0, $0x0;
	_ =	sdelay $0xc  }
0x112: {  	s1 =	simm.s32 $0x0  }
0x113: {  	s4 =	sand.u32 $0x18, s1  }
0x114: {  	s0 =	sor.u32 $0x7, s4;
	s31 =	spop (v2sf)  }
0x115: {  	s0 =	sshrl.u32 s31, s0  }
0x116: {  	s0 =	sand.u32 $0x1, s0  }
0x117: {  	s6 =	sor.u32 $0x6, s4;
	s0 =	sshll.u32 s0, $0x6  }
0x118: {  	s9 =	simm.s32 $0x0;
	s5 =	sshrl.u32 s31, s6;
	s0 =	sadd.s32 $0x0, s0  }
0x119: {  	v9 =	vld.idx.msk [tilespmem:v6+s9+$0x0 ss:$0x1], $0xffff;
	s5 =	sand.u32 $0x1, s5;
	s22 =	sadd.s32 $0x8480, s0  }
0x11a: {  	s24 =	sor.u32 $0x3, s4;
	s5 =	sshll.u32 s5, $0x6;
	v18 =	vld [tilespmem:s22+$0xCB80]  }
0x11b: {  	s6 =	sshrl.u32 s31, s24;
	s5 =	sadd.s32 $0x0, s5;
	v0 =	vld [tilespmem:s22+$0xCB90]  }
0x11c: {  	s12 =	sor.u32 $0x5, s4;
	s6 =	sand.u32 $0x1, s6;
	s23 =	sadd.s32 $0x8480, s5;
	v1 =	vld [tilespmem:s22+$0xCBA0]  }
0x11d: {  	s18 =	sor.u32 $0x4, s4;
	s25 =	sor.u32 $0x2, s4;
	s6 =	sshll.u32 s6, $0x6;
	v16 =	vld [tilespmem:s23+$0xCB00]  }
0x11e: {  	s26 =	sor.u32 $0x1, s4;
	s9 =	sshrl.u32 s31, s25;
	s6 =	sadd.s32 $0x0, s6;
	v2 =	vld [tilespmem:s23+$0xCB10]  }
0x11f: {  	s1 =	sshrl.u32 s31, s4;
	s9 =	sand.u32 $0x1, s9;
	s6 =	sadd.s32 $0x8480, s6;
	v3 =	vld [tilespmem:s23+$0xCB20]  }
0x120: {  	(v2sf) =	vpush v9, $0x0;
	s4 =	sshrl.u32 s31, s26;
	s1 =	sand.u32 $0x1, s1;
	s9 =	sshll.u32 s9, $0x6;
	v9 =	vld [tilespmem:s6+$0xC980]  }
0x121: {  	s4 =	sand.u32 $0x1, s4;
	s1 =	sshll.u32 s1, $0x6;
	s9 =	sadd.s32 $0x0, s9;
	v10 =	vld [tilespmem:s6+$0xC990]  }
0x122: {  	s4 =	sshll.u32 s4, $0x6;
	s1 =	sadd.s32 $0x0, s1;
	s9 =	sadd.s32 $0x8480, s9;
	v11 =	vld [tilespmem:s6+$0xC9A0]  }
0x123: {  	s4 =	sadd.s32 $0x0, s4;
	s1 =	sadd.s32 $0x8480, s1;
	v20 =	vld [tilespmem:s9+$0xC900]  }
0x124: {  	s4 =	sadd.s32 $0x8480, s4;
	v15 =	vld [tilespmem:s1+$0xC800]  }
0x125: {  	v21 =	vld [tilespmem:s4+$0xC880]  }
0x126: {  	s0 =	sshrl.u32 s31, s12;
	v12 =	vld [tilespmem:s9+$0xC910]  }
0x127: {  	s0 =	sand.u32 $0x1, s0;
	v13 =	vld [tilespmem:s9+$0xC920]  }
0x128: {  	v14 =	vld [tilespmem:s4+$0xC890];
	s0 =	sshll.u32 s0, $0x6  }
0x129: {  	s5 =	sshrl.u32 s31, s18;
	v23 =	vld [tilespmem:s1+$0xC810];
	s0 =	sadd.s32 $0x0, s0  }
0x12a: {  	s5 =	sand.u32 $0x1, s5;
	v63 =	vld [tilespmem:s1+$0xC820];
	s0 =	sadd.s32 $0x8480, s0  }
0x12b: {  	s5 =	sshll.u32 s5, $0x6;
	v17 =	vld [tilespmem:s0+$0xCA80]  }
0x12c: {  	s5 =	sadd.s32 $0x0, s5;
	v4 =	vld [tilespmem:s0+$0xCA90]  }
0x12d: {  	s5 =	sadd.s32 $0x8480, s5;
	v5 =	vld [tilespmem:s0+$0xCAA0]  }
0x12e: {  	v19 =	vld [tilespmem:s5+$0xCA00]  }
0x12f: {  	v62 =	vimm.f32 $-Inf;
	v7 =	vld [tilespmem:s5+$0xCA10]  }
0x130: {  	v8 =	vld [tilespmem:s5+$0xCA20];
	v22 =	vmax.f32 v62, v15  }
0x131: {  	v15 =	vld [tilespmem:s4+$0xC8A0];
	v21 =	vmax.f32 v22, v21  }
0x132: {  	v20 =	vmax.f32 v21, v20;
	v21 =	vld [tilespmem:s1+$0xC830]  }
0x133: {  	s25 =	simm.s32 $0x8;
	v9 =	vmax.f32 v20, v9;
	v20 =	vld [tilespmem:s4+$0xC8B0]  }
0x134: {  	s29 =	sand.u32 $0x18, s25;
	v9 =	vmax.f32 v9, v19;
	v19 =	vld [tilespmem:s9+$0xC930]  }
0x135: {  	s31 =	sor.u32 $0x7, s29;
	s26 =	spop (v2sf);
	v9 =	vmax.f32 v9, v17;
	v17 =	vld [tilespmem:s6+$0xC9B0]  }
0x136: {  	s28 =	simm.s32 $0x2;
	v22 =	vmax.f32 v62, v23;
	s1 =	sshrl.u32 s26, s31;
	v9 =	vmax.f32 v9, v16;
	v16 =	vld [tilespmem:s5+$0xCA30]  }
0x137: {  	s30 =	simm.s32 $0x2000;
	s24 =	simm.s32 $0x400;
	v23 =	vmax.f32 v62, v63;
	s1 =	sand.u32 $0x1, s1;
	v9 =	vmax.f32 v9, v18;
	v21 =	vmax.f32 v62, v21;
	v18 =	vld [tilespmem:s0+$0xCAB0]  }
.LBB2_7:
0x138: {  	p0 =	sne.s32 s30, $0x18000;
	s0 =	sor.u32 $0x6, s29;
	s1 =	sshll.u32 s1, $0x6;
	v14 =	vmax.f32 v22, v14;
	v15 =	vmax.f32 v23, v15;
	v20 =	vmax.f32 v21, v20;
	v21 =	vld [tilespmem:s23+$0xCB30]  }
0x139: {  	s4 =	sshrl.u32 s28, $0x2;
	s0 =	sshrl.u32 s26, s0;
	s1 =	sadd.s32 s24, s1;
	v12 =	vmax.f32 v14, v12;
	v13 =	vmax.f32 v15, v13;
	v14 =	vmax.f32 v20, v19;
	v15 =	vld [tilespmem:s22+$0xCBB0]  }
0x13a: {  	v19 =	vld.idx.msk [tilespmem:v6+s4+$0x0 ss:$0x1], $0xffff;
	s0 =	sand.u32 $0x1, s0;
	s22 =	sadd.s32 $0x8480, s1;
	v10 =	vmax.f32 v12, v10;
	v11 =	vmax.f32 v13, v11;
	v12 =	vmax.f32 v14, v17  }
0x13b: {  	s1 =	sor.u32 $0x5, s29;
	s0 =	sshll.u32 s0, $0x6;
	v22 =	vld [tilespmem:s22+$0xCB80];
	v7 =	vmax.f32 v10, v7;
	v8 =	vmax.f32 v11, v8;
	v10 =	vmax.f32 v12, v16  }
0x13c: {  	s1 =	sshrl.u32 s26, s1;
	s0 =	sadd.s32 s24, s0;
	v11 =	vld [tilespmem:s22+$0xCB90];
	v4 =	vmax.f32 v7, v4;
	v5 =	vmax.f32 v8, v5;
	v7 =	vmax.f32 v10, v18  }
0x13d: {  	s1 =	sand.u32 $0x1, s1;
	s23 =	sadd.s32 $0x8480, s0;
	v8 =	vld [tilespmem:s22+$0xCBA0];
	v2 =	vmax.f32 v4, v2;
	v3 =	vmax.f32 v5, v3;
	v4 =	vmax.f32 v7, v21  }
0x13e: {  	s0 =	sor.u32 $0x4, s29;
	s1 =	sshll.u32 s1, $0x6;
	v16 =	vld [tilespmem:s23+$0xCB00];
	v18 =	vmax.f32 v2, v0;
	v21 =	vmax.f32 v3, v1;
	v24 =	vmax.f32 v4, v15  }
0x13f: {  	s0 =	sshrl.u32 s26, s0;
	s1 =	sadd.s32 s24, s1;
	v2 =	vld [tilespmem:s23+$0xCB10]  }
0x140: {  	s4 =	sand.u32 $0x1, s0;
	s0 =	sadd.s32 $0x8480, s1;
	v3 =	vld [tilespmem:s23+$0xCB20]  }
0x141: {  	s1 =	sor.u32 $0x3, s29;
	s4 =	sshll.u32 s4, $0x6;
	v17 =	vld [tilespmem:s0+$0xCA80];
	v0 =	vmov v11  }
0x142: {  	s1 =	sshrl.u32 s26, s1;
	s4 =	sadd.s32 s24, s4;
	v4 =	vld [tilespmem:s0+$0xCA90];
	v1 =	vmov v8  }
0x143: {  	s5 =	sand.u32 $0x1, s1;
	s1 =	sadd.s32 $0x8480, s4;
	v5 =	vld [tilespmem:s0+$0xCAA0]  }
0x144: {  	s4 =	sor.u32 $0x2, s29;
	s5 =	sshll.u32 s5, $0x6;
	v23 =	vld [tilespmem:s1+$0xCA00]  }
0x145: {  	s6 =	sor.u32 $0x1, s29;
	s4 =	sshrl.u32 s26, s4;
	s5 =	sadd.s32 s24, s5;
	v7 =	vld [tilespmem:s1+$0xCA10]  }
0x146: {  	s9 =	sshrl.u32 s26, s29;
	s4 =	sand.u32 $0x1, s4;
	s5 =	sadd.s32 $0x8480, s5;
	v8 =	vld [tilespmem:s1+$0xCA20]  }
0x147: {  	s9 =	sand.u32 $0x1, s9;
	s6 =	sshrl.u32 s26, s6;
	s4 =	sshll.u32 s4, $0x6;
	(v2sf) =	vpush v19, $0x0;
	v19 =	vld [tilespmem:s5+$0xC980]  }
0x148: {  	s9 =	sshll.u32 s9, $0x6;
	s6 =	sand.u32 $0x1, s6;
	s4 =	sadd.s32 s24, s4;
	v10 =	vld [tilespmem:s5+$0xC990]  }
0x149: {  	s9 =	sadd.s32 s24, s9;
	s6 =	sshll.u32 s6, $0x6;
	s4 =	sadd.s32 $0x8480, s4;
	v11 =	vld [tilespmem:s5+$0xC9A0]  }
0x14a: {  	s9 =	sadd.s32 $0x8480, s9;
	s6 =	sadd.s32 s24, s6;
	v20 =	vld [tilespmem:s4+$0xC900]  }
0x14b: {  	s6 =	sadd.s32 $0x8480, s6;
	v15 =	vld [tilespmem:s9+$0xC800]  }
0x14c: {  	v25 =	vld [tilespmem:s6+$0xC880]  }
0x14d: {  	v12 =	vld [tilespmem:s4+$0xC910]  }
0x14e: {  	v13 =	vld [tilespmem:s4+$0xC920]  }
0x14f: {  	v14 =	vld [tilespmem:s6+$0xC890]  }
0x150: {  	v9 =	vmax.f32 v9, v15;
	v15 =	vld [tilespmem:s6+$0xC8A0]  }
0x151: {  	v26 =	vld [tilespmem:s9+$0xC810];
	v9 =	vmax.f32 v9, v25  }
0x152: {  	v25 =	vld [tilespmem:s9+$0xC820];
	v9 =	vmax.f32 v9, v20  }
0x153: {  	v27 =	vld [tilespmem:s9+$0xC830];
	v9 =	vmax.f32 v9, v19  }
.Ltmp2:
0x154: {  	s25 =	sadd.s32 $0x8, s25;
	v20 =	vld [tilespmem:s6+$0xC8B0];
	v9 =	vmax.f32 v9, v23;
	(pc) =	sbr.rel @p0 .LBB2_7-.Ltmp2, $4  }
0x155: {  	s29 =	sand.u32 $0x18, s25;
	v19 =	vld [tilespmem:s4+$0xC930];
	v9 =	vmax.f32 v9, v17  }
0x156: {  	s4 =	sor.u32 $0x7, s29;
	s26 =	spop (v2sf);
	v17 =	vld [tilespmem:s5+$0xC9B0];
	v9 =	vmax.f32 v9, v16  }
0x157: {  	s28 =	sadd.s32 $0x1, s28;
	s4 =	sshrl.u32 s26, s4;
	v16 =	vld [tilespmem:s1+$0xCA30];
	v9 =	vmax.f32 v9, v22  }
0x158: {  	s24 =	sshra.s32 s30, $0x2;
	s30 =	sadd.s32 $0x1000, s30;
	v22 =	vmax.f32 v18, v26;
	v23 =	vmax.f32 v21, v25;
	s1 =	sand.u32 $0x1, s4;
	v21 =	vmax.f32 v24, v27;
	v18 =	vld [tilespmem:s0+$0xCAB0]  }
0x159: {  	s0 =	sor.u32 $0x6, s29;
	s1 =	sshll.u32 s1, $0x6  }
0x15a: {  	v6 =	vld [tilespmem:s23+$0xCB30];
	s0 =	sshrl.u32 s26, s0;
	s1 =	sadd.s32 s24, s1  }
0x15b: {  	v24 =	vld [tilespmem:s22+$0xCBB0];
	s4 =	sand.u32 $0x1, s0;
	s31 =	sadd.s32 $0x8480, s1  }
0x15c: {  	s6 =	sor.u32 $0x1, s29;
	s4 =	sshll.u32 s4, $0x6;
	v25 =	vld [tilespmem:s31+$0xCB80]  }
0x15d: {  	s6 =	sshrl.u32 s26, s6;
	v26 =	vld [tilespmem:s31+$0xCB90];
	s4 =	sadd.s32 s24, s4  }
0x15e: {  	s6 =	sand.u32 $0x1, s6;
	v27 =	vld [tilespmem:s31+$0xCBA0];
	s18 =	sadd.s32 $0x8480, s4  }
0x15f: {  	s6 =	sshll.u32 s6, $0x6;
	v28 =	vld [tilespmem:s18+$0xCB00]  }
0x160: {  	s12 =	sor.u32 $0x5, s29;
	s6 =	sadd.s32 s24, s6;
	v29 =	vld [tilespmem:s18+$0xCB10]  }
0x161: {  	s1 =	sshrl.u32 s26, s12;
	s6 =	sadd.s32 $0x8480, s6;
	v30 =	vld [tilespmem:s18+$0xCB20]  }
0x162: {  	s5 =	sand.u32 $0x1, s1;
	v42 =	vld [tilespmem:s6+$0xC880]  }
0x163: {  	v15 =	vmax.f32 v23, v15;
	s5 =	sshll.u32 s5, $0x6;
	v23 =	vld [tilespmem:s6+$0xC890]  }
0x164: {  	s12 =	sshrl.u32 s26, s29;
	s5 =	sadd.s32 s24, s5;
	v44 =	vld [tilespmem:s6+$0xC8A0]  }
0x165: {  	s12 =	sand.u32 $0x1, s12;
	s9 =	sadd.s32 $0x8480, s5;
	v53 =	vld [tilespmem:s6+$0xC8B0]  }
0x166: {  	s12 =	sshll.u32 s12, $0x6;
	v31 =	vld [tilespmem:s9+$0xCA80]  }
0x167: {  	s23 =	sor.u32 $0x4, s29;
	s12 =	sadd.s32 s24, s12;
	v32 =	vld [tilespmem:s9+$0xCA90]  }
0x168: {  	s4 =	sshrl.u32 s26, s23;
	s12 =	sadd.s32 $0x8480, s12;
	v33 =	vld [tilespmem:s9+$0xCAA0]  }
0x169: {  	s4 =	sand.u32 $0x1, s4;
	v41 =	vld [tilespmem:s12+$0xC800]  }
0x16a: {  	s25 =	sor.u32 $0x3, s29;
	s4 =	sshll.u32 s4, $0x6;
	v46 =	vld [tilespmem:s12+$0xC810]  }
0x16b: {  	s30 =	sor.u32 $0x2, s29;
	s5 =	sshrl.u32 s26, s25;
	v48 =	vld [tilespmem:s12+$0xC820];
	s4 =	sadd.s32 s24, s4  }
0x16c: {  	s5 =	sand.u32 $0x1, s5;
	v51 =	vld [tilespmem:s12+$0xC830];
	s28 =	sadd.s32 $0x8480, s4;
	s4 =	sshrl.u32 s26, s30  }
0x16d: {  	s5 =	sshll.u32 s5, $0x6;
	v34 =	vld [tilespmem:s28+$0xCA00];
	s4 =	sand.u32 $0x1, s4  }
0x16e: {  	v14 =	vmax.f32 v22, v14;
	s5 =	sadd.s32 s24, s5;
	v35 =	vld [tilespmem:s28+$0xCA10];
	s4 =	sshll.u32 s4, $0x6  }
0x16f: {  	v20 =	vmax.f32 v21, v20;
	v12 =	vmax.f32 v14, v12;
	v13 =	vmax.f32 v15, v13;
	s5 =	sadd.s32 $0x8480, s5;
	v36 =	vld [tilespmem:s28+$0xCA20];
	s4 =	sadd.s32 s24, s4  }
0x170: {  	v21 =	vmax.f32 v20, v19;
	v10 =	vmax.f32 v12, v10;
	v11 =	vmax.f32 v13, v11;
	v37 =	vld [tilespmem:s5+$0xC980];
	s4 =	sadd.s32 $0x8480, s4  }
0x171: {  	v43 =	vmax.f32 v21, v17;
	v7 =	vmax.f32 v10, v7;
	v8 =	vmax.f32 v11, v8;
	v40 =	vld [tilespmem:s4+$0xC900]  }
0x172: {  	v45 =	vmax.f32 v43, v16;
	v4 =	vmax.f32 v7, v4;
	v5 =	vmax.f32 v8, v5;
	v62 =	vld [tilespmem:s4+$0xC910]  }
0x173: {  	v49 =	vmax.f32 v45, v18;
	v2 =	vmax.f32 v4, v2;
	v3 =	vmax.f32 v5, v3;
	v63 =	vld [tilespmem:s4+$0xC920]  }
0x174: {  	v52 =	vmax.f32 v49, v6;
	v0 =	vmax.f32 v2, v0;
	v38 =	vld [tilespmem:s5+$0xC990];
	v9 =	vmax.f32 v9, v41  }
0x175: {  	v1 =	vmax.f32 v3, v1;
	v56 =	vmax.f32 v52, v24;
	v39 =	vld [tilespmem:s5+$0xC9A0];
	v9 =	vmax.f32 v9, v42  }
0x176: {  	v0 =	vmax.f32 v0, v46;
	v1 =	vmax.f32 v1, v48;
	v55 =	vld [tilespmem:s4+$0xC930];
	v47 =	vmax.f32 v9, v40  }
0x177: {  	v57 =	vld [tilespmem:s5+$0xC9B0];
	v0 =	vmax.f32 v0, v23;
	v1 =	vmax.f32 v1, v44;
	v50 =	vmax.f32 v47, v37  }
0x178: {  	v58 =	vld [tilespmem:s28+$0xCA30];
	v0 =	vmax.f32 v0, v62;
	v1 =	vmax.f32 v1, v63;
	v4 =	vmax.f32 v50, v34  }
0x179: {  	v59 =	vld [tilespmem:s9+$0xCAB0];
	v0 =	vmax.f32 v0, v38;
	v54 =	vmax.f32 v4, v31;
	v4 =	vmax.f32 v56, v51  }
0x17a: {  	v60 =	vld [tilespmem:s18+$0xCB30];
	v1 =	vmax.f32 v1, v39;
	v0 =	vmax.f32 v0, v35;
	v4 =	vmax.f32 v4, v53  }
0x17b: {  	s20 =	sadd.s32 $0x1, s20;
	v61 =	vld [tilespmem:s31+$0xCBB0];
	v1 =	vmax.f32 v1, v36;
	v0 =	vmax.f32 v0, v32;
	v3 =	vmax.f32 v4, v55  }
0x17c: {  	p0 =	sne.s32 s20, $0x2A;
	s31 =	sshll.u32 s21, $0x7;
	v1 =	vmax.f32 v1, v33;
	v2 =	vmax.f32 v54, v28;
	v3 =	vmax.f32 v3, v57  }
.Ltmp3:
0x17d: {  	s0 =	sand.u32 $0x3FFFFF80, s31;
	v0 =	vmax.f32 v0, v29;
	v2 =	vmax.f32 v2, v25;
	v3 =	vmax.f32 v3, v58;
	(pc) =	sbr.rel @p0 .LBB2_2-.Ltmp3, $4  }
0x17e: {  	v1 =	vmax.f32 v1, v30;
	v0 =	vmax.f32 v0, v26;
	[tilespmem:s0+$0x1B080] =	vst v2;
	v3 =	vmax.f32 v3, v59  }
0x17f: {  	v1 =	vmax.f32 v1, v27;
	[tilespmem:s0+$0x1B090] =	vst v0;
	v62 =	vmax.f32 v3, v60  }
0x180: {  	[tilespmem:s0+$0x1B0A0] =	vst v1;
	v63 =	vmax.f32 v62, v61  }
0x181: {  	[tilespmem:s0+$0x1B0B0] =	vst v63  }
0x182: {  	_ =	swait.ge [sflag:s14], $0x6400  }
0x183: {  	[sflag:s14] =	ssyncset.done $0x0  }
0x184: {  	s0 =	simm.s32 $0x0;
	[sflag:s14] =	ssyncadd.s32 $0xFFFF9C00  }
0x185: {  	v0 =	vld [tilespmem:s0+$0x83F0];
	_ =	sdelay $0x4  }
0x186: {  	(v2sf) =	vpush v0, $0x0;
	_ =	sdelay $0xd  }
0x187: {  	s18 =	simm.s32 $0x0  }
0x188: {  	s1 =	sand.u32 $0x18, s18;
	s4 =	spop (v2sf)  }
0x189: {  	s0 =	sshrl.u32 s4, s1  }
0x18a: {  	s5 =	sor.u32 $0x1, s1;
	s0 =	sand.u32 $0x1, s0  }
0x18b: {  	s12 =	simm.s32 $0x0;
	s5 =	sshrl.u32 s4, s5;
	s0 =	sshll.u32 s0, $0x6  }
0x18c: {  	v5 =	vld [tilespmem:s12+$0x83F0];
	s5 =	sand.u32 $0x1, s5;
	s6 =	sadd.s32 $0x0, s0  }
0x18d: {  	s18 =	sor.u32 $0x3, s1;
	s24 =	sor.u32 $0x4, s1;
	s20 =	sshll.u32 s5, $0x6;
	v0 =	vld [tilespmem:s6+$0x84B0]  }
0x18e: {  	s23 =	sshrl.u32 s4, s18;
	s18 =	sshrl.u32 s4, s24;
	s9 =	sadd.s32 $0x0, s20;
	v1 =	vld [tilespmem:s6+$0x8480]  }
0x18f: {  	s18 =	sand.u32 $0x1, s18;
	v2 =	vld [tilespmem:s9+$0x8500]  }
0x190: {  	s18 =	sshll.u32 s18, $0x6;
	v3 =	vld [tilespmem:s9+$0x8510]  }
0x191: {  	s25 =	sadd.s32 $0x0, s18;
	v4 =	vld [tilespmem:s9+$0x8520]  }
0x192: {  	v13 =	vld [tilespmem:s25+$0x8680]  }
0x193: {  	s21 =	sor.u32 $0x7, s1;
	v14 =	vld [tilespmem:s25+$0x8690]  }
0x194: {  	s22 =	sor.u32 $0x2, s1;
	s26 =	sor.u32 $0x6, s1;
	s1 =	sor.u32 $0x5, s1;
	v15 =	vld [tilespmem:s25+$0x86A0]  }
0x195: {  	s1 =	sshrl.u32 s4, s1;
	v16 =	vld [tilespmem:s25+$0x86B0]  }
0x196: {  	s1 =	sand.u32 $0x1, s1;
	v17 =	vld [tilespmem:s6+$0x8490]  }
0x197: {  	(v2sf) =	vpush v5, $0x0;
	s1 =	sshll.u32 s1, $0x6;
	v18 =	vld [tilespmem:s9+$0x8530]  }
0x198: {  	v20 =	vld [tilespmem:s6+$0x84A0];
	s1 =	sadd.s32 $0x0, s1  }
0x199: {  	s5 =	sshrl.u32 s4, s21;
	v21 =	vld [tilespmem:s1+$0x8710]  }
0x19a: {  	s0 =	sshrl.u32 s4, s22;
	s5 =	sand.u32 $0x1, s5;
	v22 =	vld [tilespmem:s1+$0x8730]  }
0x19b: {  	s0 =	sand.u32 $0x1, s0;
	s5 =	sshll.u32 s5, $0x6;
	v26 =	vld [tilespmem:s1+$0x8720]  }
0x19c: {  	s20 =	sshll.u32 s0, $0x6;
	s0 =	sadd.s32 $0x0, s5;
	v63 =	vld [tilespmem:s1+$0x8700]  }
0x19d: {  	v9 =	vld [tilespmem:s0+$0x8810]  }
0x19e: {  	s5 =	sand.u32 $0x1, s23;
	s12 =	sadd.s32 $0x0, s20;
	v24 =	vld [tilespmem:s0+$0x8830]  }
0x19f: {  	s5 =	sshll.u32 s5, $0x6;
	v6 =	vld [tilespmem:s12+$0x8590]  }
0x1a0: {  	v7 =	vld [tilespmem:s12+$0x85A0];
	s5 =	sadd.s32 $0x0, s5  }
0x1a1: {  	v10 =	vld [tilespmem:s5+$0x8610]  }
0x1a2: {  	s18 =	sshrl.u32 s4, s26;
	v5 =	vld [tilespmem:s5+$0x8600]  }
0x1a3: {  	s18 =	sand.u32 $0x1, s18;
	s20 =	simm.s32 $0x8;
	v11 =	vld [tilespmem:s5+$0x8620]  }
0x1a4: {  	s21 =	simm.s32 $0x400;
	s30 =	sshll.u32 s18, $0x6;
	v12 =	vld [tilespmem:s5+$0x8630];
	s5 =	sand.u32 $0x18, s20  }
0x1a5: {  	s22 =	simm.s32 $0x2000;
	s31 =	sadd.s32 $0x0, s30;
	v8 =	vld [tilespmem:s12+$0x85B0];
	s25 =	sor.u32 $0x2, s5  }
0x1a6: {  	v25 =	vimm.f32 $-Inf;
	v62 =	vld [tilespmem:s12+$0x8580];
	s26 =	sor.u32 $0x1, s5;
	s23 =	sor.u32 $0x3, s5;
	s9 =	spop (v2sf)  }
0x1a7: {  	v19 =	vld [tilespmem:s31+$0x8790];
	v17 =	vmax.f32 v25, v17;
	s24 =	sor.u32 $0x7, s5;
	s30 =	sor.u32 $0x6, s5;
	s6 =	sshrl.u32 s9, s25  }
0x1a8: {  	v23 =	vld [tilespmem:s31+$0x87B0];
	v1 =	vmax.f32 v25, v1;
	v0 =	vmax.f32 v25, v0;
	v3 =	vmax.f32 v17, v3;
	s25 =	sshrl.u32 s9, s5;
	s23 =	sshrl.u32 s9, s23;
	s24 =	sshrl.u32 s9, s24  }
0x1a9: {  	v27 =	vld [tilespmem:s31+$0x87A0];
	v1 =	vmax.f32 v1, v2;
	v0 =	vmax.f32 v0, v18;
	v2 =	vmax.f32 v3, v6;
	s18 =	sshrl.u32 s9, s26;
	s26 =	sor.u32 $0x4, s5;
	s12 =	sand.u32 $0x1, s23  }
0x1aa: {  	v0 =	vmax.f32 v0, v8;
	v6 =	vmax.f32 v25, v20;
	v2 =	vmax.f32 v2, v10;
	v10 =	vld [tilespmem:s31+$0x8780];
	s25 =	sand.u32 $0x1, s25;
	s18 =	sand.u32 $0x1, s18;
	s31 =	sshrl.u32 s9, s26  }
0x1ab: {  	v3 =	vld [tilespmem:s0+$0x8820];
	v1 =	vmax.f32 v1, v62;
	v0 =	vmax.f32 v0, v12;
	v4 =	vmax.f32 v6, v4;
	s23 =	sshrl.u32 s9, s30;
	s30 =	sand.u32 $0x1, s6;
	s25 =	sshll.u32 s25, $0x6  }
0x1ac: {  	v6 =	vld [tilespmem:s0+$0x8800];
	v1 =	vmax.f32 v1, v5;
	v0 =	vmax.f32 v0, v16;
	v4 =	vmax.f32 v4, v7;
	s18 =	sshll.u32 s18, $0x6;
	s4 =	sand.u32 $0x1, s31;
	s25 =	sadd.s32 $0x400, s25  }
0x1ad: {  	v2 =	vmax.f32 v2, v14;
	v8 =	vmax.f32 v0, v22;
	v4 =	vmax.f32 v4, v11;
	s0 =	sand.u32 $0x1, s23;
	s1 =	sshll.u32 s12, $0x6;
	s28 =	sshll.u32 s4, $0x6;
	v0 =	vld [tilespmem:s25+$0x84B0]  }
0x1ae: {  	v1 =	vmax.f32 v1, v13;
	v2 =	vmax.f32 v2, v21;
	v4 =	vmax.f32 v4, v15;
	s4 =	sand.u32 $0x1, s24;
	s26 =	sadd.s32 $0x400, s18;
	s24 =	sor.u32 $0x5, s5;
	v7 =	vld [tilespmem:s25+$0x8480]  }
0x1af: {  	v2 =	vmax.f32 v2, v19;
	v11 =	vmax.f32 v8, v23;
	v4 =	vmax.f32 v4, v26;
	s23 =	simm.s32 $0x2;
	s29 =	sshll.u32 s0, $0x6;
	v8 =	vld [tilespmem:s26+$0x8500];
	s0 =	sshrl.u32 s9, s24  }
0x1b0: {  	v12 =	vmax.f32 v1, v63;
	v2 =	vmax.f32 v2, v9;
	v9 =	vmax.f32 v4, v27;
	s5 =	sshll.u32 s30, $0x6;
	v5 =	vld [tilespmem:s26+$0x8510];
	s4 =	sshll.u32 s4, $0x6;
	s31 =	sand.u32 $0x1, s0  }
0x1b1: {  	v4 =	vmax.f32 v11, v24;
	v1 =	vmax.f32 v9, v3;
	v3 =	vld [tilespmem:s26+$0x8520];
	v9 =	vmax.f32 v12, v10;
	s0 =	sadd.s32 $0x400, s5;
	s24 =	sadd.s32 $0x400, s4;
	s9 =	sshll.u32 s31, $0x6  }
.LBB2_10:
0x1b2: {  	s4 =	sshrl.u32 s23, $0x2  }
0x1b3: {  	p0 =	sne.s32 s22, $0x18000;
	v10 =	vld [tilespmem:s24+$0x8810];
	v6 =	vmax.f32 v9, v6;
	s5 =	smov.u32 s22;
	s22 =	sadd.s32 $0x1000, s22  }
0x1b4: {  	v9 =	vld [tilespmem:s4+$0x83F0];
	v6 =	vmax.f32 v6, v7  }
0x1b5: {  	v8 =	vmax.f32 v6, v8;
	v6 =	vld [tilespmem:s0+$0x8590]  }
0x1b6: {  	v7 =	vld [tilespmem:s0+$0x85A0]  }
0x1b7: {  	s1 =	sadd.s32 s21, s1;
	v11 =	vld [tilespmem:s0+$0x85B0]  }
0x1b8: {  	v12 =	vld [tilespmem:s1+$0x8610]  }
0x1b9: {  	(v2sf) =	vpush v9, $0x0;
	v9 =	vld [tilespmem:s1+$0x8600]  }
0x1ba: {  	v13 =	vld [tilespmem:s1+$0x8620]  }
0x1bb: {  	v14 =	vld [tilespmem:s1+$0x8630];
	s1 =	sadd.s32 s21, s28  }
0x1bc: {  	v15 =	vld [tilespmem:s1+$0x8680]  }
0x1bd: {  	v16 =	vld [tilespmem:s1+$0x8690]  }
0x1be: {  	v17 =	vld [tilespmem:s1+$0x86A0]  }
0x1bf: {  	v18 =	vld [tilespmem:s1+$0x86B0]  }
0x1c0: {  	v19 =	vld [tilespmem:s25+$0x8490]  }
0x1c1: {  	s4 =	sadd.s32 s21, s29;
	v20 =	vld [tilespmem:s26+$0x8530]  }
0x1c2: {  	v21 =	vld [tilespmem:s4+$0x8790]  }
0x1c3: {  	s1 =	sadd.s32 s21, s9;
	v22 =	vld [tilespmem:s25+$0x84A0]  }
0x1c4: {  	v23 =	vld [tilespmem:s1+$0x8710]  }
0x1c5: {  	v0 =	vmax.f32 v4, v0;
	s20 =	sadd.s32 $0x8, s20;
	v2 =	vmax.f32 v2, v19;
	v4 =	vld [tilespmem:s1+$0x8730]  }
0x1c6: {  	s9 =	sand.u32 $0x18, s20;
	v2 =	vmax.f32 v2, v5;
	v0 =	vmax.f32 v0, v20;
	v5 =	vld [tilespmem:s4+$0x87B0]  }
0x1c7: {  	s21 =	sshra.s32 s5, $0x2;
	s5 =	sor.u32 $0x1, s9;
	v2 =	vmax.f32 v2, v6;
	v0 =	vmax.f32 v0, v11;
	v6 =	vld [tilespmem:s24+$0x8830]  }
0x1c8: {  	s6 =	sor.u32 $0x2, s9;
	s18 =	sor.u32 $0x3, s9;
	s12 =	spop (v2sf);
	v1 =	vmax.f32 v1, v22;
	v2 =	vmax.f32 v2, v12;
	v0 =	vmax.f32 v0, v14;
	v11 =	vld [tilespmem:s1+$0x8720]  }
0x1c9: {  	s28 =	sor.u32 $0x6, s9;
	s25 =	sor.u32 $0x7, s9;
	s6 =	sshrl.u32 s12, s6;
	v1 =	vmax.f32 v1, v3;
	v2 =	vmax.f32 v2, v16;
	v0 =	vmax.f32 v0, v18;
	v3 =	vld [tilespmem:s4+$0x87A0]  }
0x1ca: {  	s26 =	sshrl.u32 s12, s9;
	s18 =	sshrl.u32 s12, s18;
	s29 =	sshrl.u32 s12, s25;
	v1 =	vmax.f32 v1, v7;
	v2 =	vmax.f32 v2, v23;
	v0 =	vmax.f32 v0, v4;
	v7 =	vld [tilespmem:s24+$0x8820]  }
0x1cb: {  	s5 =	sshrl.u32 s12, s5;
	s18 =	sand.u32 $0x1, s18;
	v12 =	vld [tilespmem:s0+$0x8580];
	v1 =	vmax.f32 v1, v13;
	v2 =	vmax.f32 v2, v21;
	v0 =	vmax.f32 v0, v5;
	s0 =	sand.u32 $0x1, s26  }
0x1cc: {  	s25 =	sor.u32 $0x4, s9;
	s5 =	sand.u32 $0x1, s5;
	v1 =	vmax.f32 v1, v17;
	v13 =	vld [tilespmem:s4+$0x8780];
	v2 =	vmax.f32 v2, v10;
	v4 =	vmax.f32 v0, v6;
	s0 =	sshll.u32 s0, $0x6  }
0x1cd: {  	s4 =	sshll.u32 s5, $0x6;
	s5 =	sshrl.u32 s12, s25;
	v0 =	vmax.f32 v1, v11;
	v6 =	vld [tilespmem:s24+$0x8800];
	s25 =	sadd.s32 s21, s0  }
0x1ce: {  	s0 =	sand.u32 $0x1, s5;
	s5 =	sshrl.u32 s12, s28;
	s26 =	sadd.s32 s21, s4;
	v10 =	vld [tilespmem:s1+$0x8700];
	v1 =	vmax.f32 v0, v3  }
0x1cf: {  	s28 =	sshll.u32 s0, $0x6;
	s0 =	sand.u32 $0x1, s5;
	s5 =	sand.u32 $0x1, s29;
	v0 =	vld [tilespmem:s25+$0x84B0];
	v1 =	vmax.f32 v1, v7  }
.Ltmp4:
0x1d0: {  	s1 =	sshll.u32 s18, $0x6;
	s29 =	sshll.u32 s0, $0x6;
	v7 =	vld [tilespmem:s25+$0x8480];
	v3 =	vmax.f32 v8, v12;
	(pc) =	sbr.rel @p0 .LBB2_10-.Ltmp4, $4  }
0x1d1: {  	s0 =	sor.u32 $0x5, s9;
	v8 =	vld [tilespmem:s26+$0x8500];
	v3 =	vmax.f32 v3, v9  }
0x1d2: {  	s23 =	sadd.s32 $0x1, s23;
	s4 =	sand.u32 $0x1, s6;
	s0 =	sshrl.u32 s12, s0;
	v5 =	vld [tilespmem:s26+$0x8510];
	v9 =	vmax.f32 v3, v15  }
0x1d3: {  	s4 =	sshll.u32 s4, $0x6;
	s5 =	sshll.u32 s5, $0x6;
	s6 =	sand.u32 $0x1, s0;
	v3 =	vld [tilespmem:s26+$0x8520];
	v9 =	vmax.f32 v9, v10  }
0x1d4: {  	s24 =	sadd.s32 s21, s5;
	s0 =	sadd.s32 s21, s4;
	s9 =	sshll.u32 s6, $0x6;
	v9 =	vmax.f32 v9, v13  }
0x1d5: {  	v10 =	vld [tilespmem:s24+$0x8810]  }
0x1d6: {  	v11 =	vld [tilespmem:s0+$0x8590]  }
0x1d7: {  	v12 =	vld [tilespmem:s0+$0x85A0]  }
0x1d8: {  	v13 =	vld [tilespmem:s0+$0x85B0]  }
0x1d9: {  	v22 =	vld [tilespmem:s25+$0x8490]  }
0x1da: {  	v23 =	vld [tilespmem:s26+$0x8530]  }
0x1db: {  	v25 =	vld [tilespmem:s25+$0x84A0]  }
0x1dc: {  	v28 =	vld [tilespmem:s0+$0x8580]  }
0x1dd: {  	s1 =	sadd.s32 s21, s1;
	v6 =	vmax.f32 v9, v6;
	v9 =	vld [tilespmem:s24+$0x8820]  }
0x1de: {  	v14 =	vld [tilespmem:s1+$0x8610]  }
0x1df: {  	v15 =	vld [tilespmem:s1+$0x8600]  }
0x1e0: {  	v16 =	vld [tilespmem:s1+$0x8620]  }
0x1e1: {  	s23 =	sadd.s32 s21, s28;
	v17 =	vld [tilespmem:s1+$0x8630]  }
0x1e2: {  	v18 =	vld [tilespmem:s23+$0x8680]  }
0x1e3: {  	v19 =	vld [tilespmem:s23+$0x8690]  }
0x1e4: {  	v20 =	vld [tilespmem:s23+$0x86A0]  }
0x1e5: {  	s30 =	sadd.s32 s21, s29;
	v21 =	vld [tilespmem:s23+$0x86B0]  }
0x1e6: {  	s4 =	sadd.s32 s21, s9;
	v24 =	vld [tilespmem:s30+$0x8790]  }
0x1e7: {  	v26 =	vld [tilespmem:s4+$0x8710]  }
0x1e8: {  	v27 =	vld [tilespmem:s4+$0x8730]  }
0x1e9: {  	v0 =	vmax.f32 v4, v0;
	v29 =	vld [tilespmem:s30+$0x87B0];
	v6 =	vmax.f32 v6, v7  }
0x1ea: {  	v4 =	vld [tilespmem:s4+$0x8720];
	v6 =	vmax.f32 v6, v8;
	v2 =	vmax.f32 v2, v22;
	v0 =	vmax.f32 v0, v23  }
0x1eb: {  	v7 =	vld [tilespmem:s30+$0x8780];
	v1 =	vmax.f32 v1, v25;
	v6 =	vmax.f32 v6, v28;
	v2 =	vmax.f32 v2, v5  }
0x1ec: {  	v0 =	vmax.f32 v0, v13;
	v1 =	vmax.f32 v1, v3;
	v3 =	vld [tilespmem:s30+$0x87A0];
	v2 =	vmax.f32 v2, v11  }
0x1ed: {  	v5 =	vld [tilespmem:s4+$0x8700];
	v6 =	vmax.f32 v6, v15;
	v1 =	vmax.f32 v1, v12;
	v2 =	vmax.f32 v2, v14  }
0x1ee: {  	v0 =	vmax.f32 v0, v17;
	v11 =	vld [tilespmem:s24+$0x8830];
	v1 =	vmax.f32 v1, v16;
	v2 =	vmax.f32 v2, v19  }
0x1ef: {  	v8 =	vld [tilespmem:s24+$0x8800];
	v6 =	vmax.f32 v6, v18;
	v1 =	vmax.f32 v1, v20;
	v2 =	vmax.f32 v2, v26  }
0x1f0: {  	v0 =	vmax.f32 v0, v21;
	v1 =	vmax.f32 v1, v4;
	v2 =	vmax.f32 v2, v24  }
0x1f1: {  	v0 =	vmax.f32 v0, v27;
	v1 =	vmax.f32 v1, v3;
	v2 =	vmax.f32 v2, v10  }
0x1f2: {  	v0 =	vmax.f32 v0, v29;
	v5 =	vmax.f32 v6, v5;
	v1 =	vmax.f32 v1, v9;
	[tilespmem:$0x1EF90] =	vst v2  }
0x1f3: {  	v5 =	vmax.f32 v5, v7;
	v0 =	vmax.f32 v0, v11;
	[tilespmem:$0x1EFA0] =	vst v1  }
0x1f4: {  	v4 =	vmax.f32 v5, v8;
	[tilespmem:$0x1EFB0] =	vst v0  }
0x1f5: {  	[tilespmem:$0x1EF80] =	vst v4  }
0x1f6: {  	_ =	swait.ge [sflag:s16], $0x6400  }
0x1f7: {  	[sflag:s16] =	ssyncset.done $0x0  }
0x1f8: {  	s31 =	simm.s32 $0x0;
	[sflag:s16] =	ssyncadd.s32 $0xFFFF9C00  }
0x1f9: {  	v0 =	vld [tilespmem:s31+$0x83F8];
	_ =	sdelay $0x4  }
0x1fa: {  	(v2sf) =	vpush v0, $0x0;
	_ =	sdelay $0xd  }
0x1fb: {  	s1 =	simm.s32 $0x0  }
0x1fc: {  	s4 =	sand.u32 $0x18, s1;
	s9 =	spop (v2sf)  }
0x1fd: {  	s0 =	sshrl.u32 s9, s4  }
0x1fe: {  	s5 =	sor.u32 $0x1, s4;
	s0 =	sand.u32 $0x1, s0  }
0x1ff: {  	s12 =	simm.s32 $0x0;
	s5 =	sshrl.u32 s9, s5;
	s0 =	sshll.u32 s0, $0x6  }
0x200: {  	v5 =	vld [tilespmem:s12+$0x83F8];
	s5 =	sand.u32 $0x1, s5;
	s6 =	sadd.s32 $0x0, s0  }
0x201: {  	s18 =	sor.u32 $0x3, s4;
	s23 =	sor.u32 $0x4, s4;
	s26 =	sshll.u32 s5, $0x6;
	v0 =	vld [tilespmem:s6+$0xE8B0]  }
0x202: {  	s22 =	sshrl.u32 s9, s18;
	s18 =	sshrl.u32 s9, s23;
	s31 =	sadd.s32 $0x0, s26;
	v1 =	vld [tilespmem:s6+$0xE880]  }
0x203: {  	s18 =	sand.u32 $0x1, s18;
	v2 =	vld [tilespmem:s31+$0xE900]  }
0x204: {  	s18 =	sshll.u32 s18, $0x6;
	v3 =	vld [tilespmem:s31+$0xE910]  }
0x205: {  	s24 =	sadd.s32 $0x0, s18;
	v4 =	vld [tilespmem:s31+$0xE920]  }
0x206: {  	v47 =	vld [tilespmem:s24+$0xEA80]  }
0x207: {  	v48 =	vld [tilespmem:s24+$0xEA90]  }
0x208: {  	s1 =	sor.u32 $0x5, s4;
	v49 =	vld [tilespmem:s24+$0xEAA0]  }
0x209: {  	s1 =	sshrl.u32 s9, s1;
	v50 =	vld [tilespmem:s24+$0xEAB0]  }
0x20a: {  	s1 =	sand.u32 $0x1, s1;
	v51 =	vld [tilespmem:s6+$0xE890]  }
0x20b: {  	(v2sf) =	vpush v5, $0x0;
	s1 =	sshll.u32 s1, $0x6;
	v52 =	vld [tilespmem:s31+$0xE930]  }
0x20c: {  	s30 =	sor.u32 $0x7, s4;
	s1 =	sadd.s32 $0x0, s1;
	v54 =	vld [tilespmem:s6+$0xE8A0]  }
0x20d: {  	s21 =	sor.u32 $0x2, s4;
	s5 =	sshrl.u32 s9, s30;
	v55 =	vld [tilespmem:s1+$0xEB10]  }
0x20e: {  	s0 =	sshrl.u32 s9, s21;
	s5 =	sand.u32 $0x1, s5;
	v56 =	vld [tilespmem:s1+$0xEB30]  }
0x20f: {  	s0 =	sand.u32 $0x1, s0;
	s5 =	sshll.u32 s5, $0x6;
	v60 =	vld [tilespmem:s1+$0xEB20]  }
0x210: {  	v63 =	vld [tilespmem:s1+$0xEB00];
	s20 =	sshll.u32 s0, $0x6;
	s0 =	sadd.s32 $0x0, s5  }
0x211: {  	v9 =	vld [tilespmem:s0+$0xEC10]  }
0x212: {  	s5 =	sand.u32 $0x1, s22;
	s12 =	sadd.s32 $0x0, s20;
	v58 =	vld [tilespmem:s0+$0xEC30]  }
0x213: {  	s5 =	sshll.u32 s5, $0x6;
	v6 =	vld [tilespmem:s12+$0xE990]  }
0x214: {  	v8 =	vld [tilespmem:s12+$0xE9B0];
	s5 =	sadd.s32 $0x0, s5  }
0x215: {  	s25 =	sor.u32 $0x6, s4;
	v10 =	vld [tilespmem:s5+$0xEA10]  }
0x216: {  	s18 =	sshrl.u32 s9, s25;
	v5 =	vld [tilespmem:s5+$0xEA00]  }
0x217: {  	s18 =	sand.u32 $0x1, s18;
	s20 =	simm.s32 $0x8;
	v11 =	vld [tilespmem:s5+$0xEA20]  }
0x218: {  	s21 =	simm.s32 $0x400;
	s26 =	sshll.u32 s18, $0x6;
	v46 =	vld [tilespmem:s5+$0xEA30];
	s5 =	sand.u32 $0x18, s20  }
0x219: {  	s22 =	simm.s32 $0x2000;
	s4 =	sadd.s32 $0x0, s26;
	v62 =	vld [tilespmem:s12+$0xE980];
	s30 =	sor.u32 $0x2, s5  }
0x21a: {  	v59 =	vimm.f32 $-Inf;
	v7 =	vld [tilespmem:s12+$0xE9A0];
	s31 =	sor.u32 $0x1, s5;
	s23 =	sor.u32 $0x3, s5;
	s9 =	spop (v2sf)  }
0x21b: {  	v53 =	vld [tilespmem:s4+$0xEB90];
	v17 =	vmax.f32 v59, v51;
	s25 =	sor.u32 $0x7, s5;
	s6 =	sshrl.u32 s9, s30;
	s26 =	sshrl.u32 s9, s5  }
0x21c: {  	v57 =	vld [tilespmem:s4+$0xEBB0];
	v1 =	vmax.f32 v59, v1;
	v0 =	vmax.f32 v59, v0;
	v3 =	vmax.f32 v17, v3;
	s23 =	sshrl.u32 s9, s23;
	s24 =	sshrl.u32 s9, s25;
	s18 =	sshrl.u32 s9, s31  }
0x21d: {  	v61 =	vld [tilespmem:s4+$0xEBA0];
	v1 =	vmax.f32 v1, v2;
	v0 =	vmax.f32 v0, v52;
	v2 =	vmax.f32 v3, v6;
	s30 =	sor.u32 $0x4, s5;
	s12 =	sand.u32 $0x1, s23;
	s23 =	sor.u32 $0x6, s5  }
0x21e: {  	v3 =	vld [tilespmem:s0+$0xEC20];
	v0 =	vmax.f32 v0, v8;
	v6 =	vmax.f32 v59, v54;
	v1 =	vmax.f32 v1, v62;
	s25 =	sand.u32 $0x1, s26;
	s18 =	sand.u32 $0x1, s18;
	s31 =	sshrl.u32 s9, s30  }
0x21f: {  	v2 =	vmax.f32 v2, v10;
	v10 =	vld [tilespmem:s4+$0xEB80];
	v0 =	vmax.f32 v0, v46;
	v4 =	vmax.f32 v6, v4;
	s30 =	sand.u32 $0x1, s6;
	s25 =	sshll.u32 s25, $0x6;
	s18 =	sshll.u32 s18, $0x6  }
0x220: {  	v6 =	vld [tilespmem:s0+$0xEC00];
	v1 =	vmax.f32 v1, v5;
	v0 =	vmax.f32 v0, v50;
	v4 =	vmax.f32 v4, v7;
	s4 =	sand.u32 $0x1, s31;
	s23 =	sshrl.u32 s9, s23;
	s25 =	sadd.s32 $0x400, s25  }
0x221: {  	v2 =	vmax.f32 v2, v48;
	v8 =	vmax.f32 v0, v56;
	v4 =	vmax.f32 v4, v11;
	s1 =	sshll.u32 s12, $0x6;
	s28 =	sshll.u32 s4, $0x6;
	s0 =	sand.u32 $0x1, s23;
	v0 =	vld [tilespmem:s25+$0xE8B0]  }
0x222: {  	v1 =	vmax.f32 v1, v47;
	v2 =	vmax.f32 v2, v55;
	v4 =	vmax.f32 v4, v49;
	s4 =	sand.u32 $0x1, s24;
	s26 =	sadd.s32 $0x400, s18;
	s24 =	sor.u32 $0x5, s5;
	v7 =	vld [tilespmem:s25+$0xE880]  }
0x223: {  	v2 =	vmax.f32 v2, v53;
	v11 =	vmax.f32 v8, v57;
	v4 =	vmax.f32 v4, v60;
	s23 =	simm.s32 $0x2;
	s29 =	sshll.u32 s0, $0x6;
	v8 =	vld [tilespmem:s26+$0xE900];
	s0 =	sshrl.u32 s9, s24  }
0x224: {  	v12 =	vmax.f32 v1, v63;
	v2 =	vmax.f32 v2, v9;
	v9 =	vmax.f32 v4, v61;
	s5 =	sshll.u32 s30, $0x6;
	v5 =	vld [tilespmem:s26+$0xE910];
	s4 =	sshll.u32 s4, $0x6;
	s31 =	sand.u32 $0x1, s0  }
0x225: {  	v4 =	vmax.f32 v11, v58;
	v1 =	vmax.f32 v9, v3;
	v3 =	vld [tilespmem:s26+$0xE920];
	v9 =	vmax.f32 v12, v10;
	s0 =	sadd.s32 $0x400, s5;
	s24 =	sadd.s32 $0x400, s4;
	s9 =	sshll.u32 s31, $0x6  }
.LBB2_12:
0x226: {  	s4 =	sshrl.u32 s23, $0x2  }
0x227: {  	p0 =	sne.s32 s22, $0x18000;
	v10 =	vld [tilespmem:s24+$0xEC10];
	v6 =	vmax.f32 v9, v6;
	s5 =	smov.u32 s22;
	s22 =	sadd.s32 $0x1000, s22  }
0x228: {  	v9 =	vld [tilespmem:s4+$0x83F8];
	v6 =	vmax.f32 v6, v7  }
0x229: {  	v8 =	vmax.f32 v6, v8;
	v6 =	vld [tilespmem:s0+$0xE990]  }
0x22a: {  	v7 =	vld [tilespmem:s0+$0xE9A0]  }
0x22b: {  	s1 =	sadd.s32 s21, s1;
	v11 =	vld [tilespmem:s0+$0xE9B0]  }
0x22c: {  	v12 =	vld [tilespmem:s1+$0xEA10]  }
0x22d: {  	(v2sf) =	vpush v9, $0x0;
	v9 =	vld [tilespmem:s1+$0xEA00]  }
0x22e: {  	v13 =	vld [tilespmem:s1+$0xEA20]  }
0x22f: {  	v14 =	vld [tilespmem:s1+$0xEA30];
	s1 =	sadd.s32 s21, s28  }
0x230: {  	v15 =	vld [tilespmem:s1+$0xEA80]  }
0x231: {  	v16 =	vld [tilespmem:s1+$0xEA90]  }
0x232: {  	v17 =	vld [tilespmem:s1+$0xEAA0]  }
0x233: {  	v18 =	vld [tilespmem:s1+$0xEAB0]  }
0x234: {  	v19 =	vld [tilespmem:s25+$0xE890]  }
0x235: {  	s4 =	sadd.s32 s21, s29;
	v20 =	vld [tilespmem:s26+$0xE930]  }
0x236: {  	v21 =	vld [tilespmem:s4+$0xEB90]  }
0x237: {  	s1 =	sadd.s32 s21, s9;
	v22 =	vld [tilespmem:s25+$0xE8A0]  }
0x238: {  	v23 =	vld [tilespmem:s1+$0xEB10]  }
0x239: {  	v0 =	vmax.f32 v4, v0;
	s20 =	sadd.s32 $0x8, s20;
	v2 =	vmax.f32 v2, v19;
	v4 =	vld [tilespmem:s1+$0xEB30]  }
0x23a: {  	s9 =	sand.u32 $0x18, s20;
	v2 =	vmax.f32 v2, v5;
	v0 =	vmax.f32 v0, v20;
	v5 =	vld [tilespmem:s4+$0xEBB0]  }
0x23b: {  	s21 =	sshra.s32 s5, $0x2;
	s5 =	sor.u32 $0x1, s9;
	v2 =	vmax.f32 v2, v6;
	v0 =	vmax.f32 v0, v11;
	v6 =	vld [tilespmem:s24+$0xEC30]  }
0x23c: {  	s6 =	sor.u32 $0x2, s9;
	s18 =	sor.u32 $0x3, s9;
	s12 =	spop (v2sf);
	v1 =	vmax.f32 v1, v22;
	v2 =	vmax.f32 v2, v12;
	v0 =	vmax.f32 v0, v14;
	v11 =	vld [tilespmem:s1+$0xEB20]  }
0x23d: {  	s28 =	sor.u32 $0x6, s9;
	s25 =	sor.u32 $0x7, s9;
	s6 =	sshrl.u32 s12, s6;
	v1 =	vmax.f32 v1, v3;
	v2 =	vmax.f32 v2, v16;
	v0 =	vmax.f32 v0, v18;
	v3 =	vld [tilespmem:s4+$0xEBA0]  }
0x23e: {  	s26 =	sshrl.u32 s12, s9;
	s18 =	sshrl.u32 s12, s18;
	s29 =	sshrl.u32 s12, s25;
	v1 =	vmax.f32 v1, v7;
	v2 =	vmax.f32 v2, v23;
	v0 =	vmax.f32 v0, v4;
	v7 =	vld [tilespmem:s24+$0xEC20]  }
0x23f: {  	s5 =	sshrl.u32 s12, s5;
	s18 =	sand.u32 $0x1, s18;
	v12 =	vld [tilespmem:s0+$0xE980];
	v1 =	vmax.f32 v1, v13;
	v2 =	vmax.f32 v2, v21;
	v0 =	vmax.f32 v0, v5;
	s0 =	sand.u32 $0x1, s26  }
0x240: {  	s25 =	sor.u32 $0x4, s9;
	s5 =	sand.u32 $0x1, s5;
	v1 =	vmax.f32 v1, v17;
	v13 =	vld [tilespmem:s4+$0xEB80];
	v2 =	vmax.f32 v2, v10;
	v4 =	vmax.f32 v0, v6;
	s0 =	sshll.u32 s0, $0x6  }
0x241: {  	s4 =	sshll.u32 s5, $0x6;
	s5 =	sshrl.u32 s12, s25;
	v0 =	vmax.f32 v1, v11;
	v6 =	vld [tilespmem:s24+$0xEC00];
	s25 =	sadd.s32 s21, s0  }
0x242: {  	s0 =	sand.u32 $0x1, s5;
	s5 =	sshrl.u32 s12, s28;
	s26 =	sadd.s32 s21, s4;
	v10 =	vld [tilespmem:s1+$0xEB00];
	v1 =	vmax.f32 v0, v3  }
0x243: {  	s28 =	sshll.u32 s0, $0x6;
	s0 =	sand.u32 $0x1, s5;
	s5 =	sand.u32 $0x1, s29;
	v0 =	vld [tilespmem:s25+$0xE8B0];
	v1 =	vmax.f32 v1, v7  }
.Ltmp5:
0x244: {  	s1 =	sshll.u32 s18, $0x6;
	s29 =	sshll.u32 s0, $0x6;
	v7 =	vld [tilespmem:s25+$0xE880];
	v3 =	vmax.f32 v8, v12;
	(pc) =	sbr.rel @p0 .LBB2_12-.Ltmp5, $4  }
0x245: {  	s0 =	sor.u32 $0x5, s9;
	v8 =	vld [tilespmem:s26+$0xE900];
	v3 =	vmax.f32 v3, v9  }
0x246: {  	s23 =	sadd.s32 $0x1, s23;
	s4 =	sand.u32 $0x1, s6;
	s0 =	sshrl.u32 s12, s0;
	v5 =	vld [tilespmem:s26+$0xE910];
	v9 =	vmax.f32 v3, v15  }
0x247: {  	s4 =	sshll.u32 s4, $0x6;
	s5 =	sshll.u32 s5, $0x6;
	s6 =	sand.u32 $0x1, s0;
	v3 =	vld [tilespmem:s26+$0xE920];
	v9 =	vmax.f32 v9, v10  }
0x248: {  	s24 =	sadd.s32 s21, s5;
	s0 =	sadd.s32 s21, s4;
	s9 =	sshll.u32 s6, $0x6;
	v9 =	vmax.f32 v9, v13  }
0x249: {  	v10 =	vld [tilespmem:s24+$0xEC10]  }
0x24a: {  	v11 =	vld [tilespmem:s0+$0xE990]  }
0x24b: {  	v12 =	vld [tilespmem:s0+$0xE9A0]  }
0x24c: {  	v13 =	vld [tilespmem:s0+$0xE9B0]  }
0x24d: {  	v22 =	vld [tilespmem:s25+$0xE890]  }
0x24e: {  	v23 =	vld [tilespmem:s26+$0xE930]  }
0x24f: {  	v25 =	vld [tilespmem:s25+$0xE8A0]  }
0x250: {  	v28 =	vld [tilespmem:s0+$0xE980]  }
0x251: {  	v59 =	vld [tilespmem:s24+$0xEC00]  }
0x252: {  	s1 =	sadd.s32 s21, s1;
	v62 =	vld [tilespmem:s24+$0xEC30]  }
0x253: {  	v14 =	vld [tilespmem:s1+$0xEA10]  }
0x254: {  	v15 =	vld [tilespmem:s1+$0xEA00]  }
0x255: {  	v16 =	vld [tilespmem:s1+$0xEA20]  }
0x256: {  	s28 =	sadd.s32 s21, s28;
	v17 =	vld [tilespmem:s1+$0xEA30]  }
0x257: {  	v18 =	vld [tilespmem:s28+$0xEA80]  }
0x258: {  	v19 =	vld [tilespmem:s28+$0xEA90]  }
0x259: {  	v20 =	vld [tilespmem:s28+$0xEAA0]  }
0x25a: {  	s29 =	sadd.s32 s21, s29;
	v21 =	vld [tilespmem:s28+$0xEAB0]  }
0x25b: {  	s4 =	sadd.s32 s21, s9;
	v24 =	vld [tilespmem:s29+$0xEB90]  }
0x25c: {  	v6 =	vmax.f32 v9, v6;
	v26 =	vld [tilespmem:s4+$0xEB10]  }
0x25d: {  	v0 =	vmax.f32 v4, v0;
	v27 =	vld [tilespmem:s4+$0xEB30];
	v6 =	vmax.f32 v6, v7  }
0x25e: {  	v57 =	vld [tilespmem:s4+$0xEB00];
	v6 =	vmax.f32 v6, v8;
	v2 =	vmax.f32 v2, v22;
	v0 =	vmax.f32 v0, v23  }
0x25f: {  	v58 =	vld [tilespmem:s29+$0xEB80];
	v1 =	vmax.f32 v1, v25;
	v6 =	vmax.f32 v6, v28;
	v2 =	vmax.f32 v2, v5  }
0x260: {  	v29 =	vld [tilespmem:s29+$0xEBB0];
	v0 =	vmax.f32 v0, v13;
	v1 =	vmax.f32 v1, v3;
	v6 =	vmax.f32 v6, v15  }
0x261: {  	v56 =	vld [tilespmem:s4+$0xEB20];
	v2 =	vmax.f32 v2, v11;
	v0 =	vmax.f32 v0, v17;
	v1 =	vmax.f32 v1, v12  }
0x262: {  	v60 =	vld [tilespmem:s29+$0xEBA0];
	v6 =	vmax.f32 v6, v18;
	v2 =	vmax.f32 v2, v14;
	v0 =	vmax.f32 v0, v21  }
0x263: {  	v61 =	vld [tilespmem:s24+$0xEC20];
	v1 =	vmax.f32 v1, v16;
	v5 =	vmax.f32 v6, v57;
	v2 =	vmax.f32 v2, v19  }
0x264: {  	v1 =	vmax.f32 v1, v20;
	v5 =	vmax.f32 v5, v58;
	v0 =	vmax.f32 v0, v27  }
0x265: {  	v2 =	vmax.f32 v2, v26;
	v63 =	vmax.f32 v5, v59;
	v0 =	vmax.f32 v0, v29  }
0x266: {  	v1 =	vmax.f32 v1, v56;
	v2 =	vmax.f32 v2, v24;
	[tilespmem:$0x1F000] =	vst v63;
	v0 =	vmax.f32 v0, v62  }
0x267: {  	s19 =	sadd.s32 $0x1, s19;
	v1 =	vmax.f32 v1, v60;
	v2 =	vmax.f32 v2, v10;
	[tilespmem:$0x1F030] =	vst v0  }
0x268: {  	p0 =	sne.s32 s19, s7;
	v1 =	vmax.f32 v1, v61;
	[tilespmem:$0x1F010] =	vst v2  }
.Ltmp6:
0x269: {  	s30 =	rddreg [dreg:$0x5];
	s31 =	simm.s32 $0x1B080;
	[tilespmem:$0x1F020] =	vst v1;
	(pc) =	sbr.rel @p0 .LBB2_1-.Ltmp6, $4  }
0x26a: {  	[hbm4b:s30+s2] =	stream.linear.scatter [tilespmem:s31], [sflag:$0x4], $0x4000, $0x38;
	[tilespmem:$0x1F080] =	vst v63  }
0x26b: {  	_ =	swait.ge [sflag:s8], $0x4000  }
0x26c: {  	[sflag:s8] =	ssyncset.done $0x0  }
0x26d: {  	[sflag:s8] =	ssyncadd.s32 $0xFFFFC000  }
0x26e: {  	_ =	sfence.sel $0x180000  }
0x26f: {  	[bflag:$0x0] =	sbarrier.arrive $0xFFFF  }
0x270: {  	_ =	strace $0x90000047  }
0x271: {  	s0 =	stileid.u32;
	[bflag:$0x2] =	sbarrier.arrive $0xFFFF  }
0x272: {  	p0 =	sne.s32 s0, $0x0;
	s0 =	rddreg [dreg:$0x2]  }
0x273: {  	s0 =	sadd.s32 @!p0 $0x100000, s0  }
0x274: {  	[sflag:s0] =	ssyncadd.tile.s32 @!p0 $0x1;
	_ =	shalt  }
.Lfunc_end2:
_tile_overlayer_lowered:
.L_overlay_start_2:
0x275: {  	(tag) =	ssettag $0x2  }
0x276: {  	s0 =	rddreg [dreg:$0x0];
	s2 =	stileid.u32  }
0x277: {  	s1 =	rddreg [dreg:$0x1];
	p0 =	sne.s32 s2, $0x0  }
0x278: {  	s3 =	rddreg [dreg:$0x2];
	[bflag:$0x3] =	sbarrier.arrive $0xFFFF;
	s2 =	simm.s32 @!p0 $0x1C04  }
0x279: {  	[timem:s3], [sflag:s2] =	dma.local @!p0 [hbm:s0], s1  }
0x27a: {  	s0 =	simm.s32 @!p0 $0x4  }
0x27b: {  	_ =	swait.ge @!p0 [sflag:s0], s1  }
0x27c: {  	s1 =	ssub.s32 @!p0 $0x0, s1;
	[sflag:s0] =	ssyncset.done @!p0 $0x0  }
0x27d: {  	[sflag:s0] =	ssyncadd.s32 @!p0 s1  }
0x27e: {  	[bflag:$0x3] =	sbarrier.arrive $0xFFFF  }
0x27f: {  	_ =	shalt  }

</sc_bundles>
